<compile_context>
chip_gen: v7x
topology: tpu7x:2x2x1
jax: 0.10.2.dev20260603
libtpu: 0.0.44.dev20260713+nightly
codegen_flags: <defaults>
</compile_context>

<pallas_src>
import functools

import jax
import jax.numpy as jnp
from jax import lax
from jax.experimental import pallas as pl
from jax.experimental.pallas import tpu as pltpu
from jax.experimental.pallas import tpu_sc as plsc

N = 10000
E = 320000
NC, NS = 2, 16
NW = NC * NS
EW = E // NW
CH = 80
NCHUNK = EW // CH
NP = 10240
RPT = NP // NS
DEGW = 128

_sc_mesh = plsc.VectorSubcoreMesh(
    core_axis_name="c", subcore_axis_name="s", num_cores=NC, num_subcores=NS)



@functools.partial(
    pl.kernel,
    out_type=jax.ShapeDtypeStruct((NC, NP, DEGW), jnp.float32),
    mesh=_sc_mesh,
    scratch_types=[
        pltpu.VMEM((NCHUNK, CH), jnp.int32),
        pltpu.VMEM((CH, DEGW), jnp.float32),
        pltpu.VMEM_SHARED((NP, DEGW), jnp.float32),
        pltpu.SemaphoreType.DMA,
        pltpu.SemaphoreType.DMA,
    ],
)
def _sc_degree(dst_hbm, ones_hbm, zeros_hbm, out_hbm, didx, ones_v, acc,
               sem0, sem1):
    cid = lax.axis_index("c")
    sid = lax.axis_index("s")
    wid = cid * NS + sid
    r0 = pl.multiple_of(sid * RPT, 8)
    a0 = pltpu.async_copy(ones_hbm, ones_v, sem0)
    a1 = pltpu.async_copy(dst_hbm.at[wid], didx, sem1)
    pltpu.sync_copy(zeros_hbm.at[pl.ds(r0, RPT)], acc.at[pl.ds(r0, RPT)])
    a0.wait()
    a1.wait()
    plsc.subcore_barrier()

    pltpu.async_copy(ones_v, acc.at[didx.at[0]], sem0, add=True)
    pltpu.async_copy(ones_v, acc.at[didx.at[1]], sem1, add=True)

    def pair(j, carry):
        c0 = j * 2
        pltpu.make_async_copy(ones_v, acc.at[didx.at[c0]], sem0).wait()
        pltpu.async_copy(ones_v, acc.at[didx.at[c0 + 2]], sem0, add=True)
        pltpu.make_async_copy(ones_v, acc.at[didx.at[c0 + 1]], sem1).wait()
        pltpu.async_copy(ones_v, acc.at[didx.at[c0 + 3]], sem1, add=True)
        return carry

    lax.fori_loop(0, (NCHUNK - 3) // 2, pair, 0)
    pltpu.make_async_copy(ones_v, acc.at[didx.at[NCHUNK - 3]], sem0).wait()
    pltpu.async_copy(ones_v, acc.at[didx.at[NCHUNK - 1]], sem0, add=True)
    pltpu.make_async_copy(ones_v, acc.at[didx.at[NCHUNK - 2]], sem1).wait()
    pltpu.make_async_copy(ones_v, acc.at[didx.at[NCHUNK - 1]], sem0).wait()
    plsc.subcore_barrier()
    pltpu.sync_copy(acc.at[pl.ds(r0, RPT)], out_hbm.at[cid, pl.ds(r0, RPT)])


@functools.partial(
    pl.kernel,
    out_type=jax.ShapeDtypeStruct((NC, NP, 128), jnp.float32),
    mesh=_sc_mesh,
    scratch_types=[
        pltpu.VMEM((EW,), jnp.int32),
        pltpu.VMEM((NCHUNK, CH), jnp.int32),
        pltpu.VMEM((CH, 128), jnp.float32),
        pltpu.VMEM((CH, 128), jnp.float32),
        pltpu.VMEM_SHARED((NP, 128), jnp.float32),
        pltpu.SemaphoreType.DMA,
        pltpu.SemaphoreType.DMA,
    ],
)
def _sc_spass(src_hbm, dst_hbm, ytab_hbm, zeros_hbm, out_hbm,
              sidx, didx, rows0, rows1, acc, sem0, sem1):
    cid = lax.axis_index("c")
    sid = lax.axis_index("s")
    wid = cid * NS + sid
    r0 = pl.multiple_of(sid * RPT, 8)
    a0 = pltpu.async_copy(src_hbm.at[pl.ds(wid * EW, EW)], sidx, sem0)
    a1 = pltpu.async_copy(dst_hbm.at[wid], didx, sem1)
    last = NS - 1
    ylast = N - last * RPT

    @pl.when(jnp.logical_and(cid == 0, sid < last))
    def _():
        pltpu.sync_copy(ytab_hbm.at[pl.ds(r0, RPT)], acc.at[pl.ds(r0, RPT)])

    @pl.when(jnp.logical_and(cid == 0, sid == last))
    def _():
        pltpu.sync_copy(ytab_hbm.at[pl.ds(r0, ylast)], acc.at[pl.ds(r0, ylast)])
        pltpu.sync_copy(zeros_hbm.at[pl.ds(N, NP - N)], acc.at[pl.ds(N, NP - N)])

    @pl.when(cid > 0)
    def _():
        pltpu.sync_copy(zeros_hbm.at[pl.ds(r0, RPT)], acc.at[pl.ds(r0, RPT)])

    a0.wait()
    a1.wait()
    plsc.subcore_barrier()

    def sgather(c, buf, sem):
        off = pl.multiple_of(c * CH, 8)
        return pltpu.async_copy(ytab_hbm.at[sidx.at[pl.ds(off, CH)]], buf, sem)

    def gwait(buf, sem):
        pltpu.make_async_copy(ytab_hbm.at[sidx.at[pl.ds(0, CH)]], buf, sem).wait()

    sgather(0, rows0, sem0)

    def pair(j, carry):
        c0 = j * 2
        sgather(c0 + 1, rows1, sem1)
        gwait(rows0, sem0)
        pltpu.sync_copy(rows0, acc.at[didx.at[c0]], add=True)
        sgather(c0 + 2, rows0, sem0)
        gwait(rows1, sem1)
        pltpu.sync_copy(rows1, acc.at[didx.at[c0 + 1]], add=True)
        return carry

    lax.fori_loop(0, (NCHUNK - 1) // 2, pair, 0)
    gwait(rows0, sem0)
    pltpu.sync_copy(rows0, acc.at[didx.at[NCHUNK - 1]], add=True)

    plsc.subcore_barrier()
    pltpu.sync_copy(acc.at[pl.ds(r0, RPT)], out_hbm.at[cid, pl.ds(r0, RPT)])


EW2 = E // NS
NCHUNK2 = EW2 // CH


@functools.partial(
    pl.kernel,
    out_type=jax.ShapeDtypeStruct((NC, NP, 128), jnp.float32),
    mesh=_sc_mesh,
    scratch_types=[
        pltpu.VMEM((EW2,), jnp.int32),
        pltpu.VMEM((8, CH), jnp.int32),
        pltpu.VMEM((8, CH), jnp.int32),
        pltpu.VMEM((CH, 128), jnp.float32),
        pltpu.VMEM((CH, 128), jnp.float32),
        pltpu.VMEM_SHARED((NP, 128), jnp.float32),
        pltpu.SemaphoreType.DMA,
        pltpu.SemaphoreType.DMA,
        pltpu.SemaphoreType.DMA,
        pltpu.SemaphoreType.DMA,
    ],
)
def _sc_spass2(src_hbm, dstf_hbm, y12_hbm, zeros_hbm, out_hbm,
               sidx, didx0, didx1, rows0, rows1, acc, g0, g1, d0, d1):
    cid = lax.axis_index("c")
    sid = lax.axis_index("s")
    r0 = pl.multiple_of(sid * RPT, 8)
    base = sid * EW2
    a0 = pltpu.async_copy(src_hbm.at[pl.ds(pl.multiple_of(base, 8), EW2)],
                          sidx, g0)
    last = NS - 1
    ylast = N - last * RPT

    @pl.when(sid < last)
    def _():
        pltpu.sync_copy(y12_hbm.at[cid, pl.ds(r0, RPT)], acc.at[pl.ds(r0, RPT)])

    @pl.when(sid == last)
    def _():
        pltpu.sync_copy(y12_hbm.at[cid, pl.ds(r0, ylast)],
                        acc.at[pl.ds(r0, ylast)])
        pltpu.sync_copy(zeros_hbm.at[pl.ds(N, NP - N)], acc.at[pl.ds(N, NP - N)])

    a0.wait()
    plsc.subcore_barrier()

    def unit(c, buf, gsem, dbuf, dsem):
        off = pl.multiple_of(c * CH, 8)
        pltpu.async_copy(dstf_hbm.at[pl.ds(pl.multiple_of(base + c * CH, 8), CH)],
                         dbuf.at[0], dsem)
        pltpu.async_copy(y12_hbm.at[cid].at[sidx.at[pl.ds(off, CH)]], buf, gsem)

    def uwait(buf, gsem, dbuf, dsem):
        pltpu.make_async_copy(y12_hbm.at[cid].at[sidx.at[pl.ds(0, CH)]],
                              buf, gsem).wait()
        pltpu.make_async_copy(dstf_hbm.at[pl.ds(0, CH)], dbuf.at[0], dsem).wait()

    unit(0, rows0, g0, didx0, d0)

    def pair(j, carry):
        c0 = j * 2
        unit(c0 + 1, rows1, g1, didx1, d1)
        uwait(rows0, g0, didx0, d0)
        pltpu.sync_copy(rows0, acc.at[didx0.at[0]], add=True)
        unit(c0 + 2, rows0, g0, didx0, d0)
        uwait(rows1, g1, didx1, d1)
        pltpu.sync_copy(rows1, acc.at[didx1.at[0]], add=True)
        return carry

    lax.fori_loop(0, (NCHUNK2 - 2) // 2, pair, 0)
    unit(NCHUNK2 - 1, rows1, g1, didx1, d1)
    uwait(rows0, g0, didx0, d0)
    pltpu.sync_copy(rows0, acc.at[didx0.at[0]], add=True)
    uwait(rows1, g1, didx1, d1)
    pltpu.sync_copy(rows1, acc.at[didx1.at[0]], add=True)

    plsc.subcore_barrier()
    pltpu.sync_copy(acc.at[pl.ds(r0, RPT)], out_hbm.at[cid, pl.ds(r0, RPT)])



ROWS = 1000


def _tc1_body(degp_ref, x_ref, dinv_ref, y0_ref):
    deg = 1.0 + degp_ref[0, :, 0:1] + degp_ref[1, :, 0:1]
    dinv = lax.rsqrt(deg)
    dinv_ref[...] = dinv
    y0_ref[...] = x_ref[...] * dinv


def _tc2_body(p_ref, dinv_ref, w1_ref, b1_ref, y12_ref):
    dinv = dinv_ref[...]
    agg = (p_ref[0] + p_ref[1]) * dinv
    h1 = jnp.dot(agg, w1_ref[...], preferred_element_type=jnp.float32)
    h1 = jnp.maximum(h1 + b1_ref[...], 0.0)
    y1 = h1 * dinv
    y12_ref[0] = y1[:, :128]
    y12_ref[1] = y1[:, 128:]


def _tc3_body(p2_ref, dinv_ref, w2_ref, b2_ref, w3_ref, y2_ref):
    dinv = dinv_ref[...]
    agg_a = p2_ref[0] * dinv
    agg_b = p2_ref[1] * dinv
    agg = jnp.concatenate([agg_a, agg_b], axis=1)
    h2 = jnp.dot(agg, w2_ref[...], preferred_element_type=jnp.float32)
    h2 = jnp.maximum(h2 + b2_ref[...], 0.0)
    g = jnp.dot(h2, w3_ref[...], preferred_element_type=jnp.float32)
    y2_ref[...] = g * dinv


def _tc4_body(p_ref, dinv_ref, b3_ref, wp_ref, bp_ref, out_ref):
    agg = (p_ref[0] + p_ref[1]) * dinv_ref[...]
    h3 = jnp.maximum(agg + b3_ref[...], 0.0)
    out = jnp.dot(h3, wp_ref[...], preferred_element_type=jnp.float32)
    out_ref[...] = out + bp_ref[...]


def _rowblk(d):
    return pl.BlockSpec((ROWS, d), lambda i: (i, 0))


def _partblk(d):
    return pl.BlockSpec((NC, ROWS, d), lambda i: (0, i, 0))


def _full(a, b):
    return pl.BlockSpec((a, b), lambda i: (0, 0))


def _tc_call(body, in_specs, out_specs, out_shape, *args):
    return pl.pallas_call(
        body,
        grid=(N // ROWS,),
        in_specs=in_specs,
        out_specs=out_specs,
        out_shape=out_shape,
    )(*args)



@jax.jit
def kernel(x, edge_index, W1, b1, W2, b2, W3, b3, Wp, bp):
    f32 = jnp.float32
    src = edge_index[0]
    dstf = edge_index[1]
    dst = dstf.reshape(NW, NCHUNK, CH)
    zeros128 = jnp.zeros((NP, 128), f32)
    zeros16 = jnp.zeros((NP, DEGW), f32)
    ones16 = jnp.ones((CH, DEGW), f32)
    b1r, b2r = b1.reshape(1, -1), b2.reshape(1, -1)
    b3r, bpr = b3.reshape(1, -1), bp.reshape(1, -1)

    degp = _sc_degree(dst, ones16, zeros16)

    dinv, y0 = _tc_call(
        _tc1_body,
        [_partblk(DEGW), _rowblk(128)],
        [_rowblk(1), _rowblk(128)],
        (jax.ShapeDtypeStruct((N, 1), f32), jax.ShapeDtypeStruct((N, 128), f32)),
        degp, x)

    p1 = _sc_spass(src, dst, y0, zeros128)

    y12 = _tc_call(
        _tc2_body,
        [_partblk(128), _rowblk(1), _full(128, 256), _full(1, 256)],
        pl.BlockSpec((2, ROWS, 128), lambda i: (0, i, 0)),
        jax.ShapeDtypeStruct((2, N, 128), f32),
        p1, dinv, W1, b1r)

    p2 = _sc_spass2(src, dstf, y12, zeros128)

    y2 = _tc_call(
        _tc3_body,
        [_partblk(128), _rowblk(1),
         _full(256, 256), _full(1, 256), _full(256, 128)],
        _rowblk(128),
        jax.ShapeDtypeStruct((N, 128), f32),
        p2, dinv, W2, b2r, W3)

    p3 = _sc_spass(src, dst, y2, zeros128)

    out = _tc_call(
        _tc4_body,
        [_partblk(128), _rowblk(1), _full(1, 128),
         _full(128, 128), _full(1, 128)],
        _rowblk(128),
        jax.ShapeDtypeStruct((N, 128), f32),
        p3, dinv, b3r, Wp, bpr)

    return out

# --- scband reference (transcript-rebuilt; emitter-appended) ---
"""Pipeline reference for scband-feature-predictor-19679540150445 (READ-ONLY COPY).

The authoritative reference and input builder live on the scoring server;
editing this copy changes nothing except your own understanding.
"""

import jax, jax.numpy as jnp
import numpy as np

N = 10000
E = 320000
D_IN = 128
D_H = 256
D_OUT = 128


def setup_inputs(seed: int = 0) -> dict:
    key = jax.random.key(seed)
    ks = jax.random.split(key, 12)

    def glorot(k, fan_in, fan_out):
        lim = float(np.sqrt(6.0 / (fan_in + fan_out)))
        return jax.random.uniform(k, (fan_in, fan_out), dtype=jnp.float32, minval=-lim, maxval=lim)

    x = jax.random.normal(ks[0], (N, D_IN), dtype=jnp.float32)
    edge_index = jax.random.randint(ks[1], (2, E), 0, N, dtype=jnp.int32)

    W1 = glorot(ks[2], D_IN, D_H)
    b1 = jnp.zeros((D_H,), dtype=jnp.float32)
    W2 = glorot(ks[3], D_H, D_H)
    b2 = jnp.zeros((D_H,), dtype=jnp.float32)
    W3 = glorot(ks[4], D_H, D_H // 2)
    b3 = jnp.zeros((D_H // 2,), dtype=jnp.float32)
    Wp = glorot(ks[5], D_H // 2, D_OUT)
    bp = jnp.zeros((D_OUT,), dtype=jnp.float32)

    return {"x": x, "edge_index": edge_index,
            "W1": W1, "b1": b1, "W2": W2, "b2": b2,
            "W3": W3, "b3": b3, "Wp": Wp, "bp": bp}


def _gcn_conv(x, src, dst, W, b):
    # Faithful PyG GCNConv: add self-loops, symmetric normalization D^-1/2 A_hat D^-1/2
    n = x.shape[0]
    loop = jnp.arange(n, dtype=src.dtype)
    s = jnp.concatenate([src, loop])
    d = jnp.concatenate([dst, loop])
    deg = jnp.zeros((n,), dtype=x.dtype).at[d].add(1.0)
    deg_inv_sqrt = jnp.where(deg > 0, jax.lax.rsqrt(jnp.maximum(deg, 1e-12)), 0.0)
    norm = deg_inv_sqrt[s] * deg_inv_sqrt[d]
    h = x @ W
    msgs = h[s] * norm[:, None]
    out = jnp.zeros((n, W.shape[1]), dtype=x.dtype).at[d].add(msgs)
    return out + b


def reference(x, edge_index, W1, b1, W2, b2, W3, b3, Wp, bp):
    src = edge_index[0]
    dst = edge_index[1]
    h = jax.nn.relu(_gcn_conv(x, src, dst, W1, b1))
    # dropout p=0.3 is identity in eval mode
    h = jax.nn.relu(_gcn_conv(h, src, dst, W2, b2))
    h = jax.nn.relu(_gcn_conv(h, src, dst, W3, b3))
    return h @ Wp + bp

if __name__ == "__main__":
    import jax
    _d = setup_inputs()
    print(jax.jit(kernel)(*tuple(_d.values())))

</pallas_src>

<mosaic_0001>
#map = affine_map<(d0, d1) -> (0)>
#map1 = affine_map<(d0, d1) -> (0, 0, 0)>
#map2 = affine_map<(d0, d1) -> (0, 0)>
module attributes {stable_mosaic.version = 14 : i64} {
  func.func @_sc_spass2(%arg0: i32, %arg1: i32, %arg2: memref<320000xi32, #tpu.memory_space<hbm>>, %arg3: memref<320000xi32, #tpu.memory_space<hbm>>, %arg4: memref<2x10000x128xf32, #tpu.memory_space<hbm>>, %arg5: memref<10240x128xf32, #tpu.memory_space<hbm>>, %arg6: memref<2x10240x128xf32, #tpu.memory_space<hbm>>, %arg7: memref<20000xi32, #tpu.memory_space<vmem>>, %arg8: memref<8x80xi32, #tpu.memory_space<vmem>>, %arg9: memref<8x80xi32, #tpu.memory_space<vmem>>, %arg10: memref<80x128xf32, #tpu.memory_space<vmem>>, %arg11: memref<80x128xf32, #tpu.memory_space<vmem>>, %arg12: memref<10240x128xf32, #tpu.memory_space<vmem_shared>>, %arg13: memref<!tpu.dma_semaphore, #tpu.memory_space<semaphore_mem>>, %arg14: memref<!tpu.dma_semaphore, #tpu.memory_space<semaphore_mem>>, %arg15: memref<!tpu.dma_semaphore, #tpu.memory_space<semaphore_mem>>, %arg16: memref<!tpu.dma_semaphore, #tpu.memory_space<semaphore_mem>>) attributes {dimension_semantics = [#tpu.dimension_semantics<core_parallel>, #tpu.dimension_semantics<subcore_parallel>], iteration_bounds = array<i64: 2, 16>, scalar_prefetch = 0 : i64, scratch_operands = 10 : i64, tpu.core_type = #tpu.core_type<sc_vector_subcore>, window_params = [{transform_indices = #map}, {transform_indices = #map}, {transform_indices = #map1}, {transform_indices = #map2}, {transform_indices = #map1}]} {
    %mul3A = arith.constant 640 : i32
    %mul3A_0 = arith.muli %arg1, %mul3A : i32
    %multiple_of3A = tpu.assume_multiple %mul3A_0, 8 : i32
    %mul3A_1 = arith.constant 20000 : i32
    %mul3A_2 = arith.muli %arg1, %mul3A_1 : i32
    %multiple_of3A_3 = tpu.assume_multiple %mul3A_2, 8 : i32
    %dma_start3A = tpu.memref_slice %arg2[%multiple_of3A_3] : memref<320000xi32, #tpu.memory_space<hbm>> -> memref<20000xi32, #tpu.memory_space<hbm>>
    %dma_start3A_4 = tpu.memref_slice %arg2[%multiple_of3A_3] : memref<320000xi32, #tpu.memory_space<hbm>> -> memref<20000xi32, #tpu.memory_space<hbm>>
    tpu.enqueue_dma source(%dma_start3A_4 : memref<20000xi32, #tpu.memory_space<hbm>>) target(%arg7 : memref<20000xi32, #tpu.memory_space<vmem>>) target_semaphore(%arg13 : memref<!tpu.dma_semaphore, #tpu.memory_space<semaphore_mem>>)
    %lt3A = arith.constant 15 : i32
    %lt3A_5 = arith.cmpi slt, %arg1, %lt3A : i32
    %convert_element_type3A = arith.extui %lt3A_5 : i1 to i32
    %cond3A = arith.constant 0 : i32
    %cond3A_6 = arith.cmpi ne, %convert_element_type3A, %cond3A : i32
    scf.if %cond3A_6 {
      "tpu.region"() ({
        %run_scoped3A_102 = tpu.sem_alloc : memref<!tpu.dma_semaphore, #tpu.memory_space<semaphore_mem>>
        %dma_start3A_103 = arith.constant 0 : i32
        %dma_start3A_104 = tpu.memref_slice %arg12[%multiple_of3A, %dma_start3A_103] : memref<10240x128xf32, #tpu.memory_space<vmem_shared>> -> memref<640x128xf32, #tpu.memory_space<vmem_shared>>
        %dma_start3A_105 = arith.constant 0 : i32
        %dma_start3A_106 = tpu.memref_slice %arg4[%arg0, %multiple_of3A, %dma_start3A_105] : memref<2x10000x128xf32, #tpu.memory_space<hbm>> -> memref<1x640x128xf32, #tpu.memory_space<hbm>>
        %dma_start3A_107 = tpu.memref_squeeze %dma_start3A_106 : memref<1x640x128xf32, #tpu.memory_space<hbm>> -> memref<640x128xf32, #tpu.memory_space<hbm>>
        tpu.enqueue_dma source(%dma_start3A_107 : memref<640x128xf32, #tpu.memory_space<hbm>>) target(%dma_start3A_104 : memref<640x128xf32, #tpu.memory_space<vmem_shared>>) target_semaphore(%run_scoped3A_102 : memref<!tpu.dma_semaphore, #tpu.memory_space<semaphore_mem>>)
        %dma_wait3A_108 = arith.constant 0 : i32
        %dma_wait3A_109 = tpu.memref_slice %arg12[%multiple_of3A, %dma_wait3A_108] : memref<10240x128xf32, #tpu.memory_space<vmem_shared>> -> memref<640x128xf32, #tpu.memory_space<vmem_shared>>
        %dma_wait3A_110 = arith.constant 0 : i32
        %dma_wait3A_111 = tpu.memref_slice %arg4[%arg0, %multiple_of3A, %dma_wait3A_110] : memref<2x10000x128xf32, #tpu.memory_space<hbm>> -> memref<1x640x128xf32, #tpu.memory_space<hbm>>
        %dma_wait3A_112 = tpu.memref_squeeze %dma_wait3A_111 : memref<1x640x128xf32, #tpu.memory_space<hbm>> -> memref<640x128xf32, #tpu.memory_space<hbm>>
        tpu.wait_dma2 semaphore(%run_scoped3A_102 : memref<!tpu.dma_semaphore, #tpu.memory_space<semaphore_mem>>) src(%dma_wait3A_112 : memref<640x128xf32, #tpu.memory_space<hbm>>) dst(%dma_wait3A_109 : memref<640x128xf32, #tpu.memory_space<vmem_shared>>)
        tpu.yield
      }) : () -> ()
    } else {
    }
    %eq3A = arith.constant 15 : i32
    %eq3A_7 = arith.cmpi eq, %arg1, %eq3A : i32
    %convert_element_type3A_8 = arith.extui %eq3A_7 : i1 to i32
    %cond3A_9 = arith.constant 0 : i32
    %cond3A_10 = arith.cmpi ne, %convert_element_type3A_8, %cond3A_9 : i32
    scf.if %cond3A_10 {
      "tpu.region"() ({
        %run_scoped3A_102 = tpu.sem_alloc : memref<!tpu.dma_semaphore, #tpu.memory_space<semaphore_mem>>
        %dma_start3A_103 = arith.constant 0 : i32
        %dma_start3A_104 = tpu.memref_slice %arg12[%multiple_of3A, %dma_start3A_103] : memref<10240x128xf32, #tpu.memory_space<vmem_shared>> -> memref<400x128xf32, #tpu.memory_space<vmem_shared>>
        %dma_start3A_105 = arith.constant 0 : i32
        %dma_start3A_106 = tpu.memref_slice %arg4[%arg0, %multiple_of3A, %dma_start3A_105] : memref<2x10000x128xf32, #tpu.memory_space<hbm>> -> memref<1x400x128xf32, #tpu.memory_space<hbm>>
        %dma_start3A_107 = tpu.memref_squeeze %dma_start3A_106 : memref<1x400x128xf32, #tpu.memory_space<hbm>> -> memref<400x128xf32, #tpu.memory_space<hbm>>
        tpu.enqueue_dma source(%dma_start3A_107 : memref<400x128xf32, #tpu.memory_space<hbm>>) target(%dma_start3A_104 : memref<400x128xf32, #tpu.memory_space<vmem_shared>>) target_semaphore(%run_scoped3A_102 : memref<!tpu.dma_semaphore, #tpu.memory_space<semaphore_mem>>)
        %dma_wait3A_108 = arith.constant 0 : i32
        %dma_wait3A_109 = tpu.memref_slice %arg12[%multiple_of3A, %dma_wait3A_108] : memref<10240x128xf32, #tpu.memory_space<vmem_shared>> -> memref<400x128xf32, #tpu.memory_space<vmem_shared>>
        %dma_wait3A_110 = arith.constant 0 : i32
        %dma_wait3A_111 = tpu.memref_slice %arg4[%arg0, %multiple_of3A, %dma_wait3A_110] : memref<2x10000x128xf32, #tpu.memory_space<hbm>> -> memref<1x400x128xf32, #tpu.memory_space<hbm>>
        %dma_wait3A_112 = tpu.memref_squeeze %dma_wait3A_111 : memref<1x400x128xf32, #tpu.memory_space<hbm>> -> memref<400x128xf32, #tpu.memory_space<hbm>>
        tpu.wait_dma2 semaphore(%run_scoped3A_102 : memref<!tpu.dma_semaphore, #tpu.memory_space<semaphore_mem>>) src(%dma_wait3A_112 : memref<400x128xf32, #tpu.memory_space<hbm>>) dst(%dma_wait3A_109 : memref<400x128xf32, #tpu.memory_space<vmem_shared>>)
        tpu.yield
      }) : () -> ()
      "tpu.region"() ({
        %run_scoped3A_102 = tpu.sem_alloc : memref<!tpu.dma_semaphore, #tpu.memory_space<semaphore_mem>>
        %dma_start3A_103 = arith.constant 10000 : i32
        %dma_start3A_104 = arith.constant 0 : i32
        %dma_start3A_105 = tpu.memref_slice %arg12[%dma_start3A_103, %dma_start3A_104] : memref<10240x128xf32, #tpu.memory_space<vmem_shared>> -> memref<240x128xf32, #tpu.memory_space<vmem_shared>>
        %dma_start3A_106 = arith.constant 10000 : i32
        %dma_start3A_107 = arith.constant 0 : i32
        %dma_start3A_108 = tpu.memref_slice %arg5[%dma_start3A_106, %dma_start3A_107] : memref<10240x128xf32, #tpu.memory_space<hbm>> -> memref<240x128xf32, #tpu.memory_space<hbm>>
        tpu.enqueue_dma source(%dma_start3A_108 : memref<240x128xf32, #tpu.memory_space<hbm>>) target(%dma_start3A_105 : memref<240x128xf32, #tpu.memory_space<vmem_shared>>) target_semaphore(%run_scoped3A_102 : memref<!tpu.dma_semaphore, #tpu.memory_space<semaphore_mem>>)
        %dma_wait3A_109 = arith.constant 10000 : i32
        %dma_wait3A_110 = arith.constant 0 : i32
        %dma_wait3A_111 = tpu.memref_slice %arg12[%dma_wait3A_109, %dma_wait3A_110] : memref<10240x128xf32, #tpu.memory_space<vmem_shared>> -> memref<240x128xf32, #tpu.memory_space<vmem_shared>>
        %dma_wait3A_112 = arith.constant 10000 : i32
        %dma_wait3A_113 = arith.constant 0 : i32
        %dma_wait3A_114 = tpu.memref_slice %arg5[%dma_wait3A_112, %dma_wait3A_113] : memref<10240x128xf32, #tpu.memory_space<hbm>> -> memref<240x128xf32, #tpu.memory_space<hbm>>
        tpu.wait_dma2 semaphore(%run_scoped3A_102 : memref<!tpu.dma_semaphore, #tpu.memory_space<semaphore_mem>>) src(%dma_wait3A_114 : memref<240x128xf32, #tpu.memory_space<hbm>>) dst(%dma_wait3A_111 : memref<240x128xf32, #tpu.memory_space<vmem_shared>>)
        tpu.yield
      }) : () -> ()
    } else {
    }
    %dma_wait3A = tpu.memref_slice %arg2[%multiple_of3A_3] : memref<320000xi32, #tpu.memory_space<hbm>> -> memref<20000xi32, #tpu.memory_space<hbm>>
    %dma_wait3A_11 = tpu.memref_slice %arg2[%multiple_of3A_3] : memref<320000xi32, #tpu.memory_space<hbm>> -> memref<20000xi32, #tpu.memory_space<hbm>>
    tpu.wait_dma2 semaphore(%arg13 : memref<!tpu.dma_semaphore, #tpu.memory_space<semaphore_mem>>) src(%dma_wait3A_11 : memref<20000xi32, #tpu.memory_space<hbm>>) dst(%arg7 : memref<20000xi32, #tpu.memory_space<vmem>>)
    %barrier3A = arith.constant 0 : index
    tpu.barrier barrier_id(%barrier3A)
    %multiple_of3A_12 = arith.constant 0 : i32
    %multiple_of3A_13 = tpu.assume_multiple %multiple_of3A_12, 8 : i32
    %add3A = arith.constant 0 : i32
    %add3A_14 = arith.addi %mul3A_2, %add3A : i32
    %multiple_of3A_15 = tpu.assume_multiple %add3A_14, 8 : i32
    %dma_start3A_16 = arith.constant 0 : i32
    %dma_start3A_17 = arith.constant 0 : i32
    %dma_start3A_18 = tpu.memref_slice %arg8[%dma_start3A_16, %dma_start3A_17] : memref<8x80xi32, #tpu.memory_space<vmem>> -> memref<1x80xi32, #tpu.memory_space<vmem>>
    %dma_start3A_19 = tpu.memref_squeeze %dma_start3A_18 : memref<1x80xi32, #tpu.memory_space<vmem>> -> memref<80xi32, #tpu.memory_space<vmem>>
    %dma_start3A_20 = tpu.memref_slice %arg3[%multiple_of3A_15] : memref<320000xi32, #tpu.memory_space<hbm>> -> memref<80xi32, #tpu.memory_space<hbm>>
    %dma_start3A_21 = arith.constant 0 : i32
    %dma_start3A_22 = tpu.memref_slice %arg8[%dma_start3A_16, %dma_start3A_21] : memref<8x80xi32, #tpu.memory_space<vmem>> -> memref<1x80xi32, #tpu.memory_space<vmem>>
    %dma_start3A_23 = tpu.memref_squeeze %dma_start3A_22 : memref<1x80xi32, #tpu.memory_space<vmem>> -> memref<80xi32, #tpu.memory_space<vmem>>
    %dma_start3A_24 = tpu.memref_slice %arg3[%multiple_of3A_15] : memref<320000xi32, #tpu.memory_space<hbm>> -> memref<80xi32, #tpu.memory_space<hbm>>
    tpu.enqueue_dma source(%dma_start3A_24 : memref<80xi32, #tpu.memory_space<hbm>>) target(%dma_start3A_23 : memref<80xi32, #tpu.memory_space<vmem>>) target_semaphore(%arg15 : memref<!tpu.dma_semaphore, #tpu.memory_space<semaphore_mem>>)
    %dma_start3A_25 = tpu.memref_slice %arg7[%multiple_of3A_13] : memref<20000xi32, #tpu.memory_space<vmem>> -> memref<80xi32, #tpu.memory_space<vmem>>
    %dma_start3A_26 = arith.constant 0 : i32
    %dma_start3A_27 = arith.constant 0 : i32
    %dma_start3A_28 = tpu.memref_slice %arg4[%arg0, %dma_start3A_26, %dma_start3A_27] : memref<2x10000x128xf32, #tpu.memory_space<hbm>> -> memref<1x10000x128xf32, #tpu.memory_space<hbm>>
    %dma_start3A_29 = tpu.memref_squeeze %dma_start3A_28 : memref<1x10000x128xf32, #tpu.memory_space<hbm>> -> memref<10000x128xf32, #tpu.memory_space<hbm>>
    %dma_start3A_30 = arith.constant 0 : i32
    %dma_start3A_31 = arith.constant 0 : i32
    %dma_start3A_32 = tpu.memref_slice %dma_start3A_29[%dma_start3A_30, %dma_start3A_31] : memref<10000x128xf32, #tpu.memory_space<hbm>> -> memref<10000x128xf32, #tpu.memory_space<hbm>>
    tpu.enqueue_indirect_dma source(%dma_start3A_32 : memref<10000x128xf32, #tpu.memory_space<hbm>>) target(%arg10 : memref<80x128xf32, #tpu.memory_space<vmem>>) offsets(%dma_start3A_25 : memref<80xi32, #tpu.memory_space<vmem>>) semaphore(%arg13 : memref<!tpu.dma_semaphore, #tpu.memory_space<semaphore_mem>>)
    %scan3A = arith.constant 0 : i32
    %scan3A_33 = arith.constant 0 : i32
    %scan3A_34 = arith.constant 124 : i32
    %scan3A_35 = arith.addi %scan3A_33, %scan3A_34 : i32
    %scan3A_36 = arith.constant 1 : i32
    scf.for %scan3A_102 = %scan3A_33 to %scan3A_35 step %scan3A_36  : i32 {
      %mul3A_103 = arith.constant 2 : i32
      %mul3A_104 = arith.muli %scan3A_102, %mul3A_103 : i32
      %add3A_105 = arith.constant 1 : i32
      %add3A_106 = arith.addi %mul3A_104, %add3A_105 : i32
      %mul3A_107 = arith.constant 80 : i32
      %mul3A_108 = arith.muli %add3A_106, %mul3A_107 : i32
      %multiple_of3A_109 = tpu.assume_multiple %mul3A_108, 8 : i32
      %mul3A_110 = arith.constant 80 : i32
      %mul3A_111 = arith.muli %add3A_106, %mul3A_110 : i32
      %add3A_112 = arith.addi %mul3A_2, %mul3A_111 : i32
      %multiple_of3A_113 = tpu.assume_multiple %add3A_112, 8 : i32
      %dma_start3A_114 = arith.constant 0 : i32
      %dma_start3A_115 = arith.constant 0 : i32
      %dma_start3A_116 = tpu.memref_slice %arg9[%dma_start3A_114, %dma_start3A_115] : memref<8x80xi32, #tpu.memory_space<vmem>> -> memref<1x80xi32, #tpu.memory_space<vmem>>
      %dma_start3A_117 = tpu.memref_squeeze %dma_start3A_116 : memref<1x80xi32, #tpu.memory_space<vmem>> -> memref<80xi32, #tpu.memory_space<vmem>>
      %dma_start3A_118 = tpu.memref_slice %arg3[%multiple_of3A_113] : memref<320000xi32, #tpu.memory_space<hbm>> -> memref<80xi32, #tpu.memory_space<hbm>>
      %dma_start3A_119 = arith.constant 0 : i32
      %dma_start3A_120 = tpu.memref_slice %arg9[%dma_start3A_114, %dma_start3A_119] : memref<8x80xi32, #tpu.memory_space<vmem>> -> memref<1x80xi32, #tpu.memory_space<vmem>>
      %dma_start3A_121 = tpu.memref_squeeze %dma_start3A_120 : memref<1x80xi32, #tpu.memory_space<vmem>> -> memref<80xi32, #tpu.memory_space<vmem>>
      %dma_start3A_122 = tpu.memref_slice %arg3[%multiple_of3A_113] : memref<320000xi32, #tpu.memory_space<hbm>> -> memref<80xi32, #tpu.memory_space<hbm>>
      tpu.enqueue_dma source(%dma_start3A_122 : memref<80xi32, #tpu.memory_space<hbm>>) target(%dma_start3A_121 : memref<80xi32, #tpu.memory_space<vmem>>) target_semaphore(%arg16 : memref<!tpu.dma_semaphore, #tpu.memory_space<semaphore_mem>>)
      %dma_start3A_123 = tpu.memref_slice %arg7[%multiple_of3A_109] : memref<20000xi32, #tpu.memory_space<vmem>> -> memref<80xi32, #tpu.memory_space<vmem>>
      %dma_start3A_124 = arith.constant 0 : i32
      %dma_start3A_125 = arith.constant 0 : i32
      %dma_start3A_126 = tpu.memref_slice %arg4[%arg0, %dma_start3A_124, %dma_start3A_125] : memref<2x10000x128xf32, #tpu.memory_space<hbm>> -> memref<1x10000x128xf32, #tpu.memory_space<hbm>>
      %dma_start3A_127 = tpu.memref_squeeze %dma_start3A_126 : memref<1x10000x128xf32, #tpu.memory_space<hbm>> -> memref<10000x128xf32, #tpu.memory_space<hbm>>
      %dma_start3A_128 = arith.constant 0 : i32
      %dma_start3A_129 = arith.constant 0 : i32
      %dma_start3A_130 = tpu.memref_slice %dma_start3A_127[%dma_start3A_128, %dma_start3A_129] : memref<10000x128xf32, #tpu.memory_space<hbm>> -> memref<10000x128xf32, #tpu.memory_space<hbm>>
      tpu.enqueue_indirect_dma source(%dma_start3A_130 : memref<10000x128xf32, #tpu.memory_space<hbm>>) target(%arg11 : memref<80x128xf32, #tpu.memory_space<vmem>>) offsets(%dma_start3A_123 : memref<80xi32, #tpu.memory_space<vmem>>) semaphore(%arg14 : memref<!tpu.dma_semaphore, #tpu.memory_space<semaphore_mem>>)
      %dma_wait3A_131 = arith.constant 0 : i32
      %dma_wait3A_132 = tpu.memref_slice %arg7[%dma_wait3A_131] : memref<20000xi32, #tpu.memory_space<vmem>> -> memref<80xi32, #tpu.memory_space<vmem>>
      %dma_wait3A_133 = arith.constant 0 : i32
      %dma_wait3A_134 = arith.constant 0 : i32
      %dma_wait3A_135 = tpu.memref_slice %arg4[%arg0, %dma_wait3A_133, %dma_wait3A_134] : memref<2x10000x128xf32, #tpu.memory_space<hbm>> -> memref<1x10000x128xf32, #tpu.memory_space<hbm>>
      %dma_wait3A_136 = tpu.memref_squeeze %dma_wait3A_135 : memref<1x10000x128xf32, #tpu.memory_space<hbm>> -> memref<10000x128xf32, #tpu.memory_space<hbm>>
      %dma_wait3A_137 = arith.constant 0 : i32
      %dma_wait3A_138 = arith.constant 0 : i32
      %dma_wait3A_139 = tpu.memref_slice %dma_wait3A_136[%dma_wait3A_137, %dma_wait3A_138] : memref<10000x128xf32, #tpu.memory_space<hbm>> -> memref<10000x128xf32, #tpu.memory_space<hbm>>
      tpu.wait_indirect_dma semaphore(%arg13 : memref<!tpu.dma_semaphore, #tpu.memory_space<semaphore_mem>>) src(%dma_wait3A_139 : memref<10000x128xf32, #tpu.memory_space<hbm>>) dst(%arg10 : memref<80x128xf32, #tpu.memory_space<vmem>>)
      %dma_wait3A_140 = arith.constant 0 : i32
      %dma_wait3A_141 = arith.constant 0 : i32
      %dma_wait3A_142 = tpu.memref_slice %arg8[%dma_wait3A_140, %dma_wait3A_141] : memref<8x80xi32, #tpu.memory_space<vmem>> -> memref<1x80xi32, #tpu.memory_space<vmem>>
      %dma_wait3A_143 = tpu.memref_squeeze %dma_wait3A_142 : memref<1x80xi32, #tpu.memory_space<vmem>> -> memref<80xi32, #tpu.memory_space<vmem>>
      %dma_wait3A_144 = arith.constant 0 : i32
      %dma_wait3A_145 = tpu.memref_slice %arg3[%dma_wait3A_144] : memref<320000xi32, #tpu.memory_space<hbm>> -> memref<80xi32, #tpu.memory_space<hbm>>
      %dma_wait3A_146 = arith.constant 0 : i32
      %dma_wait3A_147 = tpu.memref_slice %arg8[%dma_wait3A_140, %dma_wait3A_146] : memref<8x80xi32, #tpu.memory_space<vmem>> -> memref<1x80xi32, #tpu.memory_space<vmem>>
      %dma_wait3A_148 = tpu.memref_squeeze %dma_wait3A_147 : memref<1x80xi32, #tpu.memory_space<vmem>> -> memref<80xi32, #tpu.memory_space<vmem>>
      %dma_wait3A_149 = arith.constant 0 : i32
      %dma_wait3A_150 = tpu.memref_slice %arg3[%dma_wait3A_149] : memref<320000xi32, #tpu.memory_space<hbm>> -> memref<80xi32, #tpu.memory_space<hbm>>
      tpu.wait_dma2 semaphore(%arg15 : memref<!tpu.dma_semaphore, #tpu.memory_space<semaphore_mem>>) src(%dma_wait3A_150 : memref<80xi32, #tpu.memory_space<hbm>>) dst(%dma_wait3A_148 : memref<80xi32, #tpu.memory_space<vmem>>)
      %run_scoped3A_151 = arith.constant 0 : i32
      "tpu.region"() ({
        %run_scoped3A_199 = tpu.sem_alloc : memref<!tpu.dma_semaphore, #tpu.memory_space<semaphore_mem>>
        %dma_start3A_200 = arith.constant 0 : i32
        %dma_start3A_201 = tpu.memref_slice %arg8[%run_scoped3A_151, %dma_start3A_200] : memref<8x80xi32, #tpu.memory_space<vmem>> -> memref<1x80xi32, #tpu.memory_space<vmem>>
        %dma_start3A_202 = tpu.memref_squeeze %dma_start3A_201 : memref<1x80xi32, #tpu.memory_space<vmem>> -> memref<80xi32, #tpu.memory_space<vmem>>
        %dma_start3A_203 = arith.constant 0 : i32
        %dma_start3A_204 = arith.constant 0 : i32
        %dma_start3A_205 = tpu.memref_slice %arg12[%dma_start3A_203, %dma_start3A_204] : memref<10240x128xf32, #tpu.memory_space<vmem_shared>> -> memref<10240x128xf32, #tpu.memory_space<vmem_shared>>
        tpu.enqueue_indirect_dma source(%arg10 : memref<80x128xf32, #tpu.memory_space<vmem>>) target(%dma_start3A_205 : memref<10240x128xf32, #tpu.memory_space<vmem_shared>>) offsets(%dma_start3A_202 : memref<80xi32, #tpu.memory_space<vmem>>) semaphore(%run_scoped3A_199 : memref<!tpu.dma_semaphore, #tpu.memory_space<semaphore_mem>>) {add = true}
        %dma_wait3A_206 = arith.constant 0 : i32
        %dma_wait3A_207 = tpu.memref_slice %arg8[%run_scoped3A_151, %dma_wait3A_206] : memref<8x80xi32, #tpu.memory_space<vmem>> -> memref<1x80xi32, #tpu.memory_space<vmem>>
        %dma_wait3A_208 = tpu.memref_squeeze %dma_wait3A_207 : memref<1x80xi32, #tpu.memory_space<vmem>> -> memref<80xi32, #tpu.memory_space<vmem>>
        %dma_wait3A_209 = arith.constant 0 : i32
        %dma_wait3A_210 = arith.constant 0 : i32
        %dma_wait3A_211 = tpu.memref_slice %arg12[%dma_wait3A_209, %dma_wait3A_210] : memref<10240x128xf32, #tpu.memory_space<vmem_shared>> -> memref<10240x128xf32, #tpu.memory_space<vmem_shared>>
        tpu.wait_indirect_dma semaphore(%run_scoped3A_199 : memref<!tpu.dma_semaphore, #tpu.memory_space<semaphore_mem>>) src(%arg10 : memref<80x128xf32, #tpu.memory_space<vmem>>) dst(%dma_wait3A_211 : memref<10240x128xf32, #tpu.memory_space<vmem_shared>>)
        tpu.yield
      }) : () -> ()
      %add3A_152 = arith.constant 2 : i32
      %add3A_153 = arith.addi %mul3A_104, %add3A_152 : i32
      %mul3A_154 = arith.constant 80 : i32
      %mul3A_155 = arith.muli %add3A_153, %mul3A_154 : i32
      %multiple_of3A_156 = tpu.assume_multiple %mul3A_155, 8 : i32
      %mul3A_157 = arith.constant 80 : i32
      %mul3A_158 = arith.muli %add3A_153, %mul3A_157 : i32
      %add3A_159 = arith.addi %mul3A_2, %mul3A_158 : i32
      %multiple_of3A_160 = tpu.assume_multiple %add3A_159, 8 : i32
      %dma_start3A_161 = arith.constant 0 : i32
      %dma_start3A_162 = arith.constant 0 : i32
      %dma_start3A_163 = tpu.memref_slice %arg8[%dma_start3A_161, %dma_start3A_162] : memref<8x80xi32, #tpu.memory_space<vmem>> -> memref<1x80xi32, #tpu.memory_space<vmem>>
      %dma_start3A_164 = tpu.memref_squeeze %dma_start3A_163 : memref<1x80xi32, #tpu.memory_space<vmem>> -> memref<80xi32, #tpu.memory_space<vmem>>
      %dma_start3A_165 = tpu.memref_slice %arg3[%multiple_of3A_160] : memref<320000xi32, #tpu.memory_space<hbm>> -> memref<80xi32, #tpu.memory_space<hbm>>
      %dma_start3A_166 = arith.constant 0 : i32
      %dma_start3A_167 = tpu.memref_slice %arg8[%dma_start3A_161, %dma_start3A_166] : memref<8x80xi32, #tpu.memory_space<vmem>> -> memref<1x80xi32, #tpu.memory_space<vmem>>
      %dma_start3A_168 = tpu.memref_squeeze %dma_start3A_167 : memref<1x80xi32, #tpu.memory_space<vmem>> -> memref<80xi32, #tpu.memory_space<vmem>>
      %dma_start3A_169 = tpu.memref_slice %arg3[%multiple_of3A_160] : memref<320000xi32, #tpu.memory_space<hbm>> -> memref<80xi32, #tpu.memory_space<hbm>>
      tpu.enqueue_dma source(%dma_start3A_169 : memref<80xi32, #tpu.memory_space<hbm>>) target(%dma_start3A_168 : memref<80xi32, #tpu.memory_space<vmem>>) target_semaphore(%arg15 : memref<!tpu.dma_semaphore, #tpu.memory_space<semaphore_mem>>)
      %dma_start3A_170 = tpu.memref_slice %arg7[%multiple_of3A_156] : memref<20000xi32, #tpu.memory_space<vmem>> -> memref<80xi32, #tpu.memory_space<vmem>>
      %dma_start3A_171 = arith.constant 0 : i32
      %dma_start3A_172 = arith.constant 0 : i32
      %dma_start3A_173 = tpu.memref_slice %arg4[%arg0, %dma_start3A_171, %dma_start3A_172] : memref<2x10000x128xf32, #tpu.memory_space<hbm>> -> memref<1x10000x128xf32, #tpu.memory_space<hbm>>
      %dma_start3A_174 = tpu.memref_squeeze %dma_start3A_173 : memref<1x10000x128xf32, #tpu.memory_space<hbm>> -> memref<10000x128xf32, #tpu.memory_space<hbm>>
      %dma_start3A_175 = arith.constant 0 : i32
      %dma_start3A_176 = arith.constant 0 : i32
      %dma_start3A_177 = tpu.memref_slice %dma_start3A_174[%dma_start3A_175, %dma_start3A_176] : memref<10000x128xf32, #tpu.memory_space<hbm>> -> memref<10000x128xf32, #tpu.memory_space<hbm>>
      tpu.enqueue_indirect_dma source(%dma_start3A_177 : memref<10000x128xf32, #tpu.memory_space<hbm>>) target(%arg10 : memref<80x128xf32, #tpu.memory_space<vmem>>) offsets(%dma_start3A_170 : memref<80xi32, #tpu.memory_space<vmem>>) semaphore(%arg13 : memref<!tpu.dma_semaphore, #tpu.memory_space<semaphore_mem>>)
      %dma_wait3A_178 = arith.constant 0 : i32
      %dma_wait3A_179 = tpu.memref_slice %arg7[%dma_wait3A_178] : memref<20000xi32, #tpu.memory_space<vmem>> -> memref<80xi32, #tpu.memory_space<vmem>>
      %dma_wait3A_180 = arith.constant 0 : i32
      %dma_wait3A_181 = arith.constant 0 : i32
      %dma_wait3A_182 = tpu.memref_slice %arg4[%arg0, %dma_wait3A_180, %dma_wait3A_181] : memref<2x10000x128xf32, #tpu.memory_space<hbm>> -> memref<1x10000x128xf32, #tpu.memory_space<hbm>>
      %dma_wait3A_183 = tpu.memref_squeeze %dma_wait3A_182 : memref<1x10000x128xf32, #tpu.memory_space<hbm>> -> memref<10000x128xf32, #tpu.memory_space<hbm>>
      %dma_wait3A_184 = arith.constant 0 : i32
      %dma_wait3A_185 = arith.constant 0 : i32
      %dma_wait3A_186 = tpu.memref_slice %dma_wait3A_183[%dma_wait3A_184, %dma_wait3A_185] : memref<10000x128xf32, #tpu.memory_space<hbm>> -> memref<10000x128xf32, #tpu.memory_space<hbm>>
      tpu.wait_indirect_dma semaphore(%arg14 : memref<!tpu.dma_semaphore, #tpu.memory_space<semaphore_mem>>) src(%dma_wait3A_186 : memref<10000x128xf32, #tpu.memory_space<hbm>>) dst(%arg11 : memref<80x128xf32, #tpu.memory_space<vmem>>)
      %dma_wait3A_187 = arith.constant 0 : i32
      %dma_wait3A_188 = arith.constant 0 : i32
      %dma_wait3A_189 = tpu.memref_slice %arg9[%dma_wait3A_187, %dma_wait3A_188] : memref<8x80xi32, #tpu.memory_space<vmem>> -> memref<1x80xi32, #tpu.memory_space<vmem>>
      %dma_wait3A_190 = tpu.memref_squeeze %dma_wait3A_189 : memref<1x80xi32, #tpu.memory_space<vmem>> -> memref<80xi32, #tpu.memory_space<vmem>>
      %dma_wait3A_191 = arith.constant 0 : i32
      %dma_wait3A_192 = tpu.memref_slice %arg3[%dma_wait3A_191] : memref<320000xi32, #tpu.memory_space<hbm>> -> memref<80xi32, #tpu.memory_space<hbm>>
      %dma_wait3A_193 = arith.constant 0 : i32
      %dma_wait3A_194 = tpu.memref_slice %arg9[%dma_wait3A_187, %dma_wait3A_193] : memref<8x80xi32, #tpu.memory_space<vmem>> -> memref<1x80xi32, #tpu.memory_space<vmem>>
      %dma_wait3A_195 = tpu.memref_squeeze %dma_wait3A_194 : memref<1x80xi32, #tpu.memory_space<vmem>> -> memref<80xi32, #tpu.memory_space<vmem>>
      %dma_wait3A_196 = arith.constant 0 : i32
      %dma_wait3A_197 = tpu.memref_slice %arg3[%dma_wait3A_196] : memref<320000xi32, #tpu.memory_space<hbm>> -> memref<80xi32, #tpu.memory_space<hbm>>
      tpu.wait_dma2 semaphore(%arg16 : memref<!tpu.dma_semaphore, #tpu.memory_space<semaphore_mem>>) src(%dma_wait3A_197 : memref<80xi32, #tpu.memory_space<hbm>>) dst(%dma_wait3A_195 : memref<80xi32, #tpu.memory_space<vmem>>)
      %run_scoped3A_198 = arith.constant 0 : i32
      "tpu.region"() ({
        %run_scoped3A_199 = tpu.sem_alloc : memref<!tpu.dma_semaphore, #tpu.memory_space<semaphore_mem>>
        %dma_start3A_200 = arith.constant 0 : i32
        %dma_start3A_201 = tpu.memref_slice %arg9[%run_scoped3A_198, %dma_start3A_200] : memref<8x80xi32, #tpu.memory_space<vmem>> -> memref<1x80xi32, #tpu.memory_space<vmem>>
        %dma_start3A_202 = tpu.memref_squeeze %dma_start3A_201 : memref<1x80xi32, #tpu.memory_space<vmem>> -> memref<80xi32, #tpu.memory_space<vmem>>
        %dma_start3A_203 = arith.constant 0 : i32
        %dma_start3A_204 = arith.constant 0 : i32
        %dma_start3A_205 = tpu.memref_slice %arg12[%dma_start3A_203, %dma_start3A_204] : memref<10240x128xf32, #tpu.memory_space<vmem_shared>> -> memref<10240x128xf32, #tpu.memory_space<vmem_shared>>
        tpu.enqueue_indirect_dma source(%arg11 : memref<80x128xf32, #tpu.memory_space<vmem>>) target(%dma_start3A_205 : memref<10240x128xf32, #tpu.memory_space<vmem_shared>>) offsets(%dma_start3A_202 : memref<80xi32, #tpu.memory_space<vmem>>) semaphore(%run_scoped3A_199 : memref<!tpu.dma_semaphore, #tpu.memory_space<semaphore_mem>>) {add = true}
        %dma_wait3A_206 = arith.constant 0 : i32
        %dma_wait3A_207 = tpu.memref_slice %arg9[%run_scoped3A_198, %dma_wait3A_206] : memref<8x80xi32, #tpu.memory_space<vmem>> -> memref<1x80xi32, #tpu.memory_space<vmem>>
        %dma_wait3A_208 = tpu.memref_squeeze %dma_wait3A_207 : memref<1x80xi32, #tpu.memory_space<vmem>> -> memref<80xi32, #tpu.memory_space<vmem>>
        %dma_wait3A_209 = arith.constant 0 : i32
        %dma_wait3A_210 = arith.constant 0 : i32
        %dma_wait3A_211 = tpu.memref_slice %arg12[%dma_wait3A_209, %dma_wait3A_210] : memref<10240x128xf32, #tpu.memory_space<vmem_shared>> -> memref<10240x128xf32, #tpu.memory_space<vmem_shared>>
        tpu.wait_indirect_dma semaphore(%run_scoped3A_199 : memref<!tpu.dma_semaphore, #tpu.memory_space<semaphore_mem>>) src(%arg11 : memref<80x128xf32, #tpu.memory_space<vmem>>) dst(%dma_wait3A_211 : memref<10240x128xf32, #tpu.memory_space<vmem_shared>>)
        tpu.yield
      }) : () -> ()
    }
    %scan3A_37 = arith.constant 124 : i32
    %multiple_of3A_38 = arith.constant 19920 : i32
    %multiple_of3A_39 = tpu.assume_multiple %multiple_of3A_38, 8 : i32
    %add3A_40 = arith.constant 19920 : i32
    %add3A_41 = arith.addi %mul3A_2, %add3A_40 : i32
    %multiple_of3A_42 = tpu.assume_multiple %add3A_41, 8 : i32
    %dma_start3A_43 = arith.constant 0 : i32
    %dma_start3A_44 = arith.constant 0 : i32
    %dma_start3A_45 = tpu.memref_slice %arg9[%dma_start3A_43, %dma_start3A_44] : memref<8x80xi32, #tpu.memory_space<vmem>> -> memref<1x80xi32, #tpu.memory_space<vmem>>
    %dma_start3A_46 = tpu.memref_squeeze %dma_start3A_45 : memref<1x80xi32, #tpu.memory_space<vmem>> -> memref<80xi32, #tpu.memory_space<vmem>>
    %dma_start3A_47 = tpu.memref_slice %arg3[%multiple_of3A_42] : memref<320000xi32, #tpu.memory_space<hbm>> -> memref<80xi32, #tpu.memory_space<hbm>>
    %dma_start3A_48 = arith.constant 0 : i32
    %dma_start3A_49 = tpu.memref_slice %arg9[%dma_start3A_43, %dma_start3A_48] : memref<8x80xi32, #tpu.memory_space<vmem>> -> memref<1x80xi32, #tpu.memory_space<vmem>>
    %dma_start3A_50 = tpu.memref_squeeze %dma_start3A_49 : memref<1x80xi32, #tpu.memory_space<vmem>> -> memref<80xi32, #tpu.memory_space<vmem>>
    %dma_start3A_51 = tpu.memref_slice %arg3[%multiple_of3A_42] : memref<320000xi32, #tpu.memory_space<hbm>> -> memref<80xi32, #tpu.memory_space<hbm>>
    tpu.enqueue_dma source(%dma_start3A_51 : memref<80xi32, #tpu.memory_space<hbm>>) target(%dma_start3A_50 : memref<80xi32, #tpu.memory_space<vmem>>) target_semaphore(%arg16 : memref<!tpu.dma_semaphore, #tpu.memory_space<semaphore_mem>>)
    %dma_start3A_52 = tpu.memref_slice %arg7[%multiple_of3A_39] : memref<20000xi32, #tpu.memory_space<vmem>> -> memref<80xi32, #tpu.memory_space<vmem>>
    %dma_start3A_53 = arith.constant 0 : i32
    %dma_start3A_54 = arith.constant 0 : i32
    %dma_start3A_55 = tpu.memref_slice %arg4[%arg0, %dma_start3A_53, %dma_start3A_54] : memref<2x10000x128xf32, #tpu.memory_space<hbm>> -> memref<1x10000x128xf32, #tpu.memory_space<hbm>>
    %dma_start3A_56 = tpu.memref_squeeze %dma_start3A_55 : memref<1x10000x128xf32, #tpu.memory_space<hbm>> -> memref<10000x128xf32, #tpu.memory_space<hbm>>
    %dma_start3A_57 = arith.constant 0 : i32
    %dma_start3A_58 = arith.constant 0 : i32
    %dma_start3A_59 = tpu.memref_slice %dma_start3A_56[%dma_start3A_57, %dma_start3A_58] : memref<10000x128xf32, #tpu.memory_space<hbm>> -> memref<10000x128xf32, #tpu.memory_space<hbm>>
    tpu.enqueue_indirect_dma source(%dma_start3A_59 : memref<10000x128xf32, #tpu.memory_space<hbm>>) target(%arg11 : memref<80x128xf32, #tpu.memory_space<vmem>>) offsets(%dma_start3A_52 : memref<80xi32, #tpu.memory_space<vmem>>) semaphore(%arg14 : memref<!tpu.dma_semaphore, #tpu.memory_space<semaphore_mem>>)
    %dma_wait3A_60 = arith.constant 0 : i32
    %dma_wait3A_61 = tpu.memref_slice %arg7[%dma_wait3A_60] : memref<20000xi32, #tpu.memory_space<vmem>> -> memref<80xi32, #tpu.memory_space<vmem>>
    %dma_wait3A_62 = arith.constant 0 : i32
    %dma_wait3A_63 = arith.constant 0 : i32
    %dma_wait3A_64 = tpu.memref_slice %arg4[%arg0, %dma_wait3A_62, %dma_wait3A_63] : memref<2x10000x128xf32, #tpu.memory_space<hbm>> -> memref<1x10000x128xf32, #tpu.memory_space<hbm>>
    %dma_wait3A_65 = tpu.memref_squeeze %dma_wait3A_64 : memref<1x10000x128xf32, #tpu.memory_space<hbm>> -> memref<10000x128xf32, #tpu.memory_space<hbm>>
    %dma_wait3A_66 = arith.constant 0 : i32
    %dma_wait3A_67 = arith.constant 0 : i32
    %dma_wait3A_68 = tpu.memref_slice %dma_wait3A_65[%dma_wait3A_66, %dma_wait3A_67] : memref<10000x128xf32, #tpu.memory_space<hbm>> -> memref<10000x128xf32, #tpu.memory_space<hbm>>
    tpu.wait_indirect_dma semaphore(%arg13 : memref<!tpu.dma_semaphore, #tpu.memory_space<semaphore_mem>>) src(%dma_wait3A_68 : memref<10000x128xf32, #tpu.memory_space<hbm>>) dst(%arg10 : memref<80x128xf32, #tpu.memory_space<vmem>>)
    %dma_wait3A_69 = arith.constant 0 : i32
    %dma_wait3A_70 = arith.constant 0 : i32
    %dma_wait3A_71 = tpu.memref_slice %arg8[%dma_wait3A_69, %dma_wait3A_70] : memref<8x80xi32, #tpu.memory_space<vmem>> -> memref<1x80xi32, #tpu.memory_space<vmem>>
    %dma_wait3A_72 = tpu.memref_squeeze %dma_wait3A_71 : memref<1x80xi32, #tpu.memory_space<vmem>> -> memref<80xi32, #tpu.memory_space<vmem>>
    %dma_wait3A_73 = arith.constant 0 : i32
    %dma_wait3A_74 = tpu.memref_slice %arg3[%dma_wait3A_73] : memref<320000xi32, #tpu.memory_space<hbm>> -> memref<80xi32, #tpu.memory_space<hbm>>
    %dma_wait3A_75 = arith.constant 0 : i32
    %dma_wait3A_76 = tpu.memref_slice %arg8[%dma_wait3A_69, %dma_wait3A_75] : memref<8x80xi32, #tpu.memory_space<vmem>> -> memref<1x80xi32, #tpu.memory_space<vmem>>
    %dma_wait3A_77 = tpu.memref_squeeze %dma_wait3A_76 : memref<1x80xi32, #tpu.memory_space<vmem>> -> memref<80xi32, #tpu.memory_space<vmem>>
    %dma_wait3A_78 = arith.constant 0 : i32
    %dma_wait3A_79 = tpu.memref_slice %arg3[%dma_wait3A_78] : memref<320000xi32, #tpu.memory_space<hbm>> -> memref<80xi32, #tpu.memory_space<hbm>>
    tpu.wait_dma2 semaphore(%arg15 : memref<!tpu.dma_semaphore, #tpu.memory_space<semaphore_mem>>) src(%dma_wait3A_79 : memref<80xi32, #tpu.memory_space<hbm>>) dst(%dma_wait3A_77 : memref<80xi32, #tpu.memory_space<vmem>>)
    %run_scoped3A = arith.constant 0 : i32
    "tpu.region"() ({
      %run_scoped3A_102 = tpu.sem_alloc : memref<!tpu.dma_semaphore, #tpu.memory_space<semaphore_mem>>
      %dma_start3A_103 = arith.constant 0 : i32
      %dma_start3A_104 = tpu.memref_slice %arg8[%run_scoped3A, %dma_start3A_103] : memref<8x80xi32, #tpu.memory_space<vmem>> -> memref<1x80xi32, #tpu.memory_space<vmem>>
      %dma_start3A_105 = tpu.memref_squeeze %dma_start3A_104 : memref<1x80xi32, #tpu.memory_space<vmem>> -> memref<80xi32, #tpu.memory_space<vmem>>
      %dma_start3A_106 = arith.constant 0 : i32
      %dma_start3A_107 = arith.constant 0 : i32
      %dma_start3A_108 = tpu.memref_slice %arg12[%dma_start3A_106, %dma_start3A_107] : memref<10240x128xf32, #tpu.memory_space<vmem_shared>> -> memref<10240x128xf32, #tpu.memory_space<vmem_shared>>
      tpu.enqueue_indirect_dma source(%arg10 : memref<80x128xf32, #tpu.memory_space<vmem>>) target(%dma_start3A_108 : memref<10240x128xf32, #tpu.memory_space<vmem_shared>>) offsets(%dma_start3A_105 : memref<80xi32, #tpu.memory_space<vmem>>) semaphore(%run_scoped3A_102 : memref<!tpu.dma_semaphore, #tpu.memory_space<semaphore_mem>>) {add = true}
      %dma_wait3A_109 = arith.constant 0 : i32
      %dma_wait3A_110 = tpu.memref_slice %arg8[%run_scoped3A, %dma_wait3A_109] : memref<8x80xi32, #tpu.memory_space<vmem>> -> memref<1x80xi32, #tpu.memory_space<vmem>>
      %dma_wait3A_111 = tpu.memref_squeeze %dma_wait3A_110 : memref<1x80xi32, #tpu.memory_space<vmem>> -> memref<80xi32, #tpu.memory_space<vmem>>
      %dma_wait3A_112 = arith.constant 0 : i32
      %dma_wait3A_113 = arith.constant 0 : i32
      %dma_wait3A_114 = tpu.memref_slice %arg12[%dma_wait3A_112, %dma_wait3A_113] : memref<10240x128xf32, #tpu.memory_space<vmem_shared>> -> memref<10240x128xf32, #tpu.memory_space<vmem_shared>>
      tpu.wait_indirect_dma semaphore(%run_scoped3A_102 : memref<!tpu.dma_semaphore, #tpu.memory_space<semaphore_mem>>) src(%arg10 : memref<80x128xf32, #tpu.memory_space<vmem>>) dst(%dma_wait3A_114 : memref<10240x128xf32, #tpu.memory_space<vmem_shared>>)
      tpu.yield
    }) : () -> ()
    %dma_wait3A_80 = arith.constant 0 : i32
    %dma_wait3A_81 = tpu.memref_slice %arg7[%dma_wait3A_80] : memref<20000xi32, #tpu.memory_space<vmem>> -> memref<80xi32, #tpu.memory_space<vmem>>
    %dma_wait3A_82 = arith.constant 0 : i32
    %dma_wait3A_83 = arith.constant 0 : i32
    %dma_wait3A_84 = tpu.memref_slice %arg4[%arg0, %dma_wait3A_82, %dma_wait3A_83] : memref<2x10000x128xf32, #tpu.memory_space<hbm>> -> memref<1x10000x128xf32, #tpu.memory_space<hbm>>
    %dma_wait3A_85 = tpu.memref_squeeze %dma_wait3A_84 : memref<1x10000x128xf32, #tpu.memory_space<hbm>> -> memref<10000x128xf32, #tpu.memory_space<hbm>>
    %dma_wait3A_86 = arith.constant 0 : i32
    %dma_wait3A_87 = arith.constant 0 : i32
    %dma_wait3A_88 = tpu.memref_slice %dma_wait3A_85[%dma_wait3A_86, %dma_wait3A_87] : memref<10000x128xf32, #tpu.memory_space<hbm>> -> memref<10000x128xf32, #tpu.memory_space<hbm>>
    tpu.wait_indirect_dma semaphore(%arg14 : memref<!tpu.dma_semaphore, #tpu.memory_space<semaphore_mem>>) src(%dma_wait3A_88 : memref<10000x128xf32, #tpu.memory_space<hbm>>) dst(%arg11 : memref<80x128xf32, #tpu.memory_space<vmem>>)
    %dma_wait3A_89 = arith.constant 0 : i32
    %dma_wait3A_90 = arith.constant 0 : i32
    %dma_wait3A_91 = tpu.memref_slice %arg9[%dma_wait3A_89, %dma_wait3A_90] : memref<8x80xi32, #tpu.memory_space<vmem>> -> memref<1x80xi32, #tpu.memory_space<vmem>>
    %dma_wait3A_92 = tpu.memref_squeeze %dma_wait3A_91 : memref<1x80xi32, #tpu.memory_space<vmem>> -> memref<80xi32, #tpu.memory_space<vmem>>
    %dma_wait3A_93 = arith.constant 0 : i32
    %dma_wait3A_94 = tpu.memref_slice %arg3[%dma_wait3A_93] : memref<320000xi32, #tpu.memory_space<hbm>> -> memref<80xi32, #tpu.memory_space<hbm>>
    %dma_wait3A_95 = arith.constant 0 : i32
    %dma_wait3A_96 = tpu.memref_slice %arg9[%dma_wait3A_89, %dma_wait3A_95] : memref<8x80xi32, #tpu.memory_space<vmem>> -> memref<1x80xi32, #tpu.memory_space<vmem>>
    %dma_wait3A_97 = tpu.memref_squeeze %dma_wait3A_96 : memref<1x80xi32, #tpu.memory_space<vmem>> -> memref<80xi32, #tpu.memory_space<vmem>>
    %dma_wait3A_98 = arith.constant 0 : i32
    %dma_wait3A_99 = tpu.memref_slice %arg3[%dma_wait3A_98] : memref<320000xi32, #tpu.memory_space<hbm>> -> memref<80xi32, #tpu.memory_space<hbm>>
    tpu.wait_dma2 semaphore(%arg16 : memref<!tpu.dma_semaphore, #tpu.memory_space<semaphore_mem>>) src(%dma_wait3A_99 : memref<80xi32, #tpu.memory_space<hbm>>) dst(%dma_wait3A_97 : memref<80xi32, #tpu.memory_space<vmem>>)
    %run_scoped3A_100 = arith.constant 0 : i32
    "tpu.region"() ({
      %run_scoped3A_102 = tpu.sem_alloc : memref<!tpu.dma_semaphore, #tpu.memory_space<semaphore_mem>>
      %dma_start3A_103 = arith.constant 0 : i32
      %dma_start3A_104 = tpu.memref_slice %arg9[%run_scoped3A_100, %dma_start3A_103] : memref<8x80xi32, #tpu.memory_space<vmem>> -> memref<1x80xi32, #tpu.memory_space<vmem>>
      %dma_start3A_105 = tpu.memref_squeeze %dma_start3A_104 : memref<1x80xi32, #tpu.memory_space<vmem>> -> memref<80xi32, #tpu.memory_space<vmem>>
      %dma_start3A_106 = arith.constant 0 : i32
      %dma_start3A_107 = arith.constant 0 : i32
      %dma_start3A_108 = tpu.memref_slice %arg12[%dma_start3A_106, %dma_start3A_107] : memref<10240x128xf32, #tpu.memory_space<vmem_shared>> -> memref<10240x128xf32, #tpu.memory_space<vmem_shared>>
      tpu.enqueue_indirect_dma source(%arg11 : memref<80x128xf32, #tpu.memory_space<vmem>>) target(%dma_start3A_108 : memref<10240x128xf32, #tpu.memory_space<vmem_shared>>) offsets(%dma_start3A_105 : memref<80xi32, #tpu.memory_space<vmem>>) semaphore(%run_scoped3A_102 : memref<!tpu.dma_semaphore, #tpu.memory_space<semaphore_mem>>) {add = true}
      %dma_wait3A_109 = arith.constant 0 : i32
      %dma_wait3A_110 = tpu.memref_slice %arg9[%run_scoped3A_100, %dma_wait3A_109] : memref<8x80xi32, #tpu.memory_space<vmem>> -> memref<1x80xi32, #tpu.memory_space<vmem>>
      %dma_wait3A_111 = tpu.memref_squeeze %dma_wait3A_110 : memref<1x80xi32, #tpu.memory_space<vmem>> -> memref<80xi32, #tpu.memory_space<vmem>>
      %dma_wait3A_112 = arith.constant 0 : i32
      %dma_wait3A_113 = arith.constant 0 : i32
      %dma_wait3A_114 = tpu.memref_slice %arg12[%dma_wait3A_112, %dma_wait3A_113] : memref<10240x128xf32, #tpu.memory_space<vmem_shared>> -> memref<10240x128xf32, #tpu.memory_space<vmem_shared>>
      tpu.wait_indirect_dma semaphore(%run_scoped3A_102 : memref<!tpu.dma_semaphore, #tpu.memory_space<semaphore_mem>>) src(%arg11 : memref<80x128xf32, #tpu.memory_space<vmem>>) dst(%dma_wait3A_114 : memref<10240x128xf32, #tpu.memory_space<vmem_shared>>)
      tpu.yield
    }) : () -> ()
    %barrier3A_101 = arith.constant 0 : index
    tpu.barrier barrier_id(%barrier3A_101)
    "tpu.region"() ({
      %run_scoped3A_102 = tpu.sem_alloc : memref<!tpu.dma_semaphore, #tpu.memory_space<semaphore_mem>>
      %dma_start3A_103 = arith.constant 0 : i32
      %dma_start3A_104 = tpu.memref_slice %arg6[%arg0, %multiple_of3A, %dma_start3A_103] : memref<2x10240x128xf32, #tpu.memory_space<hbm>> -> memref<1x640x128xf32, #tpu.memory_space<hbm>>
      %dma_start3A_105 = tpu.memref_squeeze %dma_start3A_104 : memref<1x640x128xf32, #tpu.memory_space<hbm>> -> memref<640x128xf32, #tpu.memory_space<hbm>>
      %dma_start3A_106 = arith.constant 0 : i32
      %dma_start3A_107 = tpu.memref_slice %arg12[%multiple_of3A, %dma_start3A_106] : memref<10240x128xf32, #tpu.memory_space<vmem_shared>> -> memref<640x128xf32, #tpu.memory_space<vmem_shared>>
      tpu.enqueue_dma source(%dma_start3A_107 : memref<640x128xf32, #tpu.memory_space<vmem_shared>>) target(%dma_start3A_105 : memref<640x128xf32, #tpu.memory_space<hbm>>) target_semaphore(%run_scoped3A_102 : memref<!tpu.dma_semaphore, #tpu.memory_space<semaphore_mem>>)
      %dma_wait3A_108 = arith.constant 0 : i32
      %dma_wait3A_109 = tpu.memref_slice %arg6[%arg0, %multiple_of3A, %dma_wait3A_108] : memref<2x10240x128xf32, #tpu.memory_space<hbm>> -> memref<1x640x128xf32, #tpu.memory_space<hbm>>
      %dma_wait3A_110 = tpu.memref_squeeze %dma_wait3A_109 : memref<1x640x128xf32, #tpu.memory_space<hbm>> -> memref<640x128xf32, #tpu.memory_space<hbm>>
      %dma_wait3A_111 = arith.constant 0 : i32
      %dma_wait3A_112 = tpu.memref_slice %arg12[%multiple_of3A, %dma_wait3A_111] : memref<10240x128xf32, #tpu.memory_space<vmem_shared>> -> memref<640x128xf32, #tpu.memory_space<vmem_shared>>
      tpu.wait_dma2 semaphore(%run_scoped3A_102 : memref<!tpu.dma_semaphore, #tpu.memory_space<semaphore_mem>>) src(%dma_wait3A_112 : memref<640x128xf32, #tpu.memory_space<vmem_shared>>) dst(%dma_wait3A_110 : memref<640x128xf32, #tpu.memory_space<hbm>>)
      tpu.yield
    }) : () -> ()
    return
  }
}

#map = affine_map<(d0, d1) -> (0)>
#map1 = affine_map<(d0, d1) -> (0, 0, 0)>
#map2 = affine_map<(d0, d1) -> (0, 0)>
module attributes {stable_mosaic.version = 14 : i64} {
  func.func @_sc_spass(%arg0: i32, %arg1: i32, %arg2: memref<320000xi32, #tpu.memory_space<hbm>>, %arg3: memref<32x125x80xi32, #tpu.memory_space<hbm>>, %arg4: memref<10000x128xf32, #tpu.memory_space<hbm>>, %arg5: memref<10240x128xf32, #tpu.memory_space<hbm>>, %arg6: memref<2x10240x128xf32, #tpu.memory_space<hbm>>, %arg7: memref<10000xi32, #tpu.memory_space<vmem>>, %arg8: memref<125x80xi32, #tpu.memory_space<vmem>>, %arg9: memref<80x128xf32, #tpu.memory_space<vmem>>, %arg10: memref<80x128xf32, #tpu.memory_space<vmem>>, %arg11: memref<10240x128xf32, #tpu.memory_space<vmem_shared>>, %arg12: memref<!tpu.dma_semaphore, #tpu.memory_space<semaphore_mem>>, %arg13: memref<!tpu.dma_semaphore, #tpu.memory_space<semaphore_mem>>) attributes {dimension_semantics = [#tpu.dimension_semantics<core_parallel>, #tpu.dimension_semantics<subcore_parallel>], iteration_bounds = array<i64: 2, 16>, scalar_prefetch = 0 : i64, scratch_operands = 7 : i64, tpu.core_type = #tpu.core_type<sc_vector_subcore>, window_params = [{transform_indices = #map}, {transform_indices = #map1}, {transform_indices = #map2}, {transform_indices = #map2}, {transform_indices = #map1}]} {
    %mul3A = arith.constant 16 : i32
    %mul3A_0 = arith.muli %arg0, %mul3A : i32
    %add3A = arith.addi %mul3A_0, %arg1 : i32
    %mul3A_1 = arith.constant 640 : i32
    %mul3A_2 = arith.muli %arg1, %mul3A_1 : i32
    %multiple_of3A = tpu.assume_multiple %mul3A_2, 8 : i32
    %mul3A_3 = arith.constant 10000 : i32
    %mul3A_4 = arith.muli %add3A, %mul3A_3 : i32
    %dma_start3A = tpu.memref_slice %arg2[%mul3A_4] : memref<320000xi32, #tpu.memory_space<hbm>> -> memref<10000xi32, #tpu.memory_space<hbm>>
    %dma_start3A_5 = tpu.memref_slice %arg2[%mul3A_4] : memref<320000xi32, #tpu.memory_space<hbm>> -> memref<10000xi32, #tpu.memory_space<hbm>>
    tpu.enqueue_dma source(%dma_start3A_5 : memref<10000xi32, #tpu.memory_space<hbm>>) target(%arg7 : memref<10000xi32, #tpu.memory_space<vmem>>) target_semaphore(%arg12 : memref<!tpu.dma_semaphore, #tpu.memory_space<semaphore_mem>>)
    %dma_start3A_6 = arith.constant 0 : i32
    %dma_start3A_7 = arith.constant 0 : i32
    %dma_start3A_8 = tpu.memref_slice %arg3[%add3A, %dma_start3A_6, %dma_start3A_7] : memref<32x125x80xi32, #tpu.memory_space<hbm>> -> memref<1x125x80xi32, #tpu.memory_space<hbm>>
    %dma_start3A_9 = tpu.memref_squeeze %dma_start3A_8 : memref<1x125x80xi32, #tpu.memory_space<hbm>> -> memref<125x80xi32, #tpu.memory_space<hbm>>
    %dma_start3A_10 = arith.constant 0 : i32
    %dma_start3A_11 = arith.constant 0 : i32
    %dma_start3A_12 = tpu.memref_slice %arg3[%add3A, %dma_start3A_10, %dma_start3A_11] : memref<32x125x80xi32, #tpu.memory_space<hbm>> -> memref<1x125x80xi32, #tpu.memory_space<hbm>>
    %dma_start3A_13 = tpu.memref_squeeze %dma_start3A_12 : memref<1x125x80xi32, #tpu.memory_space<hbm>> -> memref<125x80xi32, #tpu.memory_space<hbm>>
    tpu.enqueue_dma source(%dma_start3A_13 : memref<125x80xi32, #tpu.memory_space<hbm>>) target(%arg8 : memref<125x80xi32, #tpu.memory_space<vmem>>) target_semaphore(%arg13 : memref<!tpu.dma_semaphore, #tpu.memory_space<semaphore_mem>>)
    %eq3A = arith.constant 0 : i32
    %eq3A_14 = arith.cmpi eq, %arg0, %eq3A : i32
    %lt3A = arith.constant 15 : i32
    %lt3A_15 = arith.cmpi slt, %arg1, %lt3A : i32
    %and3A = arith.andi %eq3A_14, %lt3A_15 : i1
    %convert_element_type3A = arith.extui %and3A : i1 to i32
    %cond3A = arith.constant 0 : i32
    %cond3A_16 = arith.cmpi ne, %convert_element_type3A, %cond3A : i32
    scf.if %cond3A_16 {
      "tpu.region"() ({
        %run_scoped3A_55 = tpu.sem_alloc : memref<!tpu.dma_semaphore, #tpu.memory_space<semaphore_mem>>
        %dma_start3A_56 = arith.constant 0 : i32
        %dma_start3A_57 = tpu.memref_slice %arg11[%multiple_of3A, %dma_start3A_56] : memref<10240x128xf32, #tpu.memory_space<vmem_shared>> -> memref<640x128xf32, #tpu.memory_space<vmem_shared>>
        %dma_start3A_58 = arith.constant 0 : i32
        %dma_start3A_59 = tpu.memref_slice %arg4[%multiple_of3A, %dma_start3A_58] : memref<10000x128xf32, #tpu.memory_space<hbm>> -> memref<640x128xf32, #tpu.memory_space<hbm>>
        tpu.enqueue_dma source(%dma_start3A_59 : memref<640x128xf32, #tpu.memory_space<hbm>>) target(%dma_start3A_57 : memref<640x128xf32, #tpu.memory_space<vmem_shared>>) target_semaphore(%run_scoped3A_55 : memref<!tpu.dma_semaphore, #tpu.memory_space<semaphore_mem>>)
        %dma_wait3A_60 = arith.constant 0 : i32
        %dma_wait3A_61 = tpu.memref_slice %arg11[%multiple_of3A, %dma_wait3A_60] : memref<10240x128xf32, #tpu.memory_space<vmem_shared>> -> memref<640x128xf32, #tpu.memory_space<vmem_shared>>
        %dma_wait3A_62 = arith.constant 0 : i32
        %dma_wait3A_63 = tpu.memref_slice %arg4[%multiple_of3A, %dma_wait3A_62] : memref<10000x128xf32, #tpu.memory_space<hbm>> -> memref<640x128xf32, #tpu.memory_space<hbm>>
        tpu.wait_dma2 semaphore(%run_scoped3A_55 : memref<!tpu.dma_semaphore, #tpu.memory_space<semaphore_mem>>) src(%dma_wait3A_63 : memref<640x128xf32, #tpu.memory_space<hbm>>) dst(%dma_wait3A_61 : memref<640x128xf32, #tpu.memory_space<vmem_shared>>)
        tpu.yield
      }) : () -> ()
    } else {
    }
    %eq3A_17 = arith.constant 0 : i32
    %eq3A_18 = arith.cmpi eq, %arg0, %eq3A_17 : i32
    %eq3A_19 = arith.constant 15 : i32
    %eq3A_20 = arith.cmpi eq, %arg1, %eq3A_19 : i32
    %and3A_21 = arith.andi %eq3A_18, %eq3A_20 : i1
    %convert_element_type3A_22 = arith.extui %and3A_21 : i1 to i32
    %cond3A_23 = arith.constant 0 : i32
    %cond3A_24 = arith.cmpi ne, %convert_element_type3A_22, %cond3A_23 : i32
    scf.if %cond3A_24 {
      "tpu.region"() ({
        %run_scoped3A_55 = tpu.sem_alloc : memref<!tpu.dma_semaphore, #tpu.memory_space<semaphore_mem>>
        %dma_start3A_56 = arith.constant 0 : i32
        %dma_start3A_57 = tpu.memref_slice %arg11[%multiple_of3A, %dma_start3A_56] : memref<10240x128xf32, #tpu.memory_space<vmem_shared>> -> memref<400x128xf32, #tpu.memory_space<vmem_shared>>
        %dma_start3A_58 = arith.constant 0 : i32
        %dma_start3A_59 = tpu.memref_slice %arg4[%multiple_of3A, %dma_start3A_58] : memref<10000x128xf32, #tpu.memory_space<hbm>> -> memref<400x128xf32, #tpu.memory_space<hbm>>
        tpu.enqueue_dma source(%dma_start3A_59 : memref<400x128xf32, #tpu.memory_space<hbm>>) target(%dma_start3A_57 : memref<400x128xf32, #tpu.memory_space<vmem_shared>>) target_semaphore(%run_scoped3A_55 : memref<!tpu.dma_semaphore, #tpu.memory_space<semaphore_mem>>)
        %dma_wait3A_60 = arith.constant 0 : i32
        %dma_wait3A_61 = tpu.memref_slice %arg11[%multiple_of3A, %dma_wait3A_60] : memref<10240x128xf32, #tpu.memory_space<vmem_shared>> -> memref<400x128xf32, #tpu.memory_space<vmem_shared>>
        %dma_wait3A_62 = arith.constant 0 : i32
        %dma_wait3A_63 = tpu.memref_slice %arg4[%multiple_of3A, %dma_wait3A_62] : memref<10000x128xf32, #tpu.memory_space<hbm>> -> memref<400x128xf32, #tpu.memory_space<hbm>>
        tpu.wait_dma2 semaphore(%run_scoped3A_55 : memref<!tpu.dma_semaphore, #tpu.memory_space<semaphore_mem>>) src(%dma_wait3A_63 : memref<400x128xf32, #tpu.memory_space<hbm>>) dst(%dma_wait3A_61 : memref<400x128xf32, #tpu.memory_space<vmem_shared>>)
        tpu.yield
      }) : () -> ()
      "tpu.region"() ({
        %run_scoped3A_55 = tpu.sem_alloc : memref<!tpu.dma_semaphore, #tpu.memory_space<semaphore_mem>>
        %dma_start3A_56 = arith.constant 10000 : i32
        %dma_start3A_57 = arith.constant 0 : i32
        %dma_start3A_58 = tpu.memref_slice %arg11[%dma_start3A_56, %dma_start3A_57] : memref<10240x128xf32, #tpu.memory_space<vmem_shared>> -> memref<240x128xf32, #tpu.memory_space<vmem_shared>>
        %dma_start3A_59 = arith.constant 10000 : i32
        %dma_start3A_60 = arith.constant 0 : i32
        %dma_start3A_61 = tpu.memref_slice %arg5[%dma_start3A_59, %dma_start3A_60] : memref<10240x128xf32, #tpu.memory_space<hbm>> -> memref<240x128xf32, #tpu.memory_space<hbm>>
        tpu.enqueue_dma source(%dma_start3A_61 : memref<240x128xf32, #tpu.memory_space<hbm>>) target(%dma_start3A_58 : memref<240x128xf32, #tpu.memory_space<vmem_shared>>) target_semaphore(%run_scoped3A_55 : memref<!tpu.dma_semaphore, #tpu.memory_space<semaphore_mem>>)
        %dma_wait3A_62 = arith.constant 10000 : i32
        %dma_wait3A_63 = arith.constant 0 : i32
        %dma_wait3A_64 = tpu.memref_slice %arg11[%dma_wait3A_62, %dma_wait3A_63] : memref<10240x128xf32, #tpu.memory_space<vmem_shared>> -> memref<240x128xf32, #tpu.memory_space<vmem_shared>>
        %dma_wait3A_65 = arith.constant 10000 : i32
        %dma_wait3A_66 = arith.constant 0 : i32
        %dma_wait3A_67 = tpu.memref_slice %arg5[%dma_wait3A_65, %dma_wait3A_66] : memref<10240x128xf32, #tpu.memory_space<hbm>> -> memref<240x128xf32, #tpu.memory_space<hbm>>
        tpu.wait_dma2 semaphore(%run_scoped3A_55 : memref<!tpu.dma_semaphore, #tpu.memory_space<semaphore_mem>>) src(%dma_wait3A_67 : memref<240x128xf32, #tpu.memory_space<hbm>>) dst(%dma_wait3A_64 : memref<240x128xf32, #tpu.memory_space<vmem_shared>>)
        tpu.yield
      }) : () -> ()
    } else {
    }
    %gt3A = arith.constant 0 : i32
    %gt3A_25 = arith.cmpi sgt, %arg0, %gt3A : i32
    %convert_element_type3A_26 = arith.extui %gt3A_25 : i1 to i32
    %cond3A_27 = arith.constant 0 : i32
    %cond3A_28 = arith.cmpi ne, %convert_element_type3A_26, %cond3A_27 : i32
    scf.if %cond3A_28 {
      "tpu.region"() ({
        %run_scoped3A_55 = tpu.sem_alloc : memref<!tpu.dma_semaphore, #tpu.memory_space<semaphore_mem>>
        %dma_start3A_56 = arith.constant 0 : i32
        %dma_start3A_57 = tpu.memref_slice %arg11[%multiple_of3A, %dma_start3A_56] : memref<10240x128xf32, #tpu.memory_space<vmem_shared>> -> memref<640x128xf32, #tpu.memory_space<vmem_shared>>
        %dma_start3A_58 = arith.constant 0 : i32
        %dma_start3A_59 = tpu.memref_slice %arg5[%multiple_of3A, %dma_start3A_58] : memref<10240x128xf32, #tpu.memory_space<hbm>> -> memref<640x128xf32, #tpu.memory_space<hbm>>
        tpu.enqueue_dma source(%dma_start3A_59 : memref<640x128xf32, #tpu.memory_space<hbm>>) target(%dma_start3A_57 : memref<640x128xf32, #tpu.memory_space<vmem_shared>>) target_semaphore(%run_scoped3A_55 : memref<!tpu.dma_semaphore, #tpu.memory_space<semaphore_mem>>)
        %dma_wait3A_60 = arith.constant 0 : i32
        %dma_wait3A_61 = tpu.memref_slice %arg11[%multiple_of3A, %dma_wait3A_60] : memref<10240x128xf32, #tpu.memory_space<vmem_shared>> -> memref<640x128xf32, #tpu.memory_space<vmem_shared>>
        %dma_wait3A_62 = arith.constant 0 : i32
        %dma_wait3A_63 = tpu.memref_slice %arg5[%multiple_of3A, %dma_wait3A_62] : memref<10240x128xf32, #tpu.memory_space<hbm>> -> memref<640x128xf32, #tpu.memory_space<hbm>>
        tpu.wait_dma2 semaphore(%run_scoped3A_55 : memref<!tpu.dma_semaphore, #tpu.memory_space<semaphore_mem>>) src(%dma_wait3A_63 : memref<640x128xf32, #tpu.memory_space<hbm>>) dst(%dma_wait3A_61 : memref<640x128xf32, #tpu.memory_space<vmem_shared>>)
        tpu.yield
      }) : () -> ()
    } else {
    }
    %dma_wait3A = tpu.memref_slice %arg2[%mul3A_4] : memref<320000xi32, #tpu.memory_space<hbm>> -> memref<10000xi32, #tpu.memory_space<hbm>>
    %dma_wait3A_29 = tpu.memref_slice %arg2[%mul3A_4] : memref<320000xi32, #tpu.memory_space<hbm>> -> memref<10000xi32, #tpu.memory_space<hbm>>
    tpu.wait_dma2 semaphore(%arg12 : memref<!tpu.dma_semaphore, #tpu.memory_space<semaphore_mem>>) src(%dma_wait3A_29 : memref<10000xi32, #tpu.memory_space<hbm>>) dst(%arg7 : memref<10000xi32, #tpu.memory_space<vmem>>)
    %dma_wait3A_30 = arith.constant 0 : i32
    %dma_wait3A_31 = arith.constant 0 : i32
    %dma_wait3A_32 = tpu.memref_slice %arg3[%add3A, %dma_wait3A_30, %dma_wait3A_31] : memref<32x125x80xi32, #tpu.memory_space<hbm>> -> memref<1x125x80xi32, #tpu.memory_space<hbm>>
    %dma_wait3A_33 = tpu.memref_squeeze %dma_wait3A_32 : memref<1x125x80xi32, #tpu.memory_space<hbm>> -> memref<125x80xi32, #tpu.memory_space<hbm>>
    %dma_wait3A_34 = arith.constant 0 : i32
    %dma_wait3A_35 = arith.constant 0 : i32
    %dma_wait3A_36 = tpu.memref_slice %arg3[%add3A, %dma_wait3A_34, %dma_wait3A_35] : memref<32x125x80xi32, #tpu.memory_space<hbm>> -> memref<1x125x80xi32, #tpu.memory_space<hbm>>
    %dma_wait3A_37 = tpu.memref_squeeze %dma_wait3A_36 : memref<1x125x80xi32, #tpu.memory_space<hbm>> -> memref<125x80xi32, #tpu.memory_space<hbm>>
    tpu.wait_dma2 semaphore(%arg13 : memref<!tpu.dma_semaphore, #tpu.memory_space<semaphore_mem>>) src(%dma_wait3A_37 : memref<125x80xi32, #tpu.memory_space<hbm>>) dst(%arg8 : memref<125x80xi32, #tpu.memory_space<vmem>>)
    %barrier3A = arith.constant 0 : index
    tpu.barrier barrier_id(%barrier3A)
    %multiple_of3A_38 = arith.constant 0 : i32
    %multiple_of3A_39 = tpu.assume_multiple %multiple_of3A_38, 8 : i32
    %dma_start3A_40 = tpu.memref_slice %arg7[%multiple_of3A_39] : memref<10000xi32, #tpu.memory_space<vmem>> -> memref<80xi32, #tpu.memory_space<vmem>>
    %dma_start3A_41 = arith.constant 0 : i32
    %dma_start3A_42 = arith.constant 0 : i32
    %dma_start3A_43 = tpu.memref_slice %arg4[%dma_start3A_41, %dma_start3A_42] : memref<10000x128xf32, #tpu.memory_space<hbm>> -> memref<10000x128xf32, #tpu.memory_space<hbm>>
    tpu.enqueue_indirect_dma source(%dma_start3A_43 : memref<10000x128xf32, #tpu.memory_space<hbm>>) target(%arg9 : memref<80x128xf32, #tpu.memory_space<vmem>>) offsets(%dma_start3A_40 : memref<80xi32, #tpu.memory_space<vmem>>) semaphore(%arg12 : memref<!tpu.dma_semaphore, #tpu.memory_space<semaphore_mem>>)
    %scan3A = arith.constant 0 : i32
    %scan3A_44 = arith.constant 0 : i32
    %scan3A_45 = arith.constant 62 : i32
    %scan3A_46 = arith.addi %scan3A_44, %scan3A_45 : i32
    %scan3A_47 = arith.constant 1 : i32
    scf.for %scan3A_55 = %scan3A_44 to %scan3A_46 step %scan3A_47  : i32 {
      %mul3A_56 = arith.constant 2 : i32
      %mul3A_57 = arith.muli %scan3A_55, %mul3A_56 : i32
      %add3A_58 = arith.constant 1 : i32
      %add3A_59 = arith.addi %mul3A_57, %add3A_58 : i32
      %mul3A_60 = arith.constant 80 : i32
      %mul3A_61 = arith.muli %add3A_59, %mul3A_60 : i32
      %multiple_of3A_62 = tpu.assume_multiple %mul3A_61, 8 : i32
      %dma_start3A_63 = tpu.memref_slice %arg7[%multiple_of3A_62] : memref<10000xi32, #tpu.memory_space<vmem>> -> memref<80xi32, #tpu.memory_space<vmem>>
      %dma_start3A_64 = arith.constant 0 : i32
      %dma_start3A_65 = arith.constant 0 : i32
      %dma_start3A_66 = tpu.memref_slice %arg4[%dma_start3A_64, %dma_start3A_65] : memref<10000x128xf32, #tpu.memory_space<hbm>> -> memref<10000x128xf32, #tpu.memory_space<hbm>>
      tpu.enqueue_indirect_dma source(%dma_start3A_66 : memref<10000x128xf32, #tpu.memory_space<hbm>>) target(%arg10 : memref<80x128xf32, #tpu.memory_space<vmem>>) offsets(%dma_start3A_63 : memref<80xi32, #tpu.memory_space<vmem>>) semaphore(%arg13 : memref<!tpu.dma_semaphore, #tpu.memory_space<semaphore_mem>>)
      %dma_wait3A_67 = arith.constant 0 : i32
      %dma_wait3A_68 = tpu.memref_slice %arg7[%dma_wait3A_67] : memref<10000xi32, #tpu.memory_space<vmem>> -> memref<80xi32, #tpu.memory_space<vmem>>
      %dma_wait3A_69 = arith.constant 0 : i32
      %dma_wait3A_70 = arith.constant 0 : i32
      %dma_wait3A_71 = tpu.memref_slice %arg4[%dma_wait3A_69, %dma_wait3A_70] : memref<10000x128xf32, #tpu.memory_space<hbm>> -> memref<10000x128xf32, #tpu.memory_space<hbm>>
      tpu.wait_indirect_dma semaphore(%arg12 : memref<!tpu.dma_semaphore, #tpu.memory_space<semaphore_mem>>) src(%dma_wait3A_71 : memref<10000x128xf32, #tpu.memory_space<hbm>>) dst(%arg9 : memref<80x128xf32, #tpu.memory_space<vmem>>)
      "tpu.region"() ({
        %run_scoped3A_88 = tpu.sem_alloc : memref<!tpu.dma_semaphore, #tpu.memory_space<semaphore_mem>>
        %dma_start3A_89 = arith.constant 0 : i32
        %dma_start3A_90 = tpu.memref_slice %arg8[%mul3A_57, %dma_start3A_89] : memref<125x80xi32, #tpu.memory_space<vmem>> -> memref<1x80xi32, #tpu.memory_space<vmem>>
        %dma_start3A_91 = tpu.memref_squeeze %dma_start3A_90 : memref<1x80xi32, #tpu.memory_space<vmem>> -> memref<80xi32, #tpu.memory_space<vmem>>
        %dma_start3A_92 = arith.constant 0 : i32
        %dma_start3A_93 = arith.constant 0 : i32
        %dma_start3A_94 = tpu.memref_slice %arg11[%dma_start3A_92, %dma_start3A_93] : memref<10240x128xf32, #tpu.memory_space<vmem_shared>> -> memref<10240x128xf32, #tpu.memory_space<vmem_shared>>
        tpu.enqueue_indirect_dma source(%arg9 : memref<80x128xf32, #tpu.memory_space<vmem>>) target(%dma_start3A_94 : memref<10240x128xf32, #tpu.memory_space<vmem_shared>>) offsets(%dma_start3A_91 : memref<80xi32, #tpu.memory_space<vmem>>) semaphore(%run_scoped3A_88 : memref<!tpu.dma_semaphore, #tpu.memory_space<semaphore_mem>>) {add = true}
        %dma_wait3A_95 = arith.constant 0 : i32
        %dma_wait3A_96 = tpu.memref_slice %arg8[%mul3A_57, %dma_wait3A_95] : memref<125x80xi32, #tpu.memory_space<vmem>> -> memref<1x80xi32, #tpu.memory_space<vmem>>
        %dma_wait3A_97 = tpu.memref_squeeze %dma_wait3A_96 : memref<1x80xi32, #tpu.memory_space<vmem>> -> memref<80xi32, #tpu.memory_space<vmem>>
        %dma_wait3A_98 = arith.constant 0 : i32
        %dma_wait3A_99 = arith.constant 0 : i32
        %dma_wait3A_100 = tpu.memref_slice %arg11[%dma_wait3A_98, %dma_wait3A_99] : memref<10240x128xf32, #tpu.memory_space<vmem_shared>> -> memref<10240x128xf32, #tpu.memory_space<vmem_shared>>
        tpu.wait_indirect_dma semaphore(%run_scoped3A_88 : memref<!tpu.dma_semaphore, #tpu.memory_space<semaphore_mem>>) src(%arg9 : memref<80x128xf32, #tpu.memory_space<vmem>>) dst(%dma_wait3A_100 : memref<10240x128xf32, #tpu.memory_space<vmem_shared>>)
        tpu.yield
      }) : () -> ()
      %add3A_72 = arith.constant 2 : i32
      %add3A_73 = arith.addi %mul3A_57, %add3A_72 : i32
      %mul3A_74 = arith.constant 80 : i32
      %mul3A_75 = arith.muli %add3A_73, %mul3A_74 : i32
      %multiple_of3A_76 = tpu.assume_multiple %mul3A_75, 8 : i32
      %dma_start3A_77 = tpu.memref_slice %arg7[%multiple_of3A_76] : memref<10000xi32, #tpu.memory_space<vmem>> -> memref<80xi32, #tpu.memory_space<vmem>>
      %dma_start3A_78 = arith.constant 0 : i32
      %dma_start3A_79 = arith.constant 0 : i32
      %dma_start3A_80 = tpu.memref_slice %arg4[%dma_start3A_78, %dma_start3A_79] : memref<10000x128xf32, #tpu.memory_space<hbm>> -> memref<10000x128xf32, #tpu.memory_space<hbm>>
      tpu.enqueue_indirect_dma source(%dma_start3A_80 : memref<10000x128xf32, #tpu.memory_space<hbm>>) target(%arg9 : memref<80x128xf32, #tpu.memory_space<vmem>>) offsets(%dma_start3A_77 : memref<80xi32, #tpu.memory_space<vmem>>) semaphore(%arg12 : memref<!tpu.dma_semaphore, #tpu.memory_space<semaphore_mem>>)
      %dma_wait3A_81 = arith.constant 0 : i32
      %dma_wait3A_82 = tpu.memref_slice %arg7[%dma_wait3A_81] : memref<10000xi32, #tpu.memory_space<vmem>> -> memref<80xi32, #tpu.memory_space<vmem>>
      %dma_wait3A_83 = arith.constant 0 : i32
      %dma_wait3A_84 = arith.constant 0 : i32
      %dma_wait3A_85 = tpu.memref_slice %arg4[%dma_wait3A_83, %dma_wait3A_84] : memref<10000x128xf32, #tpu.memory_space<hbm>> -> memref<10000x128xf32, #tpu.memory_space<hbm>>
      tpu.wait_indirect_dma semaphore(%arg13 : memref<!tpu.dma_semaphore, #tpu.memory_space<semaphore_mem>>) src(%dma_wait3A_85 : memref<10000x128xf32, #tpu.memory_space<hbm>>) dst(%arg10 : memref<80x128xf32, #tpu.memory_space<vmem>>)
      %add3A_86 = arith.constant 1 : i32
      %add3A_87 = arith.addi %mul3A_57, %add3A_86 : i32
      "tpu.region"() ({
        %run_scoped3A_88 = tpu.sem_alloc : memref<!tpu.dma_semaphore, #tpu.memory_space<semaphore_mem>>
        %dma_start3A_89 = arith.constant 0 : i32
        %dma_start3A_90 = tpu.memref_slice %arg8[%add3A_87, %dma_start3A_89] : memref<125x80xi32, #tpu.memory_space<vmem>> -> memref<1x80xi32, #tpu.memory_space<vmem>>
        %dma_start3A_91 = tpu.memref_squeeze %dma_start3A_90 : memref<1x80xi32, #tpu.memory_space<vmem>> -> memref<80xi32, #tpu.memory_space<vmem>>
        %dma_start3A_92 = arith.constant 0 : i32
        %dma_start3A_93 = arith.constant 0 : i32
        %dma_start3A_94 = tpu.memref_slice %arg11[%dma_start3A_92, %dma_start3A_93] : memref<10240x128xf32, #tpu.memory_space<vmem_shared>> -> memref<10240x128xf32, #tpu.memory_space<vmem_shared>>
        tpu.enqueue_indirect_dma source(%arg10 : memref<80x128xf32, #tpu.memory_space<vmem>>) target(%dma_start3A_94 : memref<10240x128xf32, #tpu.memory_space<vmem_shared>>) offsets(%dma_start3A_91 : memref<80xi32, #tpu.memory_space<vmem>>) semaphore(%run_scoped3A_88 : memref<!tpu.dma_semaphore, #tpu.memory_space<semaphore_mem>>) {add = true}
        %dma_wait3A_95 = arith.constant 0 : i32
        %dma_wait3A_96 = tpu.memref_slice %arg8[%add3A_87, %dma_wait3A_95] : memref<125x80xi32, #tpu.memory_space<vmem>> -> memref<1x80xi32, #tpu.memory_space<vmem>>
        %dma_wait3A_97 = tpu.memref_squeeze %dma_wait3A_96 : memref<1x80xi32, #tpu.memory_space<vmem>> -> memref<80xi32, #tpu.memory_space<vmem>>
        %dma_wait3A_98 = arith.constant 0 : i32
        %dma_wait3A_99 = arith.constant 0 : i32
        %dma_wait3A_100 = tpu.memref_slice %arg11[%dma_wait3A_98, %dma_wait3A_99] : memref<10240x128xf32, #tpu.memory_space<vmem_shared>> -> memref<10240x128xf32, #tpu.memory_space<vmem_shared>>
        tpu.wait_indirect_dma semaphore(%run_scoped3A_88 : memref<!tpu.dma_semaphore, #tpu.memory_space<semaphore_mem>>) src(%arg10 : memref<80x128xf32, #tpu.memory_space<vmem>>) dst(%dma_wait3A_100 : memref<10240x128xf32, #tpu.memory_space<vmem_shared>>)
        tpu.yield
      }) : () -> ()
    }
    %scan3A_48 = arith.constant 62 : i32
    %dma_wait3A_49 = arith.constant 0 : i32
    %dma_wait3A_50 = tpu.memref_slice %arg7[%dma_wait3A_49] : memref<10000xi32, #tpu.memory_space<vmem>> -> memref<80xi32, #tpu.memory_space<vmem>>
    %dma_wait3A_51 = arith.constant 0 : i32
    %dma_wait3A_52 = arith.constant 0 : i32
    %dma_wait3A_53 = tpu.memref_slice %arg4[%dma_wait3A_51, %dma_wait3A_52] : memref<10000x128xf32, #tpu.memory_space<hbm>> -> memref<10000x128xf32, #tpu.memory_space<hbm>>
    tpu.wait_indirect_dma semaphore(%arg12 : memref<!tpu.dma_semaphore, #tpu.memory_space<semaphore_mem>>) src(%dma_wait3A_53 : memref<10000x128xf32, #tpu.memory_space<hbm>>) dst(%arg9 : memref<80x128xf32, #tpu.memory_space<vmem>>)
    %run_scoped3A = arith.constant 124 : i32
    "tpu.region"() ({
      %run_scoped3A_55 = tpu.sem_alloc : memref<!tpu.dma_semaphore, #tpu.memory_space<semaphore_mem>>
      %dma_start3A_56 = arith.constant 0 : i32
      %dma_start3A_57 = tpu.memref_slice %arg8[%run_scoped3A, %dma_start3A_56] : memref<125x80xi32, #tpu.memory_space<vmem>> -> memref<1x80xi32, #tpu.memory_space<vmem>>
      %dma_start3A_58 = tpu.memref_squeeze %dma_start3A_57 : memref<1x80xi32, #tpu.memory_space<vmem>> -> memref<80xi32, #tpu.memory_space<vmem>>
      %dma_start3A_59 = arith.constant 0 : i32
      %dma_start3A_60 = arith.constant 0 : i32
      %dma_start3A_61 = tpu.memref_slice %arg11[%dma_start3A_59, %dma_start3A_60] : memref<10240x128xf32, #tpu.memory_space<vmem_shared>> -> memref<10240x128xf32, #tpu.memory_space<vmem_shared>>
      tpu.enqueue_indirect_dma source(%arg9 : memref<80x128xf32, #tpu.memory_space<vmem>>) target(%dma_start3A_61 : memref<10240x128xf32, #tpu.memory_space<vmem_shared>>) offsets(%dma_start3A_58 : memref<80xi32, #tpu.memory_space<vmem>>) semaphore(%run_scoped3A_55 : memref<!tpu.dma_semaphore, #tpu.memory_space<semaphore_mem>>) {add = true}
      %dma_wait3A_62 = arith.constant 0 : i32
      %dma_wait3A_63 = tpu.memref_slice %arg8[%run_scoped3A, %dma_wait3A_62] : memref<125x80xi32, #tpu.memory_space<vmem>> -> memref<1x80xi32, #tpu.memory_space<vmem>>
      %dma_wait3A_64 = tpu.memref_squeeze %dma_wait3A_63 : memref<1x80xi32, #tpu.memory_space<vmem>> -> memref<80xi32, #tpu.memory_space<vmem>>
      %dma_wait3A_65 = arith.constant 0 : i32
      %dma_wait3A_66 = arith.constant 0 : i32
      %dma_wait3A_67 = tpu.memref_slice %arg11[%dma_wait3A_65, %dma_wait3A_66] : memref<10240x128xf32, #tpu.memory_space<vmem_shared>> -> memref<10240x128xf32, #tpu.memory_space<vmem_shared>>
      tpu.wait_indirect_dma semaphore(%run_scoped3A_55 : memref<!tpu.dma_semaphore, #tpu.memory_space<semaphore_mem>>) src(%arg9 : memref<80x128xf32, #tpu.memory_space<vmem>>) dst(%dma_wait3A_67 : memref<10240x128xf32, #tpu.memory_space<vmem_shared>>)
      tpu.yield
    }) : () -> ()
    %barrier3A_54 = arith.constant 0 : index
    tpu.barrier barrier_id(%barrier3A_54)
    "tpu.region"() ({
      %run_scoped3A_55 = tpu.sem_alloc : memref<!tpu.dma_semaphore, #tpu.memory_space<semaphore_mem>>
      %dma_start3A_56 = arith.constant 0 : i32
      %dma_start3A_57 = tpu.memref_slice %arg6[%arg0, %multiple_of3A, %dma_start3A_56] : memref<2x10240x128xf32, #tpu.memory_space<hbm>> -> memref<1x640x128xf32, #tpu.memory_space<hbm>>
      %dma_start3A_58 = tpu.memref_squeeze %dma_start3A_57 : memref<1x640x128xf32, #tpu.memory_space<hbm>> -> memref<640x128xf32, #tpu.memory_space<hbm>>
      %dma_start3A_59 = arith.constant 0 : i32
      %dma_start3A_60 = tpu.memref_slice %arg11[%multiple_of3A, %dma_start3A_59] : memref<10240x128xf32, #tpu.memory_space<vmem_shared>> -> memref<640x128xf32, #tpu.memory_space<vmem_shared>>
      tpu.enqueue_dma source(%dma_start3A_60 : memref<640x128xf32, #tpu.memory_space<vmem_shared>>) target(%dma_start3A_58 : memref<640x128xf32, #tpu.memory_space<hbm>>) target_semaphore(%run_scoped3A_55 : memref<!tpu.dma_semaphore, #tpu.memory_space<semaphore_mem>>)
      %dma_wait3A_61 = arith.constant 0 : i32
      %dma_wait3A_62 = tpu.memref_slice %arg6[%arg0, %multiple_of3A, %dma_wait3A_61] : memref<2x10240x128xf32, #tpu.memory_space<hbm>> -> memref<1x640x128xf32, #tpu.memory_space<hbm>>
      %dma_wait3A_63 = tpu.memref_squeeze %dma_wait3A_62 : memref<1x640x128xf32, #tpu.memory_space<hbm>> -> memref<640x128xf32, #tpu.memory_space<hbm>>
      %dma_wait3A_64 = arith.constant 0 : i32
      %dma_wait3A_65 = tpu.memref_slice %arg11[%multiple_of3A, %dma_wait3A_64] : memref<10240x128xf32, #tpu.memory_space<vmem_shared>> -> memref<640x128xf32, #tpu.memory_space<vmem_shared>>
      tpu.wait_dma2 semaphore(%run_scoped3A_55 : memref<!tpu.dma_semaphore, #tpu.memory_space<semaphore_mem>>) src(%dma_wait3A_65 : memref<640x128xf32, #tpu.memory_space<vmem_shared>>) dst(%dma_wait3A_63 : memref<640x128xf32, #tpu.memory_space<hbm>>)
      tpu.yield
    }) : () -> ()
    return
  }
}

#map = affine_map<(d0, d1) -> (0, 0, 0)>
#map1 = affine_map<(d0, d1) -> (0, 0)>
module attributes {stable_mosaic.version = 14 : i64} {
  func.func @_sc_degree(%arg0: i32, %arg1: i32, %arg2: memref<32x125x80xi32, #tpu.memory_space<hbm>>, %arg3: memref<80x128xf32, #tpu.memory_space<hbm>>, %arg4: memref<10240x128xf32, #tpu.memory_space<hbm>>, %arg5: memref<2x10240x128xf32, #tpu.memory_space<hbm>>, %arg6: memref<125x80xi32, #tpu.memory_space<vmem>>, %arg7: memref<80x128xf32, #tpu.memory_space<vmem>>, %arg8: memref<10240x128xf32, #tpu.memory_space<vmem_shared>>, %arg9: memref<!tpu.dma_semaphore, #tpu.memory_space<semaphore_mem>>, %arg10: memref<!tpu.dma_semaphore, #tpu.memory_space<semaphore_mem>>) attributes {dimension_semantics = [#tpu.dimension_semantics<core_parallel>, #tpu.dimension_semantics<subcore_parallel>], iteration_bounds = array<i64: 2, 16>, scalar_prefetch = 0 : i64, scratch_operands = 5 : i64, tpu.core_type = #tpu.core_type<sc_vector_subcore>, window_params = [{transform_indices = #map}, {transform_indices = #map1}, {transform_indices = #map1}, {transform_indices = #map}]} {
    %mul3A = arith.constant 16 : i32
    %mul3A_0 = arith.muli %arg0, %mul3A : i32
    %add3A = arith.addi %mul3A_0, %arg1 : i32
    %mul3A_1 = arith.constant 640 : i32
    %mul3A_2 = arith.muli %arg1, %mul3A_1 : i32
    %multiple_of3A = tpu.assume_multiple %mul3A_2, 8 : i32
    tpu.enqueue_dma source(%arg3 : memref<80x128xf32, #tpu.memory_space<hbm>>) target(%arg7 : memref<80x128xf32, #tpu.memory_space<vmem>>) target_semaphore(%arg9 : memref<!tpu.dma_semaphore, #tpu.memory_space<semaphore_mem>>)
    %dma_start3A = arith.constant 0 : i32
    %dma_start3A_3 = arith.constant 0 : i32
    %dma_start3A_4 = tpu.memref_slice %arg2[%add3A, %dma_start3A, %dma_start3A_3] : memref<32x125x80xi32, #tpu.memory_space<hbm>> -> memref<1x125x80xi32, #tpu.memory_space<hbm>>
    %dma_start3A_5 = tpu.memref_squeeze %dma_start3A_4 : memref<1x125x80xi32, #tpu.memory_space<hbm>> -> memref<125x80xi32, #tpu.memory_space<hbm>>
    %dma_start3A_6 = arith.constant 0 : i32
    %dma_start3A_7 = arith.constant 0 : i32
    %dma_start3A_8 = tpu.memref_slice %arg2[%add3A, %dma_start3A_6, %dma_start3A_7] : memref<32x125x80xi32, #tpu.memory_space<hbm>> -> memref<1x125x80xi32, #tpu.memory_space<hbm>>
    %dma_start3A_9 = tpu.memref_squeeze %dma_start3A_8 : memref<1x125x80xi32, #tpu.memory_space<hbm>> -> memref<125x80xi32, #tpu.memory_space<hbm>>
    tpu.enqueue_dma source(%dma_start3A_9 : memref<125x80xi32, #tpu.memory_space<hbm>>) target(%arg6 : memref<125x80xi32, #tpu.memory_space<vmem>>) target_semaphore(%arg10 : memref<!tpu.dma_semaphore, #tpu.memory_space<semaphore_mem>>)
    "tpu.region"() ({
      %run_scoped3A = tpu.sem_alloc : memref<!tpu.dma_semaphore, #tpu.memory_space<semaphore_mem>>
      %dma_start3A_65 = arith.constant 0 : i32
      %dma_start3A_66 = tpu.memref_slice %arg8[%multiple_of3A, %dma_start3A_65] : memref<10240x128xf32, #tpu.memory_space<vmem_shared>> -> memref<640x128xf32, #tpu.memory_space<vmem_shared>>
      %dma_start3A_67 = arith.constant 0 : i32
      %dma_start3A_68 = tpu.memref_slice %arg4[%multiple_of3A, %dma_start3A_67] : memref<10240x128xf32, #tpu.memory_space<hbm>> -> memref<640x128xf32, #tpu.memory_space<hbm>>
      tpu.enqueue_dma source(%dma_start3A_68 : memref<640x128xf32, #tpu.memory_space<hbm>>) target(%dma_start3A_66 : memref<640x128xf32, #tpu.memory_space<vmem_shared>>) target_semaphore(%run_scoped3A : memref<!tpu.dma_semaphore, #tpu.memory_space<semaphore_mem>>)
      %dma_wait3A_69 = arith.constant 0 : i32
      %dma_wait3A_70 = tpu.memref_slice %arg8[%multiple_of3A, %dma_wait3A_69] : memref<10240x128xf32, #tpu.memory_space<vmem_shared>> -> memref<640x128xf32, #tpu.memory_space<vmem_shared>>
      %dma_wait3A_71 = arith.constant 0 : i32
      %dma_wait3A_72 = tpu.memref_slice %arg4[%multiple_of3A, %dma_wait3A_71] : memref<10240x128xf32, #tpu.memory_space<hbm>> -> memref<640x128xf32, #tpu.memory_space<hbm>>
      tpu.wait_dma2 semaphore(%run_scoped3A : memref<!tpu.dma_semaphore, #tpu.memory_space<semaphore_mem>>) src(%dma_wait3A_72 : memref<640x128xf32, #tpu.memory_space<hbm>>) dst(%dma_wait3A_70 : memref<640x128xf32, #tpu.memory_space<vmem_shared>>)
      tpu.yield
    }) : () -> ()
    tpu.wait_dma2 semaphore(%arg9 : memref<!tpu.dma_semaphore, #tpu.memory_space<semaphore_mem>>) src(%arg3 : memref<80x128xf32, #tpu.memory_space<hbm>>) dst(%arg7 : memref<80x128xf32, #tpu.memory_space<vmem>>)
    %dma_wait3A = arith.constant 0 : i32
    %dma_wait3A_10 = arith.constant 0 : i32
    %dma_wait3A_11 = tpu.memref_slice %arg2[%add3A, %dma_wait3A, %dma_wait3A_10] : memref<32x125x80xi32, #tpu.memory_space<hbm>> -> memref<1x125x80xi32, #tpu.memory_space<hbm>>
    %dma_wait3A_12 = tpu.memref_squeeze %dma_wait3A_11 : memref<1x125x80xi32, #tpu.memory_space<hbm>> -> memref<125x80xi32, #tpu.memory_space<hbm>>
    %dma_wait3A_13 = arith.constant 0 : i32
    %dma_wait3A_14 = arith.constant 0 : i32
    %dma_wait3A_15 = tpu.memref_slice %arg2[%add3A, %dma_wait3A_13, %dma_wait3A_14] : memref<32x125x80xi32, #tpu.memory_space<hbm>> -> memref<1x125x80xi32, #tpu.memory_space<hbm>>
    %dma_wait3A_16 = tpu.memref_squeeze %dma_wait3A_15 : memref<1x125x80xi32, #tpu.memory_space<hbm>> -> memref<125x80xi32, #tpu.memory_space<hbm>>
    tpu.wait_dma2 semaphore(%arg10 : memref<!tpu.dma_semaphore, #tpu.memory_space<semaphore_mem>>) src(%dma_wait3A_16 : memref<125x80xi32, #tpu.memory_space<hbm>>) dst(%arg6 : memref<125x80xi32, #tpu.memory_space<vmem>>)
    %barrier3A = arith.constant 0 : index
    tpu.barrier barrier_id(%barrier3A)
    %dma_start3A_17 = arith.constant 0 : i32
    %dma_start3A_18 = arith.constant 0 : i32
    %dma_start3A_19 = tpu.memref_slice %arg6[%dma_start3A_17, %dma_start3A_18] : memref<125x80xi32, #tpu.memory_space<vmem>> -> memref<1x80xi32, #tpu.memory_space<vmem>>
    %dma_start3A_20 = tpu.memref_squeeze %dma_start3A_19 : memref<1x80xi32, #tpu.memory_space<vmem>> -> memref<80xi32, #tpu.memory_space<vmem>>
    %dma_start3A_21 = arith.constant 0 : i32
    %dma_start3A_22 = arith.constant 0 : i32
    %dma_start3A_23 = tpu.memref_slice %arg8[%dma_start3A_21, %dma_start3A_22] : memref<10240x128xf32, #tpu.memory_space<vmem_shared>> -> memref<10240x128xf32, #tpu.memory_space<vmem_shared>>
    tpu.enqueue_indirect_dma source(%arg7 : memref<80x128xf32, #tpu.memory_space<vmem>>) target(%dma_start3A_23 : memref<10240x128xf32, #tpu.memory_space<vmem_shared>>) offsets(%dma_start3A_20 : memref<80xi32, #tpu.memory_space<vmem>>) semaphore(%arg9 : memref<!tpu.dma_semaphore, #tpu.memory_space<semaphore_mem>>) {add = true}
    %dma_start3A_24 = arith.constant 1 : i32
    %dma_start3A_25 = arith.constant 0 : i32
    %dma_start3A_26 = tpu.memref_slice %arg6[%dma_start3A_24, %dma_start3A_25] : memref<125x80xi32, #tpu.memory_space<vmem>> -> memref<1x80xi32, #tpu.memory_space<vmem>>
    %dma_start3A_27 = tpu.memref_squeeze %dma_start3A_26 : memref<1x80xi32, #tpu.memory_space<vmem>> -> memref<80xi32, #tpu.memory_space<vmem>>
    %dma_start3A_28 = arith.constant 0 : i32
    %dma_start3A_29 = arith.constant 0 : i32
    %dma_start3A_30 = tpu.memref_slice %arg8[%dma_start3A_28, %dma_start3A_29] : memref<10240x128xf32, #tpu.memory_space<vmem_shared>> -> memref<10240x128xf32, #tpu.memory_space<vmem_shared>>
    tpu.enqueue_indirect_dma source(%arg7 : memref<80x128xf32, #tpu.memory_space<vmem>>) target(%dma_start3A_30 : memref<10240x128xf32, #tpu.memory_space<vmem_shared>>) offsets(%dma_start3A_27 : memref<80xi32, #tpu.memory_space<vmem>>) semaphore(%arg10 : memref<!tpu.dma_semaphore, #tpu.memory_space<semaphore_mem>>) {add = true}
    %scan3A = arith.constant 0 : i32
    %scan3A_31 = arith.constant 0 : i32
    %scan3A_32 = arith.constant 61 : i32
    %scan3A_33 = arith.addi %scan3A_31, %scan3A_32 : i32
    %scan3A_34 = arith.constant 1 : i32
    scf.for %scan3A_65 = %scan3A_31 to %scan3A_33 step %scan3A_34  : i32 {
      %mul3A_66 = arith.constant 2 : i32
      %mul3A_67 = arith.muli %scan3A_65, %mul3A_66 : i32
      %dma_wait3A_68 = arith.constant 0 : i32
      %dma_wait3A_69 = tpu.memref_slice %arg6[%mul3A_67, %dma_wait3A_68] : memref<125x80xi32, #tpu.memory_space<vmem>> -> memref<1x80xi32, #tpu.memory_space<vmem>>
      %dma_wait3A_70 = tpu.memref_squeeze %dma_wait3A_69 : memref<1x80xi32, #tpu.memory_space<vmem>> -> memref<80xi32, #tpu.memory_space<vmem>>
      %dma_wait3A_71 = arith.constant 0 : i32
      %dma_wait3A_72 = arith.constant 0 : i32
      %dma_wait3A_73 = tpu.memref_slice %arg8[%dma_wait3A_71, %dma_wait3A_72] : memref<10240x128xf32, #tpu.memory_space<vmem_shared>> -> memref<10240x128xf32, #tpu.memory_space<vmem_shared>>
      tpu.wait_indirect_dma semaphore(%arg9 : memref<!tpu.dma_semaphore, #tpu.memory_space<semaphore_mem>>) src(%arg7 : memref<80x128xf32, #tpu.memory_space<vmem>>) dst(%dma_wait3A_73 : memref<10240x128xf32, #tpu.memory_space<vmem_shared>>)
      %add3A_74 = arith.constant 2 : i32
      %add3A_75 = arith.addi %mul3A_67, %add3A_74 : i32
      %dma_start3A_76 = arith.constant 0 : i32
      %dma_start3A_77 = tpu.memref_slice %arg6[%add3A_75, %dma_start3A_76] : memref<125x80xi32, #tpu.memory_space<vmem>> -> memref<1x80xi32, #tpu.memory_space<vmem>>
      %dma_start3A_78 = tpu.memref_squeeze %dma_start3A_77 : memref<1x80xi32, #tpu.memory_space<vmem>> -> memref<80xi32, #tpu.memory_space<vmem>>
      %dma_start3A_79 = arith.constant 0 : i32
      %dma_start3A_80 = arith.constant 0 : i32
      %dma_start3A_81 = tpu.memref_slice %arg8[%dma_start3A_79, %dma_start3A_80] : memref<10240x128xf32, #tpu.memory_space<vmem_shared>> -> memref<10240x128xf32, #tpu.memory_space<vmem_shared>>
      tpu.enqueue_indirect_dma source(%arg7 : memref<80x128xf32, #tpu.memory_space<vmem>>) target(%dma_start3A_81 : memref<10240x128xf32, #tpu.memory_space<vmem_shared>>) offsets(%dma_start3A_78 : memref<80xi32, #tpu.memory_space<vmem>>) semaphore(%arg9 : memref<!tpu.dma_semaphore, #tpu.memory_space<semaphore_mem>>) {add = true}
      %add3A_82 = arith.constant 1 : i32
      %add3A_83 = arith.addi %mul3A_67, %add3A_82 : i32
      %dma_wait3A_84 = arith.constant 0 : i32
      %dma_wait3A_85 = tpu.memref_slice %arg6[%add3A_83, %dma_wait3A_84] : memref<125x80xi32, #tpu.memory_space<vmem>> -> memref<1x80xi32, #tpu.memory_space<vmem>>
      %dma_wait3A_86 = tpu.memref_squeeze %dma_wait3A_85 : memref<1x80xi32, #tpu.memory_space<vmem>> -> memref<80xi32, #tpu.memory_space<vmem>>
      %dma_wait3A_87 = arith.constant 0 : i32
      %dma_wait3A_88 = arith.constant 0 : i32
      %dma_wait3A_89 = tpu.memref_slice %arg8[%dma_wait3A_87, %dma_wait3A_88] : memref<10240x128xf32, #tpu.memory_space<vmem_shared>> -> memref<10240x128xf32, #tpu.memory_space<vmem_shared>>
      tpu.wait_indirect_dma semaphore(%arg10 : memref<!tpu.dma_semaphore, #tpu.memory_space<semaphore_mem>>) src(%arg7 : memref<80x128xf32, #tpu.memory_space<vmem>>) dst(%dma_wait3A_89 : memref<10240x128xf32, #tpu.memory_space<vmem_shared>>)
      %add3A_90 = arith.constant 3 : i32
      %add3A_91 = arith.addi %mul3A_67, %add3A_90 : i32
      %dma_start3A_92 = arith.constant 0 : i32
      %dma_start3A_93 = tpu.memref_slice %arg6[%add3A_91, %dma_start3A_92] : memref<125x80xi32, #tpu.memory_space<vmem>> -> memref<1x80xi32, #tpu.memory_space<vmem>>
      %dma_start3A_94 = tpu.memref_squeeze %dma_start3A_93 : memref<1x80xi32, #tpu.memory_space<vmem>> -> memref<80xi32, #tpu.memory_space<vmem>>
      %dma_start3A_95 = arith.constant 0 : i32
      %dma_start3A_96 = arith.constant 0 : i32
      %dma_start3A_97 = tpu.memref_slice %arg8[%dma_start3A_95, %dma_start3A_96] : memref<10240x128xf32, #tpu.memory_space<vmem_shared>> -> memref<10240x128xf32, #tpu.memory_space<vmem_shared>>
      tpu.enqueue_indirect_dma source(%arg7 : memref<80x128xf32, #tpu.memory_space<vmem>>) target(%dma_start3A_97 : memref<10240x128xf32, #tpu.memory_space<vmem_shared>>) offsets(%dma_start3A_94 : memref<80xi32, #tpu.memory_space<vmem>>) semaphore(%arg10 : memref<!tpu.dma_semaphore, #tpu.memory_space<semaphore_mem>>) {add = true}
    }
    %scan3A_35 = arith.constant 61 : i32
    %dma_wait3A_36 = arith.constant 122 : i32
    %dma_wait3A_37 = arith.constant 0 : i32
    %dma_wait3A_38 = tpu.memref_slice %arg6[%dma_wait3A_36, %dma_wait3A_37] : memref<125x80xi32, #tpu.memory_space<vmem>> -> memref<1x80xi32, #tpu.memory_space<vmem>>
    %dma_wait3A_39 = tpu.memref_squeeze %dma_wait3A_38 : memref<1x80xi32, #tpu.memory_space<vmem>> -> memref<80xi32, #tpu.memory_space<vmem>>
    %dma_wait3A_40 = arith.constant 0 : i32
    %dma_wait3A_41 = arith.constant 0 : i32
    %dma_wait3A_42 = tpu.memref_slice %arg8[%dma_wait3A_40, %dma_wait3A_41] : memref<10240x128xf32, #tpu.memory_space<vmem_shared>> -> memref<10240x128xf32, #tpu.memory_space<vmem_shared>>
    tpu.wait_indirect_dma semaphore(%arg9 : memref<!tpu.dma_semaphore, #tpu.memory_space<semaphore_mem>>) src(%arg7 : memref<80x128xf32, #tpu.memory_space<vmem>>) dst(%dma_wait3A_42 : memref<10240x128xf32, #tpu.memory_space<vmem_shared>>)
    %dma_start3A_43 = arith.constant 124 : i32
    %dma_start3A_44 = arith.constant 0 : i32
    %dma_start3A_45 = tpu.memref_slice %arg6[%dma_start3A_43, %dma_start3A_44] : memref<125x80xi32, #tpu.memory_space<vmem>> -> memref<1x80xi32, #tpu.memory_space<vmem>>
    %dma_start3A_46 = tpu.memref_squeeze %dma_start3A_45 : memref<1x80xi32, #tpu.memory_space<vmem>> -> memref<80xi32, #tpu.memory_space<vmem>>
    %dma_start3A_47 = arith.constant 0 : i32
    %dma_start3A_48 = arith.constant 0 : i32
    %dma_start3A_49 = tpu.memref_slice %arg8[%dma_start3A_47, %dma_start3A_48] : memref<10240x128xf32, #tpu.memory_space<vmem_shared>> -> memref<10240x128xf32, #tpu.memory_space<vmem_shared>>
    tpu.enqueue_indirect_dma source(%arg7 : memref<80x128xf32, #tpu.memory_space<vmem>>) target(%dma_start3A_49 : memref<10240x128xf32, #tpu.memory_space<vmem_shared>>) offsets(%dma_start3A_46 : memref<80xi32, #tpu.memory_space<vmem>>) semaphore(%arg9 : memref<!tpu.dma_semaphore, #tpu.memory_space<semaphore_mem>>) {add = true}
    %dma_wait3A_50 = arith.constant 123 : i32
    %dma_wait3A_51 = arith.constant 0 : i32
    %dma_wait3A_52 = tpu.memref_slice %arg6[%dma_wait3A_50, %dma_wait3A_51] : memref<125x80xi32, #tpu.memory_space<vmem>> -> memref<1x80xi32, #tpu.memory_space<vmem>>
    %dma_wait3A_53 = tpu.memref_squeeze %dma_wait3A_52 : memref<1x80xi32, #tpu.memory_space<vmem>> -> memref<80xi32, #tpu.memory_space<vmem>>
    %dma_wait3A_54 = arith.constant 0 : i32
    %dma_wait3A_55 = arith.constant 0 : i32
    %dma_wait3A_56 = tpu.memref_slice %arg8[%dma_wait3A_54, %dma_wait3A_55] : memref<10240x128xf32, #tpu.memory_space<vmem_shared>> -> memref<10240x128xf32, #tpu.memory_space<vmem_shared>>
    tpu.wait_indirect_dma semaphore(%arg10 : memref<!tpu.dma_semaphore, #tpu.memory_space<semaphore_mem>>) src(%arg7 : memref<80x128xf32, #tpu.memory_space<vmem>>) dst(%dma_wait3A_56 : memref<10240x128xf32, #tpu.memory_space<vmem_shared>>)
    %dma_wait3A_57 = arith.constant 124 : i32
    %dma_wait3A_58 = arith.constant 0 : i32
    %dma_wait3A_59 = tpu.memref_slice %arg6[%dma_wait3A_57, %dma_wait3A_58] : memref<125x80xi32, #tpu.memory_space<vmem>> -> memref<1x80xi32, #tpu.memory_space<vmem>>
    %dma_wait3A_60 = tpu.memref_squeeze %dma_wait3A_59 : memref<1x80xi32, #tpu.memory_space<vmem>> -> memref<80xi32, #tpu.memory_space<vmem>>
    %dma_wait3A_61 = arith.constant 0 : i32
    %dma_wait3A_62 = arith.constant 0 : i32
    %dma_wait3A_63 = tpu.memref_slice %arg8[%dma_wait3A_61, %dma_wait3A_62] : memref<10240x128xf32, #tpu.memory_space<vmem_shared>> -> memref<10240x128xf32, #tpu.memory_space<vmem_shared>>
    tpu.wait_indirect_dma semaphore(%arg9 : memref<!tpu.dma_semaphore, #tpu.memory_space<semaphore_mem>>) src(%arg7 : memref<80x128xf32, #tpu.memory_space<vmem>>) dst(%dma_wait3A_63 : memref<10240x128xf32, #tpu.memory_space<vmem_shared>>)
    %barrier3A_64 = arith.constant 0 : index
    tpu.barrier barrier_id(%barrier3A_64)
    "tpu.region"() ({
      %run_scoped3A = tpu.sem_alloc : memref<!tpu.dma_semaphore, #tpu.memory_space<semaphore_mem>>
      %dma_start3A_65 = arith.constant 0 : i32
      %dma_start3A_66 = tpu.memref_slice %arg5[%arg0, %multiple_of3A, %dma_start3A_65] : memref<2x10240x128xf32, #tpu.memory_space<hbm>> -> memref<1x640x128xf32, #tpu.memory_space<hbm>>
      %dma_start3A_67 = tpu.memref_squeeze %dma_start3A_66 : memref<1x640x128xf32, #tpu.memory_space<hbm>> -> memref<640x128xf32, #tpu.memory_space<hbm>>
      %dma_start3A_68 = arith.constant 0 : i32
      %dma_start3A_69 = tpu.memref_slice %arg8[%multiple_of3A, %dma_start3A_68] : memref<10240x128xf32, #tpu.memory_space<vmem_shared>> -> memref<640x128xf32, #tpu.memory_space<vmem_shared>>
      tpu.enqueue_dma source(%dma_start3A_69 : memref<640x128xf32, #tpu.memory_space<vmem_shared>>) target(%dma_start3A_67 : memref<640x128xf32, #tpu.memory_space<hbm>>) target_semaphore(%run_scoped3A : memref<!tpu.dma_semaphore, #tpu.memory_space<semaphore_mem>>)
      %dma_wait3A_70 = arith.constant 0 : i32
      %dma_wait3A_71 = tpu.memref_slice %arg5[%arg0, %multiple_of3A, %dma_wait3A_70] : memref<2x10240x128xf32, #tpu.memory_space<hbm>> -> memref<1x640x128xf32, #tpu.memory_space<hbm>>
      %dma_wait3A_72 = tpu.memref_squeeze %dma_wait3A_71 : memref<1x640x128xf32, #tpu.memory_space<hbm>> -> memref<640x128xf32, #tpu.memory_space<hbm>>
      %dma_wait3A_73 = arith.constant 0 : i32
      %dma_wait3A_74 = tpu.memref_slice %arg8[%multiple_of3A, %dma_wait3A_73] : memref<10240x128xf32, #tpu.memory_space<vmem_shared>> -> memref<640x128xf32, #tpu.memory_space<vmem_shared>>
      tpu.wait_dma2 semaphore(%run_scoped3A : memref<!tpu.dma_semaphore, #tpu.memory_space<semaphore_mem>>) src(%dma_wait3A_74 : memref<640x128xf32, #tpu.memory_space<vmem_shared>>) dst(%dma_wait3A_72 : memref<640x128xf32, #tpu.memory_space<hbm>>)
      tpu.yield
    }) : () -> ()
    return
  }
}

#map = affine_map<(d0, d1) -> (0)>
#map1 = affine_map<(d0, d1) -> (0, 0, 0)>
#map2 = affine_map<(d0, d1) -> (0, 0)>
module attributes {stable_mosaic.version = 14 : i64} {
  func.func @_sc_spass(%arg0: i32, %arg1: i32, %arg2: memref<320000xi32, #tpu.memory_space<hbm>>, %arg3: memref<32x125x80xi32, #tpu.memory_space<hbm>>, %arg4: memref<10000x128xf32, #tpu.memory_space<hbm>>, %arg5: memref<10240x128xf32, #tpu.memory_space<hbm>>, %arg6: memref<2x10240x128xf32, #tpu.memory_space<hbm>>, %arg7: memref<10000xi32, #tpu.memory_space<vmem>>, %arg8: memref<125x80xi32, #tpu.memory_space<vmem>>, %arg9: memref<80x128xf32, #tpu.memory_space<vmem>>, %arg10: memref<80x128xf32, #tpu.memory_space<vmem>>, %arg11: memref<10240x128xf32, #tpu.memory_space<vmem_shared>>, %arg12: memref<!tpu.dma_semaphore, #tpu.memory_space<semaphore_mem>>, %arg13: memref<!tpu.dma_semaphore, #tpu.memory_space<semaphore_mem>>) attributes {dimension_semantics = [#tpu.dimension_semantics<core_parallel>, #tpu.dimension_semantics<subcore_parallel>], iteration_bounds = array<i64: 2, 16>, scalar_prefetch = 0 : i64, scratch_operands = 7 : i64, tpu.core_type = #tpu.core_type<sc_vector_subcore>, window_params = [{transform_indices = #map}, {transform_indices = #map1}, {transform_indices = #map2}, {transform_indices = #map2}, {transform_indices = #map1}]} {
    %mul3A = arith.constant 16 : i32
    %mul3A_0 = arith.muli %arg0, %mul3A : i32
    %add3A = arith.addi %mul3A_0, %arg1 : i32
    %mul3A_1 = arith.constant 640 : i32
    %mul3A_2 = arith.muli %arg1, %mul3A_1 : i32
    %multiple_of3A = tpu.assume_multiple %mul3A_2, 8 : i32
    %mul3A_3 = arith.constant 10000 : i32
    %mul3A_4 = arith.muli %add3A, %mul3A_3 : i32
    %dma_start3A = tpu.memref_slice %arg2[%mul3A_4] : memref<320000xi32, #tpu.memory_space<hbm>> -> memref<10000xi32, #tpu.memory_space<hbm>>
    %dma_start3A_5 = tpu.memref_slice %arg2[%mul3A_4] : memref<320000xi32, #tpu.memory_space<hbm>> -> memref<10000xi32, #tpu.memory_space<hbm>>
    tpu.enqueue_dma source(%dma_start3A_5 : memref<10000xi32, #tpu.memory_space<hbm>>) target(%arg7 : memref<10000xi32, #tpu.memory_space<vmem>>) target_semaphore(%arg12 : memref<!tpu.dma_semaphore, #tpu.memory_space<semaphore_mem>>)
    %dma_start3A_6 = arith.constant 0 : i32
    %dma_start3A_7 = arith.constant 0 : i32
    %dma_start3A_8 = tpu.memref_slice %arg3[%add3A, %dma_start3A_6, %dma_start3A_7] : memref<32x125x80xi32, #tpu.memory_space<hbm>> -> memref<1x125x80xi32, #tpu.memory_space<hbm>>
    %dma_start3A_9 = tpu.memref_squeeze %dma_start3A_8 : memref<1x125x80xi32, #tpu.memory_space<hbm>> -> memref<125x80xi32, #tpu.memory_space<hbm>>
    %dma_start3A_10 = arith.constant 0 : i32
    %dma_start3A_11 = arith.constant 0 : i32
    %dma_start3A_12 = tpu.memref_slice %arg3[%add3A, %dma_start3A_10, %dma_start3A_11] : memref<32x125x80xi32, #tpu.memory_space<hbm>> -> memref<1x125x80xi32, #tpu.memory_space<hbm>>
    %dma_start3A_13 = tpu.memref_squeeze %dma_start3A_12 : memref<1x125x80xi32, #tpu.memory_space<hbm>> -> memref<125x80xi32, #tpu.memory_space<hbm>>
    tpu.enqueue_dma source(%dma_start3A_13 : memref<125x80xi32, #tpu.memory_space<hbm>>) target(%arg8 : memref<125x80xi32, #tpu.memory_space<vmem>>) target_semaphore(%arg13 : memref<!tpu.dma_semaphore, #tpu.memory_space<semaphore_mem>>)
    %eq3A = arith.constant 0 : i32
    %eq3A_14 = arith.cmpi eq, %arg0, %eq3A : i32
    %lt3A = arith.constant 15 : i32
    %lt3A_15 = arith.cmpi slt, %arg1, %lt3A : i32
    %and3A = arith.andi %eq3A_14, %lt3A_15 : i1
    %convert_element_type3A = arith.extui %and3A : i1 to i32
    %cond3A = arith.constant 0 : i32
    %cond3A_16 = arith.cmpi ne, %convert_element_type3A, %cond3A : i32
    scf.if %cond3A_16 {
      "tpu.region"() ({
        %run_scoped3A_55 = tpu.sem_alloc : memref<!tpu.dma_semaphore, #tpu.memory_space<semaphore_mem>>
        %dma_start3A_56 = arith.constant 0 : i32
        %dma_start3A_57 = tpu.memref_slice %arg11[%multiple_of3A, %dma_start3A_56] : memref<10240x128xf32, #tpu.memory_space<vmem_shared>> -> memref<640x128xf32, #tpu.memory_space<vmem_shared>>
        %dma_start3A_58 = arith.constant 0 : i32
        %dma_start3A_59 = tpu.memref_slice %arg4[%multiple_of3A, %dma_start3A_58] : memref<10000x128xf32, #tpu.memory_space<hbm>> -> memref<640x128xf32, #tpu.memory_space<hbm>>
        tpu.enqueue_dma source(%dma_start3A_59 : memref<640x128xf32, #tpu.memory_space<hbm>>) target(%dma_start3A_57 : memref<640x128xf32, #tpu.memory_space<vmem_shared>>) target_semaphore(%run_scoped3A_55 : memref<!tpu.dma_semaphore, #tpu.memory_space<semaphore_mem>>)
        %dma_wait3A_60 = arith.constant 0 : i32
        %dma_wait3A_61 = tpu.memref_slice %arg11[%multiple_of3A, %dma_wait3A_60] : memref<10240x128xf32, #tpu.memory_space<vmem_shared>> -> memref<640x128xf32, #tpu.memory_space<vmem_shared>>
        %dma_wait3A_62 = arith.constant 0 : i32
        %dma_wait3A_63 = tpu.memref_slice %arg4[%multiple_of3A, %dma_wait3A_62] : memref<10000x128xf32, #tpu.memory_space<hbm>> -> memref<640x128xf32, #tpu.memory_space<hbm>>
        tpu.wait_dma2 semaphore(%run_scoped3A_55 : memref<!tpu.dma_semaphore, #tpu.memory_space<semaphore_mem>>) src(%dma_wait3A_63 : memref<640x128xf32, #tpu.memory_space<hbm>>) dst(%dma_wait3A_61 : memref<640x128xf32, #tpu.memory_space<vmem_shared>>)
        tpu.yield
      }) : () -> ()
    } else {
    }
    %eq3A_17 = arith.constant 0 : i32
    %eq3A_18 = arith.cmpi eq, %arg0, %eq3A_17 : i32
    %eq3A_19 = arith.constant 15 : i32
    %eq3A_20 = arith.cmpi eq, %arg1, %eq3A_19 : i32
    %and3A_21 = arith.andi %eq3A_18, %eq3A_20 : i1
    %convert_element_type3A_22 = arith.extui %and3A_21 : i1 to i32
    %cond3A_23 = arith.constant 0 : i32
    %cond3A_24 = arith.cmpi ne, %convert_element_type3A_22, %cond3A_23 : i32
    scf.if %cond3A_24 {
      "tpu.region"() ({
        %run_scoped3A_55 = tpu.sem_alloc : memref<!tpu.dma_semaphore, #tpu.memory_space<semaphore_mem>>
        %dma_start3A_56 = arith.constant 0 : i32
        %dma_start3A_57 = tpu.memref_slice %arg11[%multiple_of3A, %dma_start3A_56] : memref<10240x128xf32, #tpu.memory_space<vmem_shared>> -> memref<400x128xf32, #tpu.memory_space<vmem_shared>>
        %dma_start3A_58 = arith.constant 0 : i32
        %dma_start3A_59 = tpu.memref_slice %arg4[%multiple_of3A, %dma_start3A_58] : memref<10000x128xf32, #tpu.memory_space<hbm>> -> memref<400x128xf32, #tpu.memory_space<hbm>>
        tpu.enqueue_dma source(%dma_start3A_59 : memref<400x128xf32, #tpu.memory_space<hbm>>) target(%dma_start3A_57 : memref<400x128xf32, #tpu.memory_space<vmem_shared>>) target_semaphore(%run_scoped3A_55 : memref<!tpu.dma_semaphore, #tpu.memory_space<semaphore_mem>>)
        %dma_wait3A_60 = arith.constant 0 : i32
        %dma_wait3A_61 = tpu.memref_slice %arg11[%multiple_of3A, %dma_wait3A_60] : memref<10240x128xf32, #tpu.memory_space<vmem_shared>> -> memref<400x128xf32, #tpu.memory_space<vmem_shared>>
        %dma_wait3A_62 = arith.constant 0 : i32
        %dma_wait3A_63 = tpu.memref_slice %arg4[%multiple_of3A, %dma_wait3A_62] : memref<10000x128xf32, #tpu.memory_space<hbm>> -> memref<400x128xf32, #tpu.memory_space<hbm>>
        tpu.wait_dma2 semaphore(%run_scoped3A_55 : memref<!tpu.dma_semaphore, #tpu.memory_space<semaphore_mem>>) src(%dma_wait3A_63 : memref<400x128xf32, #tpu.memory_space<hbm>>) dst(%dma_wait3A_61 : memref<400x128xf32, #tpu.memory_space<vmem_shared>>)
        tpu.yield
      }) : () -> ()
      "tpu.region"() ({
        %run_scoped3A_55 = tpu.sem_alloc : memref<!tpu.dma_semaphore, #tpu.memory_space<semaphore_mem>>
        %dma_start3A_56 = arith.constant 10000 : i32
        %dma_start3A_57 = arith.constant 0 : i32
        %dma_start3A_58 = tpu.memref_slice %arg11[%dma_start3A_56, %dma_start3A_57] : memref<10240x128xf32, #tpu.memory_space<vmem_shared>> -> memref<240x128xf32, #tpu.memory_space<vmem_shared>>
        %dma_start3A_59 = arith.constant 10000 : i32
        %dma_start3A_60 = arith.constant 0 : i32
        %dma_start3A_61 = tpu.memref_slice %arg5[%dma_start3A_59, %dma_start3A_60] : memref<10240x128xf32, #tpu.memory_space<hbm>> -> memref<240x128xf32, #tpu.memory_space<hbm>>
        tpu.enqueue_dma source(%dma_start3A_61 : memref<240x128xf32, #tpu.memory_space<hbm>>) target(%dma_start3A_58 : memref<240x128xf32, #tpu.memory_space<vmem_shared>>) target_semaphore(%run_scoped3A_55 : memref<!tpu.dma_semaphore, #tpu.memory_space<semaphore_mem>>)
        %dma_wait3A_62 = arith.constant 10000 : i32
        %dma_wait3A_63 = arith.constant 0 : i32
        %dma_wait3A_64 = tpu.memref_slice %arg11[%dma_wait3A_62, %dma_wait3A_63] : memref<10240x128xf32, #tpu.memory_space<vmem_shared>> -> memref<240x128xf32, #tpu.memory_space<vmem_shared>>
        %dma_wait3A_65 = arith.constant 10000 : i32
        %dma_wait3A_66 = arith.constant 0 : i32
        %dma_wait3A_67 = tpu.memref_slice %arg5[%dma_wait3A_65, %dma_wait3A_66] : memref<10240x128xf32, #tpu.memory_space<hbm>> -> memref<240x128xf32, #tpu.memory_space<hbm>>
        tpu.wait_dma2 semaphore(%run_scoped3A_55 : memref<!tpu.dma_semaphore, #tpu.memory_space<semaphore_mem>>) src(%dma_wait3A_67 : memref<240x128xf32, #tpu.memory_space<hbm>>) dst(%dma_wait3A_64 : memref<240x128xf32, #tpu.memory_space<vmem_shared>>)
        tpu.yield
      }) : () -> ()
    } else {
    }
    %gt3A = arith.constant 0 : i32
    %gt3A_25 = arith.cmpi sgt, %arg0, %gt3A : i32
    %convert_element_type3A_26 = arith.extui %gt3A_25 : i1 to i32
    %cond3A_27 = arith.constant 0 : i32
    %cond3A_28 = arith.cmpi ne, %convert_element_type3A_26, %cond3A_27 : i32
    scf.if %cond3A_28 {
      "tpu.region"() ({
        %run_scoped3A_55 = tpu.sem_alloc : memref<!tpu.dma_semaphore, #tpu.memory_space<semaphore_mem>>
        %dma_start3A_56 = arith.constant 0 : i32
        %dma_start3A_57 = tpu.memref_slice %arg11[%multiple_of3A, %dma_start3A_56] : memref<10240x128xf32, #tpu.memory_space<vmem_shared>> -> memref<640x128xf32, #tpu.memory_space<vmem_shared>>
        %dma_start3A_58 = arith.constant 0 : i32
        %dma_start3A_59 = tpu.memref_slice %arg5[%multiple_of3A, %dma_start3A_58] : memref<10240x128xf32, #tpu.memory_space<hbm>> -> memref<640x128xf32, #tpu.memory_space<hbm>>
        tpu.enqueue_dma source(%dma_start3A_59 : memref<640x128xf32, #tpu.memory_space<hbm>>) target(%dma_start3A_57 : memref<640x128xf32, #tpu.memory_space<vmem_shared>>) target_semaphore(%run_scoped3A_55 : memref<!tpu.dma_semaphore, #tpu.memory_space<semaphore_mem>>)
        %dma_wait3A_60 = arith.constant 0 : i32
        %dma_wait3A_61 = tpu.memref_slice %arg11[%multiple_of3A, %dma_wait3A_60] : memref<10240x128xf32, #tpu.memory_space<vmem_shared>> -> memref<640x128xf32, #tpu.memory_space<vmem_shared>>
        %dma_wait3A_62 = arith.constant 0 : i32
        %dma_wait3A_63 = tpu.memref_slice %arg5[%multiple_of3A, %dma_wait3A_62] : memref<10240x128xf32, #tpu.memory_space<hbm>> -> memref<640x128xf32, #tpu.memory_space<hbm>>
        tpu.wait_dma2 semaphore(%run_scoped3A_55 : memref<!tpu.dma_semaphore, #tpu.memory_space<semaphore_mem>>) src(%dma_wait3A_63 : memref<640x128xf32, #tpu.memory_space<hbm>>) dst(%dma_wait3A_61 : memref<640x128xf32, #tpu.memory_space<vmem_shared>>)
        tpu.yield
      }) : () -> ()
    } else {
    }
    %dma_wait3A = tpu.memref_slice %arg2[%mul3A_4] : memref<320000xi32, #tpu.memory_space<hbm>> -> memref<10000xi32, #tpu.memory_space<hbm>>
    %dma_wait3A_29 = tpu.memref_slice %arg2[%mul3A_4] : memref<320000xi32, #tpu.memory_space<hbm>> -> memref<10000xi32, #tpu.memory_space<hbm>>
    tpu.wait_dma2 semaphore(%arg12 : memref<!tpu.dma_semaphore, #tpu.memory_space<semaphore_mem>>) src(%dma_wait3A_29 : memref<10000xi32, #tpu.memory_space<hbm>>) dst(%arg7 : memref<10000xi32, #tpu.memory_space<vmem>>)
    %dma_wait3A_30 = arith.constant 0 : i32
    %dma_wait3A_31 = arith.constant 0 : i32
    %dma_wait3A_32 = tpu.memref_slice %arg3[%add3A, %dma_wait3A_30, %dma_wait3A_31] : memref<32x125x80xi32, #tpu.memory_space<hbm>> -> memref<1x125x80xi32, #tpu.memory_space<hbm>>
    %dma_wait3A_33 = tpu.memref_squeeze %dma_wait3A_32 : memref<1x125x80xi32, #tpu.memory_space<hbm>> -> memref<125x80xi32, #tpu.memory_space<hbm>>
    %dma_wait3A_34 = arith.constant 0 : i32
    %dma_wait3A_35 = arith.constant 0 : i32
    %dma_wait3A_36 = tpu.memref_slice %arg3[%add3A, %dma_wait3A_34, %dma_wait3A_35] : memref<32x125x80xi32, #tpu.memory_space<hbm>> -> memref<1x125x80xi32, #tpu.memory_space<hbm>>
    %dma_wait3A_37 = tpu.memref_squeeze %dma_wait3A_36 : memref<1x125x80xi32, #tpu.memory_space<hbm>> -> memref<125x80xi32, #tpu.memory_space<hbm>>
    tpu.wait_dma2 semaphore(%arg13 : memref<!tpu.dma_semaphore, #tpu.memory_space<semaphore_mem>>) src(%dma_wait3A_37 : memref<125x80xi32, #tpu.memory_space<hbm>>) dst(%arg8 : memref<125x80xi32, #tpu.memory_space<vmem>>)
    %barrier3A = arith.constant 0 : index
    tpu.barrier barrier_id(%barrier3A)
    %multiple_of3A_38 = arith.constant 0 : i32
    %multiple_of3A_39 = tpu.assume_multiple %multiple_of3A_38, 8 : i32
    %dma_start3A_40 = tpu.memref_slice %arg7[%multiple_of3A_39] : memref<10000xi32, #tpu.memory_space<vmem>> -> memref<80xi32, #tpu.memory_space<vmem>>
    %dma_start3A_41 = arith.constant 0 : i32
    %dma_start3A_42 = arith.constant 0 : i32
    %dma_start3A_43 = tpu.memref_slice %arg4[%dma_start3A_41, %dma_start3A_42] : memref<10000x128xf32, #tpu.memory_space<hbm>> -> memref<10000x128xf32, #tpu.memory_space<hbm>>
    tpu.enqueue_indirect_dma source(%dma_start3A_43 : memref<10000x128xf32, #tpu.memory_space<hbm>>) target(%arg9 : memref<80x128xf32, #tpu.memory_space<vmem>>) offsets(%dma_start3A_40 : memref<80xi32, #tpu.memory_space<vmem>>) semaphore(%arg12 : memref<!tpu.dma_semaphore, #tpu.memory_space<semaphore_mem>>)
    %scan3A = arith.constant 0 : i32
    %scan3A_44 = arith.constant 0 : i32
    %scan3A_45 = arith.constant 62 : i32
    %scan3A_46 = arith.addi %scan3A_44, %scan3A_45 : i32
    %scan3A_47 = arith.constant 1 : i32
    scf.for %scan3A_55 = %scan3A_44 to %scan3A_46 step %scan3A_47  : i32 {
      %mul3A_56 = arith.constant 2 : i32
      %mul3A_57 = arith.muli %scan3A_55, %mul3A_56 : i32
      %add3A_58 = arith.constant 1 : i32
      %add3A_59 = arith.addi %mul3A_57, %add3A_58 : i32
      %mul3A_60 = arith.constant 80 : i32
      %mul3A_61 = arith.muli %add3A_59, %mul3A_60 : i32
      %multiple_of3A_62 = tpu.assume_multiple %mul3A_61, 8 : i32
      %dma_start3A_63 = tpu.memref_slice %arg7[%multiple_of3A_62] : memref<10000xi32, #tpu.memory_space<vmem>> -> memref<80xi32, #tpu.memory_space<vmem>>
      %dma_start3A_64 = arith.constant 0 : i32
      %dma_start3A_65 = arith.constant 0 : i32
      %dma_start3A_66 = tpu.memref_slice %arg4[%dma_start3A_64, %dma_start3A_65] : memref<10000x128xf32, #tpu.memory_space<hbm>> -> memref<10000x128xf32, #tpu.memory_space<hbm>>
      tpu.enqueue_indirect_dma source(%dma_start3A_66 : memref<10000x128xf32, #tpu.memory_space<hbm>>) target(%arg10 : memref<80x128xf32, #tpu.memory_space<vmem>>) offsets(%dma_start3A_63 : memref<80xi32, #tpu.memory_space<vmem>>) semaphore(%arg13 : memref<!tpu.dma_semaphore, #tpu.memory_space<semaphore_mem>>)
      %dma_wait3A_67 = arith.constant 0 : i32
      %dma_wait3A_68 = tpu.memref_slice %arg7[%dma_wait3A_67] : memref<10000xi32, #tpu.memory_space<vmem>> -> memref<80xi32, #tpu.memory_space<vmem>>
      %dma_wait3A_69 = arith.constant 0 : i32
      %dma_wait3A_70 = arith.constant 0 : i32
      %dma_wait3A_71 = tpu.memref_slice %arg4[%dma_wait3A_69, %dma_wait3A_70] : memref<10000x128xf32, #tpu.memory_space<hbm>> -> memref<10000x128xf32, #tpu.memory_space<hbm>>
      tpu.wait_indirect_dma semaphore(%arg12 : memref<!tpu.dma_semaphore, #tpu.memory_space<semaphore_mem>>) src(%dma_wait3A_71 : memref<10000x128xf32, #tpu.memory_space<hbm>>) dst(%arg9 : memref<80x128xf32, #tpu.memory_space<vmem>>)
      "tpu.region"() ({
        %run_scoped3A_88 = tpu.sem_alloc : memref<!tpu.dma_semaphore, #tpu.memory_space<semaphore_mem>>
        %dma_start3A_89 = arith.constant 0 : i32
        %dma_start3A_90 = tpu.memref_slice %arg8[%mul3A_57, %dma_start3A_89] : memref<125x80xi32, #tpu.memory_space<vmem>> -> memref<1x80xi32, #tpu.memory_space<vmem>>
        %dma_start3A_91 = tpu.memref_squeeze %dma_start3A_90 : memref<1x80xi32, #tpu.memory_space<vmem>> -> memref<80xi32, #tpu.memory_space<vmem>>
        %dma_start3A_92 = arith.constant 0 : i32
        %dma_start3A_93 = arith.constant 0 : i32
        %dma_start3A_94 = tpu.memref_slice %arg11[%dma_start3A_92, %dma_start3A_93] : memref<10240x128xf32, #tpu.memory_space<vmem_shared>> -> memref<10240x128xf32, #tpu.memory_space<vmem_shared>>
        tpu.enqueue_indirect_dma source(%arg9 : memref<80x128xf32, #tpu.memory_space<vmem>>) target(%dma_start3A_94 : memref<10240x128xf32, #tpu.memory_space<vmem_shared>>) offsets(%dma_start3A_91 : memref<80xi32, #tpu.memory_space<vmem>>) semaphore(%run_scoped3A_88 : memref<!tpu.dma_semaphore, #tpu.memory_space<semaphore_mem>>) {add = true}
        %dma_wait3A_95 = arith.constant 0 : i32
        %dma_wait3A_96 = tpu.memref_slice %arg8[%mul3A_57, %dma_wait3A_95] : memref<125x80xi32, #tpu.memory_space<vmem>> -> memref<1x80xi32, #tpu.memory_space<vmem>>
        %dma_wait3A_97 = tpu.memref_squeeze %dma_wait3A_96 : memref<1x80xi32, #tpu.memory_space<vmem>> -> memref<80xi32, #tpu.memory_space<vmem>>
        %dma_wait3A_98 = arith.constant 0 : i32
        %dma_wait3A_99 = arith.constant 0 : i32
        %dma_wait3A_100 = tpu.memref_slice %arg11[%dma_wait3A_98, %dma_wait3A_99] : memref<10240x128xf32, #tpu.memory_space<vmem_shared>> -> memref<10240x128xf32, #tpu.memory_space<vmem_shared>>
        tpu.wait_indirect_dma semaphore(%run_scoped3A_88 : memref<!tpu.dma_semaphore, #tpu.memory_space<semaphore_mem>>) src(%arg9 : memref<80x128xf32, #tpu.memory_space<vmem>>) dst(%dma_wait3A_100 : memref<10240x128xf32, #tpu.memory_space<vmem_shared>>)
        tpu.yield
      }) : () -> ()
      %add3A_72 = arith.constant 2 : i32
      %add3A_73 = arith.addi %mul3A_57, %add3A_72 : i32
      %mul3A_74 = arith.constant 80 : i32
      %mul3A_75 = arith.muli %add3A_73, %mul3A_74 : i32
      %multiple_of3A_76 = tpu.assume_multiple %mul3A_75, 8 : i32
      %dma_start3A_77 = tpu.memref_slice %arg7[%multiple_of3A_76] : memref<10000xi32, #tpu.memory_space<vmem>> -> memref<80xi32, #tpu.memory_space<vmem>>
      %dma_start3A_78 = arith.constant 0 : i32
      %dma_start3A_79 = arith.constant 0 : i32
      %dma_start3A_80 = tpu.memref_slice %arg4[%dma_start3A_78, %dma_start3A_79] : memref<10000x128xf32, #tpu.memory_space<hbm>> -> memref<10000x128xf32, #tpu.memory_space<hbm>>
      tpu.enqueue_indirect_dma source(%dma_start3A_80 : memref<10000x128xf32, #tpu.memory_space<hbm>>) target(%arg9 : memref<80x128xf32, #tpu.memory_space<vmem>>) offsets(%dma_start3A_77 : memref<80xi32, #tpu.memory_space<vmem>>) semaphore(%arg12 : memref<!tpu.dma_semaphore, #tpu.memory_space<semaphore_mem>>)
      %dma_wait3A_81 = arith.constant 0 : i32
      %dma_wait3A_82 = tpu.memref_slice %arg7[%dma_wait3A_81] : memref<10000xi32, #tpu.memory_space<vmem>> -> memref<80xi32, #tpu.memory_space<vmem>>
      %dma_wait3A_83 = arith.constant 0 : i32
      %dma_wait3A_84 = arith.constant 0 : i32
      %dma_wait3A_85 = tpu.memref_slice %arg4[%dma_wait3A_83, %dma_wait3A_84] : memref<10000x128xf32, #tpu.memory_space<hbm>> -> memref<10000x128xf32, #tpu.memory_space<hbm>>
      tpu.wait_indirect_dma semaphore(%arg13 : memref<!tpu.dma_semaphore, #tpu.memory_space<semaphore_mem>>) src(%dma_wait3A_85 : memref<10000x128xf32, #tpu.memory_space<hbm>>) dst(%arg10 : memref<80x128xf32, #tpu.memory_space<vmem>>)
      %add3A_86 = arith.constant 1 : i32
      %add3A_87 = arith.addi %mul3A_57, %add3A_86 : i32
      "tpu.region"() ({
        %run_scoped3A_88 = tpu.sem_alloc : memref<!tpu.dma_semaphore, #tpu.memory_space<semaphore_mem>>
        %dma_start3A_89 = arith.constant 0 : i32
        %dma_start3A_90 = tpu.memref_slice %arg8[%add3A_87, %dma_start3A_89] : memref<125x80xi32, #tpu.memory_space<vmem>> -> memref<1x80xi32, #tpu.memory_space<vmem>>
        %dma_start3A_91 = tpu.memref_squeeze %dma_start3A_90 : memref<1x80xi32, #tpu.memory_space<vmem>> -> memref<80xi32, #tpu.memory_space<vmem>>
        %dma_start3A_92 = arith.constant 0 : i32
        %dma_start3A_93 = arith.constant 0 : i32
        %dma_start3A_94 = tpu.memref_slice %arg11[%dma_start3A_92, %dma_start3A_93] : memref<10240x128xf32, #tpu.memory_space<vmem_shared>> -> memref<10240x128xf32, #tpu.memory_space<vmem_shared>>
        tpu.enqueue_indirect_dma source(%arg10 : memref<80x128xf32, #tpu.memory_space<vmem>>) target(%dma_start3A_94 : memref<10240x128xf32, #tpu.memory_space<vmem_shared>>) offsets(%dma_start3A_91 : memref<80xi32, #tpu.memory_space<vmem>>) semaphore(%run_scoped3A_88 : memref<!tpu.dma_semaphore, #tpu.memory_space<semaphore_mem>>) {add = true}
        %dma_wait3A_95 = arith.constant 0 : i32
        %dma_wait3A_96 = tpu.memref_slice %arg8[%add3A_87, %dma_wait3A_95] : memref<125x80xi32, #tpu.memory_space<vmem>> -> memref<1x80xi32, #tpu.memory_space<vmem>>
        %dma_wait3A_97 = tpu.memref_squeeze %dma_wait3A_96 : memref<1x80xi32, #tpu.memory_space<vmem>> -> memref<80xi32, #tpu.memory_space<vmem>>
        %dma_wait3A_98 = arith.constant 0 : i32
        %dma_wait3A_99 = arith.constant 0 : i32
        %dma_wait3A_100 = tpu.memref_slice %arg11[%dma_wait3A_98, %dma_wait3A_99] : memref<10240x128xf32, #tpu.memory_space<vmem_shared>> -> memref<10240x128xf32, #tpu.memory_space<vmem_shared>>
        tpu.wait_indirect_dma semaphore(%run_scoped3A_88 : memref<!tpu.dma_semaphore, #tpu.memory_space<semaphore_mem>>) src(%arg10 : memref<80x128xf32, #tpu.memory_space<vmem>>) dst(%dma_wait3A_100 : memref<10240x128xf32, #tpu.memory_space<vmem_shared>>)
        tpu.yield
      }) : () -> ()
    }
    %scan3A_48 = arith.constant 62 : i32
    %dma_wait3A_49 = arith.constant 0 : i32
    %dma_wait3A_50 = tpu.memref_slice %arg7[%dma_wait3A_49] : memref<10000xi32, #tpu.memory_space<vmem>> -> memref<80xi32, #tpu.memory_space<vmem>>
    %dma_wait3A_51 = arith.constant 0 : i32
    %dma_wait3A_52 = arith.constant 0 : i32
    %dma_wait3A_53 = tpu.memref_slice %arg4[%dma_wait3A_51, %dma_wait3A_52] : memref<10000x128xf32, #tpu.memory_space<hbm>> -> memref<10000x128xf32, #tpu.memory_space<hbm>>
    tpu.wait_indirect_dma semaphore(%arg12 : memref<!tpu.dma_semaphore, #tpu.memory_space<semaphore_mem>>) src(%dma_wait3A_53 : memref<10000x128xf32, #tpu.memory_space<hbm>>) dst(%arg9 : memref<80x128xf32, #tpu.memory_space<vmem>>)
    %run_scoped3A = arith.constant 124 : i32
    "tpu.region"() ({
      %run_scoped3A_55 = tpu.sem_alloc : memref<!tpu.dma_semaphore, #tpu.memory_space<semaphore_mem>>
      %dma_start3A_56 = arith.constant 0 : i32
      %dma_start3A_57 = tpu.memref_slice %arg8[%run_scoped3A, %dma_start3A_56] : memref<125x80xi32, #tpu.memory_space<vmem>> -> memref<1x80xi32, #tpu.memory_space<vmem>>
      %dma_start3A_58 = tpu.memref_squeeze %dma_start3A_57 : memref<1x80xi32, #tpu.memory_space<vmem>> -> memref<80xi32, #tpu.memory_space<vmem>>
      %dma_start3A_59 = arith.constant 0 : i32
      %dma_start3A_60 = arith.constant 0 : i32
      %dma_start3A_61 = tpu.memref_slice %arg11[%dma_start3A_59, %dma_start3A_60] : memref<10240x128xf32, #tpu.memory_space<vmem_shared>> -> memref<10240x128xf32, #tpu.memory_space<vmem_shared>>
      tpu.enqueue_indirect_dma source(%arg9 : memref<80x128xf32, #tpu.memory_space<vmem>>) target(%dma_start3A_61 : memref<10240x128xf32, #tpu.memory_space<vmem_shared>>) offsets(%dma_start3A_58 : memref<80xi32, #tpu.memory_space<vmem>>) semaphore(%run_scoped3A_55 : memref<!tpu.dma_semaphore, #tpu.memory_space<semaphore_mem>>) {add = true}
      %dma_wait3A_62 = arith.constant 0 : i32
      %dma_wait3A_63 = tpu.memref_slice %arg8[%run_scoped3A, %dma_wait3A_62] : memref<125x80xi32, #tpu.memory_space<vmem>> -> memref<1x80xi32, #tpu.memory_space<vmem>>
      %dma_wait3A_64 = tpu.memref_squeeze %dma_wait3A_63 : memref<1x80xi32, #tpu.memory_space<vmem>> -> memref<80xi32, #tpu.memory_space<vmem>>
      %dma_wait3A_65 = arith.constant 0 : i32
      %dma_wait3A_66 = arith.constant 0 : i32
      %dma_wait3A_67 = tpu.memref_slice %arg11[%dma_wait3A_65, %dma_wait3A_66] : memref<10240x128xf32, #tpu.memory_space<vmem_shared>> -> memref<10240x128xf32, #tpu.memory_space<vmem_shared>>
      tpu.wait_indirect_dma semaphore(%run_scoped3A_55 : memref<!tpu.dma_semaphore, #tpu.memory_space<semaphore_mem>>) src(%arg9 : memref<80x128xf32, #tpu.memory_space<vmem>>) dst(%dma_wait3A_67 : memref<10240x128xf32, #tpu.memory_space<vmem_shared>>)
      tpu.yield
    }) : () -> ()
    %barrier3A_54 = arith.constant 0 : index
    tpu.barrier barrier_id(%barrier3A_54)
    "tpu.region"() ({
      %run_scoped3A_55 = tpu.sem_alloc : memref<!tpu.dma_semaphore, #tpu.memory_space<semaphore_mem>>
      %dma_start3A_56 = arith.constant 0 : i32
      %dma_start3A_57 = tpu.memref_slice %arg6[%arg0, %multiple_of3A, %dma_start3A_56] : memref<2x10240x128xf32, #tpu.memory_space<hbm>> -> memref<1x640x128xf32, #tpu.memory_space<hbm>>
      %dma_start3A_58 = tpu.memref_squeeze %dma_start3A_57 : memref<1x640x128xf32, #tpu.memory_space<hbm>> -> memref<640x128xf32, #tpu.memory_space<hbm>>
      %dma_start3A_59 = arith.constant 0 : i32
      %dma_start3A_60 = tpu.memref_slice %arg11[%multiple_of3A, %dma_start3A_59] : memref<10240x128xf32, #tpu.memory_space<vmem_shared>> -> memref<640x128xf32, #tpu.memory_space<vmem_shared>>
      tpu.enqueue_dma source(%dma_start3A_60 : memref<640x128xf32, #tpu.memory_space<vmem_shared>>) target(%dma_start3A_58 : memref<640x128xf32, #tpu.memory_space<hbm>>) target_semaphore(%run_scoped3A_55 : memref<!tpu.dma_semaphore, #tpu.memory_space<semaphore_mem>>)
      %dma_wait3A_61 = arith.constant 0 : i32
      %dma_wait3A_62 = tpu.memref_slice %arg6[%arg0, %multiple_of3A, %dma_wait3A_61] : memref<2x10240x128xf32, #tpu.memory_space<hbm>> -> memref<1x640x128xf32, #tpu.memory_space<hbm>>
      %dma_wait3A_63 = tpu.memref_squeeze %dma_wait3A_62 : memref<1x640x128xf32, #tpu.memory_space<hbm>> -> memref<640x128xf32, #tpu.memory_space<hbm>>
      %dma_wait3A_64 = arith.constant 0 : i32
      %dma_wait3A_65 = tpu.memref_slice %arg11[%multiple_of3A, %dma_wait3A_64] : memref<10240x128xf32, #tpu.memory_space<vmem_shared>> -> memref<640x128xf32, #tpu.memory_space<vmem_shared>>
      tpu.wait_dma2 semaphore(%run_scoped3A_55 : memref<!tpu.dma_semaphore, #tpu.memory_space<semaphore_mem>>) src(%dma_wait3A_65 : memref<640x128xf32, #tpu.memory_space<vmem_shared>>) dst(%dma_wait3A_63 : memref<640x128xf32, #tpu.memory_space<hbm>>)
      tpu.yield
    }) : () -> ()
    return
  }
}

module attributes {stable_mosaic.version = 14 : i64} {
  func.func @_tc1_body(%arg0: i32, %arg1: memref<2x1000x128xf32, #tpu.memory_space<vmem>>, %arg2: memref<1000x128xf32, #tpu.memory_space<vmem>>, %arg3: memref<1000x1xf32, #tpu.memory_space<vmem>>, %arg4: memref<1000x128xf32, #tpu.memory_space<vmem>>) attributes {dimension_semantics = [#tpu.dimension_semantics<arbitrary>], iteration_bounds = array<i64: 10>, scalar_prefetch = 0 : i64, scratch_operands = 0 : i64, tpu.core_type = #tpu.core_type<tc>, window_params = [{transform_indices = @transform_0, window_bounds = array<i64: 2, 1000, 128>}, {transform_indices = @transform_1, window_bounds = array<i64: 1000, 128>}, {transform_indices = @transform_2, window_bounds = array<i64: 1000, 1>}, {transform_indices = @transform_3, window_bounds = array<i64: 1000, 128>}]} {
    %get3A = arith.constant 0 : index
    %get3A_0 = arith.constant 0 : index
    %get3A_1 = arith.constant 0 : index
    %get3A_2 = vector.load %arg1[%get3A, %get3A_0, %get3A_1] : memref<2x1000x128xf32, #tpu.memory_space<vmem>>, vector<1x1000x1xf32>
    %get3A_3 = vector.shape_cast %get3A_2 : vector<1x1000x1xf32> to vector<1000x1xf32>
    %add3A = arith.constant 1.000000e+00 : f32
    %add3A_4 = vector.broadcast %add3A : f32 to vector<1000x1xf32>
    %add3A_5 = arith.addf %add3A_4, %get3A_3 : vector<1000x1xf32>
    %get3A_6 = arith.constant 1 : index
    %get3A_7 = arith.constant 0 : index
    %get3A_8 = arith.constant 0 : index
    %get3A_9 = vector.load %arg1[%get3A_6, %get3A_7, %get3A_8] : memref<2x1000x128xf32, #tpu.memory_space<vmem>>, vector<1x1000x1xf32>
    %get3A_10 = vector.shape_cast %get3A_9 : vector<1x1000x1xf32> to vector<1000x1xf32>
    %add3A_11 = arith.addf %add3A_5, %get3A_10 : vector<1000x1xf32>
    %rsqrt3A = math.rsqrt %add3A_11 : vector<1000x1xf32>
    %swap3A = arith.constant 0 : index
    %swap3A_12 = arith.constant 0 : index
    %swap3A_13 = vector.load %arg3[%swap3A, %swap3A_12] : memref<1000x1xf32, #tpu.memory_space<vmem>>, vector<1000x1xf32>
    tpu.vector_store %arg3[%swap3A, %swap3A_12], %rsqrt3A {strides = array<i32>} : memref<1000x1xf32, #tpu.memory_space<vmem>>, vector<1000x1xf32>,
    %get3A_14 = arith.constant 0 : index
    %get3A_15 = arith.constant 0 : index
    %get3A_16 = vector.load %arg2[%get3A_14, %get3A_15] : memref<1000x128xf32, #tpu.memory_space<vmem>>, vector<1000x128xf32>
    %mul3A = vector.broadcast %rsqrt3A : vector<1000x1xf32> to vector<1000x128xf32>
    %mul3A_17 = arith.mulf %get3A_16, %mul3A : vector<1000x128xf32>
    %swap3A_18 = arith.constant 0 : index
    %swap3A_19 = arith.constant 0 : index
    %swap3A_20 = vector.load %arg4[%swap3A_18, %swap3A_19] : memref<1000x128xf32, #tpu.memory_space<vmem>>, vector<1000x128xf32>
    tpu.vector_store %arg4[%swap3A_18, %swap3A_19], %mul3A_17 {strides = array<i32>} : memref<1000x128xf32, #tpu.memory_space<vmem>>, vector<1000x128xf32>,
    return
  }
  func.func @transform_0(%arg0: i32) -> (i32, i32, i32) {
    %c0_i32 = arith.constant 0 : i32
    %c0_i32_0 = arith.constant 0 : i32
    %c0_i32_1 = arith.constant 0 : i32
    return %c0_i32, %arg0, %c0_i32_0 : i32, i32, i32
  }
  func.func @transform_1(%arg0: i32) -> (i32, i32) {
    %c0_i32 = arith.constant 0 : i32
    %c0_i32_0 = arith.constant 0 : i32
    return %arg0, %c0_i32 : i32, i32
  }
  func.func @transform_2(%arg0: i32) -> (i32, i32) {
    %c0_i32 = arith.constant 0 : i32
    %c0_i32_0 = arith.constant 0 : i32
    return %arg0, %c0_i32 : i32, i32
  }
  func.func @transform_3(%arg0: i32) -> (i32, i32) {
    %c0_i32 = arith.constant 0 : i32
    %c0_i32_0 = arith.constant 0 : i32
    return %arg0, %c0_i32 : i32, i32
  }
}

module attributes {stable_mosaic.version = 14 : i64} {
  func.func @_tc2_body(%arg0: i32, %arg1: memref<2x1000x128xf32, #tpu.memory_space<vmem>>, %arg2: memref<1000x1xf32, #tpu.memory_space<vmem>>, %arg3: memref<128x256xf32, #tpu.memory_space<vmem>>, %arg4: memref<1x256xf32, #tpu.memory_space<vmem>>, %arg5: memref<2x1000x128xf32, #tpu.memory_space<vmem>>) attributes {dimension_semantics = [#tpu.dimension_semantics<arbitrary>], iteration_bounds = array<i64: 10>, scalar_prefetch = 0 : i64, scratch_operands = 0 : i64, tpu.core_type = #tpu.core_type<tc>, window_params = [{transform_indices = @transform_0, window_bounds = array<i64: 2, 1000, 128>}, {transform_indices = @transform_1, window_bounds = array<i64: 1000, 1>}, {pipeline_mode = #tpu.pipeline_mode<synchronous>, transform_indices = @transform_2, window_bounds = array<i64: 128, 256>}, {pipeline_mode = #tpu.pipeline_mode<synchronous>, transform_indices = @transform_3, window_bounds = array<i64: 1, 256>}, {transform_indices = @transform_4, window_bounds = array<i64: 2, 1000, 128>}]} {
    %get3A = arith.constant 0 : index
    %get3A_0 = arith.constant 0 : index
    %get3A_1 = vector.load %arg2[%get3A, %get3A_0] : memref<1000x1xf32, #tpu.memory_space<vmem>>, vector<1000x1xf32>
    %get3A_2 = arith.constant 0 : index
    %get3A_3 = arith.constant 0 : index
    %get3A_4 = arith.constant 0 : index
    %get3A_5 = vector.load %arg1[%get3A_2, %get3A_3, %get3A_4] : memref<2x1000x128xf32, #tpu.memory_space<vmem>>, vector<1x1000x128xf32>
    %get3A_6 = vector.shape_cast %get3A_5 : vector<1x1000x128xf32> to vector<1000x128xf32>
    %get3A_7 = arith.constant 1 : index
    %get3A_8 = arith.constant 0 : index
    %get3A_9 = arith.constant 0 : index
    %get3A_10 = vector.load %arg1[%get3A_7, %get3A_8, %get3A_9] : memref<2x1000x128xf32, #tpu.memory_space<vmem>>, vector<1x1000x128xf32>
    %get3A_11 = vector.shape_cast %get3A_10 : vector<1x1000x128xf32> to vector<1000x128xf32>
    %add3A = arith.addf %get3A_6, %get3A_11 : vector<1000x128xf32>
    %mul3A = vector.broadcast %get3A_1 : vector<1000x1xf32> to vector<1000x128xf32>
    %mul3A_12 = arith.mulf %add3A, %mul3A : vector<1000x128xf32>
    %get3A_13 = arith.constant 0 : index
    %get3A_14 = arith.constant 0 : index
    %get3A_15 = vector.load %arg3[%get3A_13, %get3A_14] : memref<128x256xf32, #tpu.memory_space<vmem>>, vector<128x256xf32>
    %dot_general3A = arith.constant dense<0.000000e+00> : vector<1000x256xf32>
    %dot_general3A_16 = tpu.matmul %mul3A_12, %get3A_15, %dot_general3A {dimension_numbers = #tpu.dot_dimension_numbers<[1], [0], [0], [1], [0, 0, 1, 1], [], []>, transpose_lhs_hint = false} : vector<1000x128xf32>, vector<128x256xf32>, vector<1000x256xf32> -> vector<1000x256xf32>
    %get3A_17 = arith.constant 0 : index
    %get3A_18 = arith.constant 0 : index
    %get3A_19 = vector.load %arg4[%get3A_17, %get3A_18] : memref<1x256xf32, #tpu.memory_space<vmem>>, vector<1x256xf32>
    %add3A_20 = vector.broadcast %get3A_19 : vector<1x256xf32> to vector<1000x256xf32>
    %add3A_21 = arith.addf %dot_general3A_16, %add3A_20 : vector<1000x256xf32>
    %max3A = arith.constant 0.000000e+00 : f32
    %max3A_22 = vector.broadcast %max3A : f32 to vector<1000x256xf32>
    %max3A_23 = arith.maximumf %add3A_21, %max3A_22 : vector<1000x256xf32>
    %mul3A_24 = vector.broadcast %get3A_1 : vector<1000x1xf32> to vector<1000x256xf32>
    %mul3A_25 = arith.mulf %max3A_23, %mul3A_24 : vector<1000x256xf32>
    %slice3A = vector.extract_strided_slice %mul3A_25 {offsets = [0, 0], sizes = [1000, 128], strides = [1, 1]} : vector<1000x256xf32> to vector<1000x128xf32>
    %swap3A = arith.constant 0 : index
    %swap3A_26 = arith.constant 0 : index
    %swap3A_27 = arith.constant 0 : index
    %swap3A_28 = vector.load %arg5[%swap3A, %swap3A_26, %swap3A_27] : memref<2x1000x128xf32, #tpu.memory_space<vmem>>, vector<1x1000x128xf32>
    %swap3A_29 = vector.shape_cast %swap3A_28 : vector<1x1000x128xf32> to vector<1000x128xf32>
    %swap3A_30 = vector.shape_cast %slice3A : vector<1000x128xf32> to vector<1x1000x128xf32>
    tpu.vector_store %arg5[%swap3A, %swap3A_26, %swap3A_27], %swap3A_30 {strides = array<i32>} : memref<2x1000x128xf32, #tpu.memory_space<vmem>>, vector<1x1000x128xf32>,
    %slice3A_31 = vector.extract_strided_slice %mul3A_25 {offsets = [0, 128], sizes = [1000, 128], strides = [1, 1]} : vector<1000x256xf32> to vector<1000x128xf32>
    %swap3A_32 = arith.constant 1 : index
    %swap3A_33 = arith.constant 0 : index
    %swap3A_34 = arith.constant 0 : index
    %swap3A_35 = vector.load %arg5[%swap3A_32, %swap3A_33, %swap3A_34] : memref<2x1000x128xf32, #tpu.memory_space<vmem>>, vector<1x1000x128xf32>
    %swap3A_36 = vector.shape_cast %swap3A_35 : vector<1x1000x128xf32> to vector<1000x128xf32>
    %swap3A_37 = vector.shape_cast %slice3A_31 : vector<1000x128xf32> to vector<1x1000x128xf32>
    tpu.vector_store %arg5[%swap3A_32, %swap3A_33, %swap3A_34], %swap3A_37 {strides = array<i32>} : memref<2x1000x128xf32, #tpu.memory_space<vmem>>, vector<1x1000x128xf32>,
    return
  }
  func.func @transform_0(%arg0: i32) -> (i32, i32, i32) {
    %c0_i32 = arith.constant 0 : i32
    %c0_i32_0 = arith.constant 0 : i32
    %c0_i32_1 = arith.constant 0 : i32
    return %c0_i32, %arg0, %c0_i32_0 : i32, i32, i32
  }
  func.func @transform_1(%arg0: i32) -> (i32, i32) {
    %c0_i32 = arith.constant 0 : i32
    %c0_i32_0 = arith.constant 0 : i32
    return %arg0, %c0_i32 : i32, i32
  }
  func.func @transform_2(%arg0: i32) -> (i32, i32) {
    %c0_i32 = arith.constant 0 : i32
    %c0_i32_0 = arith.constant 0 : i32
    %c0_i32_1 = arith.constant 0 : i32
    return %c0_i32, %c0_i32_0 : i32, i32
  }
  func.func @transform_3(%arg0: i32) -> (i32, i32) {
    %c0_i32 = arith.constant 0 : i32
    %c0_i32_0 = arith.constant 0 : i32
    %c0_i32_1 = arith.constant 0 : i32
    return %c0_i32, %c0_i32_0 : i32, i32
  }
  func.func @transform_4(%arg0: i32) -> (i32, i32, i32) {
    %c0_i32 = arith.constant 0 : i32
    %c0_i32_0 = arith.constant 0 : i32
    %c0_i32_1 = arith.constant 0 : i32
    return %c0_i32, %arg0, %c0_i32_0 : i32, i32, i32
  }
}

module attributes {stable_mosaic.version = 14 : i64} {
  func.func @_tc3_body(%arg0: i32, %arg1: memref<2x1000x128xf32, #tpu.memory_space<vmem>>, %arg2: memref<1000x1xf32, #tpu.memory_space<vmem>>, %arg3: memref<256x256xf32, #tpu.memory_space<vmem>>, %arg4: memref<1x256xf32, #tpu.memory_space<vmem>>, %arg5: memref<256x128xf32, #tpu.memory_space<vmem>>, %arg6: memref<1000x128xf32, #tpu.memory_space<vmem>>) attributes {dimension_semantics = [#tpu.dimension_semantics<arbitrary>], iteration_bounds = array<i64: 10>, scalar_prefetch = 0 : i64, scratch_operands = 0 : i64, tpu.core_type = #tpu.core_type<tc>, window_params = [{transform_indices = @transform_0, window_bounds = array<i64: 2, 1000, 128>}, {transform_indices = @transform_1, window_bounds = array<i64: 1000, 1>}, {pipeline_mode = #tpu.pipeline_mode<synchronous>, transform_indices = @transform_2, window_bounds = array<i64: 256, 256>}, {pipeline_mode = #tpu.pipeline_mode<synchronous>, transform_indices = @transform_3, window_bounds = array<i64: 1, 256>}, {pipeline_mode = #tpu.pipeline_mode<synchronous>, transform_indices = @transform_4, window_bounds = array<i64: 256, 128>}, {transform_indices = @transform_5, window_bounds = array<i64: 1000, 128>}]} {
    %get3A = arith.constant 0 : index
    %get3A_0 = arith.constant 0 : index
    %get3A_1 = vector.load %arg2[%get3A, %get3A_0] : memref<1000x1xf32, #tpu.memory_space<vmem>>, vector<1000x1xf32>
    %get3A_2 = arith.constant 0 : index
    %get3A_3 = arith.constant 0 : index
    %get3A_4 = arith.constant 0 : index
    %get3A_5 = vector.load %arg1[%get3A_2, %get3A_3, %get3A_4] : memref<2x1000x128xf32, #tpu.memory_space<vmem>>, vector<1x1000x128xf32>
    %get3A_6 = vector.shape_cast %get3A_5 : vector<1x1000x128xf32> to vector<1000x128xf32>
    %mul3A = vector.broadcast %get3A_1 : vector<1000x1xf32> to vector<1000x128xf32>
    %mul3A_7 = arith.mulf %get3A_6, %mul3A : vector<1000x128xf32>
    %get3A_8 = arith.constant 1 : index
    %get3A_9 = arith.constant 0 : index
    %get3A_10 = arith.constant 0 : index
    %get3A_11 = vector.load %arg1[%get3A_8, %get3A_9, %get3A_10] : memref<2x1000x128xf32, #tpu.memory_space<vmem>>, vector<1x1000x128xf32>
    %get3A_12 = vector.shape_cast %get3A_11 : vector<1x1000x128xf32> to vector<1000x128xf32>
    %mul3A_13 = vector.broadcast %get3A_1 : vector<1000x1xf32> to vector<1000x128xf32>
    %mul3A_14 = arith.mulf %get3A_12, %mul3A_13 : vector<1000x128xf32>
    %concatenate3A = tpu.concatenate %mul3A_7, %mul3A_14 in 1 : vector<1000x128xf32>, vector<1000x128xf32> -> vector<1000x256xf32>
    %get3A_15 = arith.constant 0 : index
    %get3A_16 = arith.constant 0 : index
    %get3A_17 = vector.load %arg3[%get3A_15, %get3A_16] : memref<256x256xf32, #tpu.memory_space<vmem>>, vector<256x256xf32>
    %dot_general3A = arith.constant dense<0.000000e+00> : vector<1000x256xf32>
    %dot_general3A_18 = tpu.matmul %concatenate3A, %get3A_17, %dot_general3A {dimension_numbers = #tpu.dot_dimension_numbers<[1], [0], [0], [1], [0, 0, 1, 1], [], []>, transpose_lhs_hint = false} : vector<1000x256xf32>, vector<256x256xf32>, vector<1000x256xf32> -> vector<1000x256xf32>
    %get3A_19 = arith.constant 0 : index
    %get3A_20 = arith.constant 0 : index
    %get3A_21 = vector.load %arg4[%get3A_19, %get3A_20] : memref<1x256xf32, #tpu.memory_space<vmem>>, vector<1x256xf32>
    %add3A = vector.broadcast %get3A_21 : vector<1x256xf32> to vector<1000x256xf32>
    %add3A_22 = arith.addf %dot_general3A_18, %add3A : vector<1000x256xf32>
    %max3A = arith.constant 0.000000e+00 : f32
    %max3A_23 = vector.broadcast %max3A : f32 to vector<1000x256xf32>
    %max3A_24 = arith.maximumf %add3A_22, %max3A_23 : vector<1000x256xf32>
    %get3A_25 = arith.constant 0 : index
    %get3A_26 = arith.constant 0 : index
    %get3A_27 = vector.load %arg5[%get3A_25, %get3A_26] : memref<256x128xf32, #tpu.memory_space<vmem>>, vector<256x128xf32>
    %dot_general3A_28 = arith.constant dense<0.000000e+00> : vector<1000x128xf32>
    %dot_general3A_29 = tpu.matmul %max3A_24, %get3A_27, %dot_general3A_28 {dimension_numbers = #tpu.dot_dimension_numbers<[1], [0], [0], [1], [0, 0, 1, 1], [], []>, transpose_lhs_hint = false} : vector<1000x256xf32>, vector<256x128xf32>, vector<1000x128xf32> -> vector<1000x128xf32>
    %mul3A_30 = vector.broadcast %get3A_1 : vector<1000x1xf32> to vector<1000x128xf32>
    %mul3A_31 = arith.mulf %dot_general3A_29, %mul3A_30 : vector<1000x128xf32>
    %swap3A = arith.constant 0 : index
    %swap3A_32 = arith.constant 0 : index
    %swap3A_33 = vector.load %arg6[%swap3A, %swap3A_32] : memref<1000x128xf32, #tpu.memory_space<vmem>>, vector<1000x128xf32>
    tpu.vector_store %arg6[%swap3A, %swap3A_32], %mul3A_31 {strides = array<i32>} : memref<1000x128xf32, #tpu.memory_space<vmem>>, vector<1000x128xf32>,
    return
  }
  func.func @transform_0(%arg0: i32) -> (i32, i32, i32) {
    %c0_i32 = arith.constant 0 : i32
    %c0_i32_0 = arith.constant 0 : i32
    %c0_i32_1 = arith.constant 0 : i32
    return %c0_i32, %arg0, %c0_i32_0 : i32, i32, i32
  }
  func.func @transform_1(%arg0: i32) -> (i32, i32) {
    %c0_i32 = arith.constant 0 : i32
    %c0_i32_0 = arith.constant 0 : i32
    return %arg0, %c0_i32 : i32, i32
  }
  func.func @transform_2(%arg0: i32) -> (i32, i32) {
    %c0_i32 = arith.constant 0 : i32
    %c0_i32_0 = arith.constant 0 : i32
    %c0_i32_1 = arith.constant 0 : i32
    return %c0_i32, %c0_i32_0 : i32, i32
  }
  func.func @transform_3(%arg0: i32) -> (i32, i32) {
    %c0_i32 = arith.constant 0 : i32
    %c0_i32_0 = arith.constant 0 : i32
    %c0_i32_1 = arith.constant 0 : i32
    return %c0_i32, %c0_i32_0 : i32, i32
  }
  func.func @transform_4(%arg0: i32) -> (i32, i32) {
    %c0_i32 = arith.constant 0 : i32
    %c0_i32_0 = arith.constant 0 : i32
    %c0_i32_1 = arith.constant 0 : i32
    return %c0_i32, %c0_i32_0 : i32, i32
  }
  func.func @transform_5(%arg0: i32) -> (i32, i32) {
    %c0_i32 = arith.constant 0 : i32
    %c0_i32_0 = arith.constant 0 : i32
    return %arg0, %c0_i32 : i32, i32
  }
}

module attributes {stable_mosaic.version = 14 : i64} {
  func.func @_tc4_body(%arg0: i32, %arg1: memref<2x1000x128xf32, #tpu.memory_space<vmem>>, %arg2: memref<1000x1xf32, #tpu.memory_space<vmem>>, %arg3: memref<1x128xf32, #tpu.memory_space<vmem>>, %arg4: memref<128x128xf32, #tpu.memory_space<vmem>>, %arg5: memref<1x128xf32, #tpu.memory_space<vmem>>, %arg6: memref<1000x128xf32, #tpu.memory_space<vmem>>) attributes {dimension_semantics = [#tpu.dimension_semantics<arbitrary>], iteration_bounds = array<i64: 10>, scalar_prefetch = 0 : i64, scratch_operands = 0 : i64, tpu.core_type = #tpu.core_type<tc>, window_params = [{transform_indices = @transform_0, window_bounds = array<i64: 2, 1000, 128>}, {transform_indices = @transform_1, window_bounds = array<i64: 1000, 1>}, {pipeline_mode = #tpu.pipeline_mode<synchronous>, transform_indices = @transform_2, window_bounds = array<i64: 1, 128>}, {pipeline_mode = #tpu.pipeline_mode<synchronous>, transform_indices = @transform_3, window_bounds = array<i64: 128, 128>}, {pipeline_mode = #tpu.pipeline_mode<synchronous>, transform_indices = @transform_4, window_bounds = array<i64: 1, 128>}, {transform_indices = @transform_5, window_bounds = array<i64: 1000, 128>}]} {
    %get3A = arith.constant 0 : index
    %get3A_0 = arith.constant 0 : index
    %get3A_1 = arith.constant 0 : index
    %get3A_2 = vector.load %arg1[%get3A, %get3A_0, %get3A_1] : memref<2x1000x128xf32, #tpu.memory_space<vmem>>, vector<1x1000x128xf32>
    %get3A_3 = vector.shape_cast %get3A_2 : vector<1x1000x128xf32> to vector<1000x128xf32>
    %get3A_4 = arith.constant 1 : index
    %get3A_5 = arith.constant 0 : index
    %get3A_6 = arith.constant 0 : index
    %get3A_7 = vector.load %arg1[%get3A_4, %get3A_5, %get3A_6] : memref<2x1000x128xf32, #tpu.memory_space<vmem>>, vector<1x1000x128xf32>
    %get3A_8 = vector.shape_cast %get3A_7 : vector<1x1000x128xf32> to vector<1000x128xf32>
    %add3A = arith.addf %get3A_3, %get3A_8 : vector<1000x128xf32>
    %get3A_9 = arith.constant 0 : index
    %get3A_10 = arith.constant 0 : index
    %get3A_11 = vector.load %arg2[%get3A_9, %get3A_10] : memref<1000x1xf32, #tpu.memory_space<vmem>>, vector<1000x1xf32>
    %mul3A = vector.broadcast %get3A_11 : vector<1000x1xf32> to vector<1000x128xf32>
    %mul3A_12 = arith.mulf %add3A, %mul3A : vector<1000x128xf32>
    %get3A_13 = arith.constant 0 : index
    %get3A_14 = arith.constant 0 : index
    %get3A_15 = vector.load %arg3[%get3A_13, %get3A_14] : memref<1x128xf32, #tpu.memory_space<vmem>>, vector<1x128xf32>
    %add3A_16 = vector.broadcast %get3A_15 : vector<1x128xf32> to vector<1000x128xf32>
    %add3A_17 = arith.addf %mul3A_12, %add3A_16 : vector<1000x128xf32>
    %max3A = arith.constant 0.000000e+00 : f32
    %max3A_18 = vector.broadcast %max3A : f32 to vector<1000x128xf32>
    %max3A_19 = arith.maximumf %add3A_17, %max3A_18 : vector<1000x128xf32>
    %get3A_20 = arith.constant 0 : index
    %get3A_21 = arith.constant 0 : index
    %get3A_22 = vector.load %arg4[%get3A_20, %get3A_21] : memref<128x128xf32, #tpu.memory_space<vmem>>, vector<128x128xf32>
    %dot_general3A = arith.constant dense<0.000000e+00> : vector<1000x128xf32>
    %dot_general3A_23 = tpu.matmul %max3A_19, %get3A_22, %dot_general3A {dimension_numbers = #tpu.dot_dimension_numbers<[1], [0], [0], [1], [0, 0, 1, 1], [], []>, transpose_lhs_hint = false} : vector<1000x128xf32>, vector<128x128xf32>, vector<1000x128xf32> -> vector<1000x128xf32>
    %get3A_24 = arith.constant 0 : index
    %get3A_25 = arith.constant 0 : index
    %get3A_26 = vector.load %arg5[%get3A_24, %get3A_25] : memref<1x128xf32, #tpu.memory_space<vmem>>, vector<1x128xf32>
    %add3A_27 = vector.broadcast %get3A_26 : vector<1x128xf32> to vector<1000x128xf32>
    %add3A_28 = arith.addf %dot_general3A_23, %add3A_27 : vector<1000x128xf32>
    %swap3A = arith.constant 0 : index
    %swap3A_29 = arith.constant 0 : index
    %swap3A_30 = vector.load %arg6[%swap3A, %swap3A_29] : memref<1000x128xf32, #tpu.memory_space<vmem>>, vector<1000x128xf32>
    tpu.vector_store %arg6[%swap3A, %swap3A_29], %add3A_28 {strides = array<i32>} : memref<1000x128xf32, #tpu.memory_space<vmem>>, vector<1000x128xf32>,
    return
  }
  func.func @transform_0(%arg0: i32) -> (i32, i32, i32) {
    %c0_i32 = arith.constant 0 : i32
    %c0_i32_0 = arith.constant 0 : i32
    %c0_i32_1 = arith.constant 0 : i32
    return %c0_i32, %arg0, %c0_i32_0 : i32, i32, i32
  }
  func.func @transform_1(%arg0: i32) -> (i32, i32) {
    %c0_i32 = arith.constant 0 : i32
    %c0_i32_0 = arith.constant 0 : i32
    return %arg0, %c0_i32 : i32, i32
  }
  func.func @transform_2(%arg0: i32) -> (i32, i32) {
    %c0_i32 = arith.constant 0 : i32
    %c0_i32_0 = arith.constant 0 : i32
    %c0_i32_1 = arith.constant 0 : i32
    return %c0_i32, %c0_i32_0 : i32, i32
  }
  func.func @transform_3(%arg0: i32) -> (i32, i32) {
    %c0_i32 = arith.constant 0 : i32
    %c0_i32_0 = arith.constant 0 : i32
    %c0_i32_1 = arith.constant 0 : i32
    return %c0_i32, %c0_i32_0 : i32, i32
  }
  func.func @transform_4(%arg0: i32) -> (i32, i32) {
    %c0_i32 = arith.constant 0 : i32
    %c0_i32_0 = arith.constant 0 : i32
    %c0_i32_1 = arith.constant 0 : i32
    return %c0_i32, %c0_i32_0 : i32, i32
  }
  func.func @transform_5(%arg0: i32) -> (i32, i32) {
    %c0_i32 = arith.constant 0 : i32
    %c0_i32_0 = arith.constant 0 : i32
    return %arg0, %c0_i32 : i32, i32
  }
}

</mosaic_0001>

<sc_bundles>
// kernel: kernel.10.cloned.1.call-start
scs
__scs_entry_jumppad:
0x0: {  	(pc) =	sbr.rel $0x88, $3  }
0x1: {  	(tag) =	ssettag $0x0;
	lr =	simm.s32 $0x1  }
0x2: {  	[smem:$0x3F97] =	sst lr;
	_ =	strace $0xD0000000  }
0x3: {  	_ = 	snop  }
0x4: {  	_ = 	snop  }
0x5: {  	_ = 	snop  }
0x6: {  	_ = 	snop  }
0x7: {  	_ = 	snop  }
__scs_overlays_trampoline_lowered:
0x8: {  	[smem:$0x3FA6] =	sst s0  }
0x9: {  	[smem:$0x3FA7] =	sst s1  }
0xa: {  	[smem:$0x3FA8] =	sst s2  }
0xb: {  	[smem:$0x3FA9] =	sst s3  }
0xc: {  	[smem:$0x3FAA] =	sst s4  }
0xd: {  	[smem:$0x3FAB] =	sst s5  }
0xe: {  	[smem:$0x3FAC] =	sst s6  }
0xf: {  	[smem:$0x3FAD] =	sst s7  }
0x10: {  	[smem:$0x3FAE] =	sst s8  }
0x11: {  	[smem:$0x3FAF] =	sst s9;
	s0 =	simm.s32 @!p0 $0x0  }
0x12: {  	s1 =	sld [smem:$0x3F95];
	s0 =	simm.s32 @p0 $0x1  }
0x13: {  	[smem:$0x3FB0] =	sst s0;
	s0 =	simm.s32 @!p1 $0x0  }
0x14: {  	s2 =	sld [smem:$0x3F94];
	s0 =	simm.s32 @p1 $0x1  }
0x15: {  	[smem:$0x3FB1] =	sst s0;
	s0 =	simm.s32 @!p2 $0x0  }
0x16: {  	s3 =	sld [smem:$0x3FDB];
	s0 =	simm.s32 @p2 $0x1  }
0x17: {  	s4 =	simm.s32 $0x1BF5;
	[smem:$0x3FB3] =	sst s0  }
0x18: {  	s0 =	sld [smem:$0x3F96];
	_ =	swait.ge [sflag:s4], $0x0  }
0x19: {  	s7 =	sld [smem:$0x3F97]  }
0x1a: {  	s8 =	sadd.s32 $0xFFFFE003, lr  }
0x1b: {  	s9 =	sadd.s32 $0xFFFFFEF7, lr;
	s5 =	simm.s32 $0xFFFFFFFF;
	p2 =	slt.u32 s8, $0xFFFFF086  }
0x1c: {  	p1 =	slt.u32 s9, $0xF7A;
	s5 =	simm.s32 @!p2 $0x0  }
0x1d: {  	s5 =	simm.s32 @p1 $0x1;
	p0 =	seq.s32 s7, s2  }
0x1e: {  	s7 =	smul.u32 @!p0 $0xF7A, s2;
	p2 =	seq.s32 @!p0 s5, $0x0  }
0x1f: {  	s9 =	smul.u32 $0xF7A, s1;
	s8 =	simm.s32 @!p0 $0x1BF5;
	p2 =	por !p2, p0  }
0x20: {  	[sflag:s8] =	ssyncset.s32 @!p0 $0xFFFFF086;
	s6 =	sadd.s32 @!p0 s3, s7;
	s7 =	simm.s32 @!p0 $0x108  }
0x21: {  	s3 =	sadd.s32 s3, s9;
	s6 =	sadd.s32 @!p0 $0x88, s6;
	s7 =	simm.s32 @p2 $0x1082  }
0x22: {  	[simem:s7], [sflag:s8] =	dma.local @!p0 [hbm:s6], $0xF7A  }
0x23: {  	s9 =	sor.u32 $0xD0000000, s2;
	s6 =	simm.s32 $0x108;
	_ =	swait.ge @!p0 [sflag:s8], $0x0  }
0x24: {  	s3 =	sadd.s32 $0x88, s3;
	s6 =	simm.s32 @!p1 $0x1082;
	[sflag:s4] =	ssyncset.s32 $0xFFFFF086  }
0x25: {  	[simem:s6], [sflag:s4] =	dma.local [hbm:s3], $0xF7A  }
0x26: {  	[smem:$0x3F97] =	sst s1;
	(tag) =	ssettag s2;
	_ =	strace s9  }
0x27: {  	s1 =	sld [smem:$0x3FA7]  }
0x28: {  	s2 =	sld [smem:$0x3FA8]  }
0x29: {  	s4 =	sld [smem:$0x3FAA]  }
0x2a: {  	p0 =	seq.s32 s5, $0x0;
	s5 =	sld [smem:$0x3FAB]  }
0x2b: {  	s6 =	sld [smem:$0x3FAC]  }
0x2c: {  	s7 =	sld [smem:$0x3FAD]  }
0x2d: {  	s3 =	simm.s32 $0x108;
	s8 =	sld [smem:$0x3FAE]  }
0x2e: {  	s3 =	simm.s32 @!p0 $0x1082;
	s9 =	sld [smem:$0x3FAF]  }
0x2f: {  	lr =	sadd.s32 s0, s3;
	s0 =	sld [smem:$0x3FA6]  }
0x30: {  	s3 =	sld [smem:$0x3FA9]  }
0x31: {  	[smem:$0x3FB2] =	sst s10  }
0x32: {  	s10 =	sld [smem:$0x3FB0];
	_ =	sdelay $0x3  }
0x33: {  	p0 =	seq.s32 s10, $0x1;
	s10 =	sld [smem:$0x3FB2];
	_ =	sdelay $0x3  }
0x34: {  	[smem:$0x3FB2] =	sst s10  }
0x35: {  	s10 =	sld [smem:$0x3FB1];
	_ =	sdelay $0x3  }
0x36: {  	p1 =	seq.s32 s10, $0x1;
	s10 =	sld [smem:$0x3FB2];
	_ =	sdelay $0x3  }
0x37: {  	[smem:$0x3FB2] =	sst s10  }
0x38: {  	s10 =	sld [smem:$0x3FB3]  }
0x39: {  	_ = 	snop;
	(pc) =	sbr.ind lr, $3  }
0x3a: {  	_ = 	snop  }
0x3b: {  	_ = 	snop  }
0x3c: {  	p2 =	seq.s32 s10, $0x1;
	s10 =	sld [smem:$0x3FB2]  }
0x3d: {  	_ =	shalt  }
0x3e: {  	_ =	shalt  }
0x3f: {  	_ =	shalt  }
0x40: {  	_ =	shalt  }
0x41: {  	_ =	shalt  }
0x42: {  	_ =	shalt  }
0x43: {  	_ =	shalt  }
0x44: {  	_ =	shalt  }
0x45: {  	_ =	shalt  }
0x46: {  	_ =	shalt  }
0x47: {  	_ =	shalt  }
0x48: {  	_ =	shalt  }
0x49: {  	_ =	shalt  }
0x4a: {  	_ =	shalt  }
0x4b: {  	_ =	shalt  }
0x4c: {  	_ =	shalt  }
0x4d: {  	_ =	shalt  }
0x4e: {  	_ =	shalt  }
0x4f: {  	_ =	shalt  }
0x50: {  	_ =	shalt  }
0x51: {  	_ =	shalt  }
0x52: {  	_ =	shalt  }
0x53: {  	_ =	shalt  }
0x54: {  	_ =	shalt  }
0x55: {  	_ =	shalt  }
0x56: {  	_ =	shalt  }
0x57: {  	_ =	shalt  }
0x58: {  	_ =	shalt  }
0x59: {  	_ =	shalt  }
0x5a: {  	_ =	shalt  }
0x5b: {  	_ =	shalt  }
0x5c: {  	_ =	shalt  }
0x5d: {  	_ =	shalt  }
0x5e: {  	_ =	shalt  }
0x5f: {  	_ =	shalt  }
0x60: {  	_ =	shalt  }
0x61: {  	_ =	shalt  }
0x62: {  	_ =	shalt  }
0x63: {  	_ =	shalt  }
0x64: {  	_ =	shalt  }
0x65: {  	_ =	shalt  }
0x66: {  	_ =	shalt  }
0x67: {  	_ =	shalt  }
0x68: {  	_ =	shalt  }
0x69: {  	_ =	shalt  }
0x6a: {  	_ =	shalt  }
0x6b: {  	_ =	shalt  }
0x6c: {  	_ =	shalt  }
0x6d: {  	_ =	shalt  }
0x6e: {  	_ =	shalt  }
0x6f: {  	_ =	shalt  }
0x70: {  	_ =	shalt  }
0x71: {  	_ =	shalt  }
0x72: {  	_ =	shalt  }
0x73: {  	_ =	shalt  }
0x74: {  	_ =	shalt  }
0x75: {  	_ =	shalt  }
0x76: {  	_ =	shalt  }
0x77: {  	_ =	shalt  }
0x78: {  	_ =	shalt  }
0x79: {  	_ =	shalt  }
0x7a: {  	_ =	shalt  }
0x7b: {  	_ =	shalt  }
0x7c: {  	_ =	shalt  }
0x7d: {  	_ =	shalt  }
0x7e: {  	_ =	shalt  }
0x7f: {  	_ =	shalt  }
0x80: {  	_ =	shalt  }
0x81: {  	_ =	shalt  }
0x82: {  	_ =	shalt  }
0x83: {  	_ =	shalt  }
0x84: {  	_ =	shalt  }
0x85: {  	_ =	shalt  }
0x86: {  	_ =	shalt  }
0x87: {  	_ =	shalt  }
.Lfunc_end0:
.L_simem_size_0:
called_computation_lowered:
.L_overlay_start_0:
0x88: {  	s2 =	sld [smem:$0x3FD9]  }
0x89: {  	s3 =	sld [smem:$0x3FFE];
	_ =	sdelay $0x1  }
0x8a: {  	s1 =	srdreg.scid  }
0x8b: {  	s0 =	sand.u32 $0x1, s1  }
0x8c: {  	s17 =	sshll.u32 s0, $0xA;
	s2 =	sadd.s32 s3, s2  }
0x8d: {  	s2 =	sadd.s32 s2, s17  }
0x8e: {  	[smem:$0x3FBE] =	sst s2  }
0x8f: {  	_ = 	snop  }
0x90: {  	s2 =	sld [smem:$0x3FD0];
	(tm) =	ssettm $0x1  }
0x91: {  	s18 =	sld [smem:$0x3FFB];
	_ =	sdelay $0x3  }
0x92: {  	_ =	strace s18  }
0x93: {  	s3 =	sld [smem:$0x3FFC];
	_ =	sdelay $0x3  }
0x94: {  	_ =	strace s3  }
0x95: {  	s3 =	sld [smem:$0x3FFD];
	_ =	sdelay $0x3  }
0x96: {  	_ =	strace s3  }
0x97: {  	_ =	strace $0x8FFFFFFF  }
0x98: {  	s19 =	sld [smem:$0x3FDB];
	_ =	sdelay $0x1  }
0x99: {  	s4 =	simm.s32 $_scs_section_size  }
0x9a: {  	s5 =	simm.s32 $_size__tile_overlayer_lowered;
	s6 =	simm.s32 $_tile_overlayer_lowered  }
0x9b: {  	s22 =	simm.s32 $0x1BFF;
	s21 =	sshll.u32 s6, $0x1;
	s3 =	sadd.s32 s4, s19  }
0x9c: {  	s7 =	simm.s32 $0x0;
	s20 =	sshll.u32 s5, $0x1;
	s5 =	sadd.s32 s21, s3  }
0x9d: {  	[timem:s7], [sflag:s22] =	dma.local [hbm:s5], s20  }
0x9e: {  	_ =	swait.ge [sflag:s22], s20  }
0x9f: {  	s4 =	ssub.s32 $0x0, s20;
	[sflag:s22] =	ssyncset.done $0x0  }
0xa0: {  	[sflag:s22] =	ssyncadd.s32 s4;
	_ =	sdelay $0x1  }
0xa1: {  	s23 =	simm.s32 $0x1B8B  }
0xa2: {  	_ =	swait.ge [sflag:s23], $0x1  }
0xa3: {  	[sflag:s23] =	ssyncset.done $0x0  }
0xa4: {  	s25 =	simm.s32 $0x1B8E;
	s24 =	sld [smem:$0x3FFE];
	[sflag:s23] =	ssyncadd.s32 $0xFFFFFFFF  }
0xa5: {  	s26 =	simm.s32 $execute0_lowered;
	[smem:$0x3FD2] =	sst s25  }
0xa6: {  	s5 =	sshll.u32 s26, $0x1;
	_ =	strace $0x80000046;
	[dreg:$0x1] =	wrdreg $0xFFFFFFFF  }
0xa7: {  	s28 =	simm.s32 $_size_execute0_lowered;
	s3 =	sadd.s32 s3, s5;
	[dreg:$0x0] =	wrdreg $0x0  }
0xa8: {  	s5 =	sshll.u32 s28, $0x1;
	[dreg:$0x2] =	wrdreg s3  }
0xa9: {  	[dreg:$0x3] =	wrdreg s5  }
0xaa: {  	[dreg:$0x4] =	wrdreg $0xC0  }
0xab: {  	_ =	task [dreg:s7], $0x5FFFF  }
0xac: {  	[dreg:$0x1] =	wrdreg $0xFFFFFFFF  }
0xad: {  	[dreg:$0x0] =	wrdreg $0x60  }
0xae: {  	[dreg:$0x2] =	wrdreg s24  }
0xaf: {  	[dreg:$0x3] =	wrdreg s2  }
0xb0: {  	[dreg:$0x4] =	wrdreg $0x68000  }
0xb1: {  	[dreg:$0x5] =	wrdreg $0x9  }
0xb2: {  	_ =	task.clear_ibuf [dreg:s7], $0x6FFFF;
	_ =	strace $0x90000046  }
0xb3: {  	s29 =	simm.s32 $0x9;
	_ =	strace $0x80000048  }
0xb4: {  	_ =	swait.ge [sflag:s29], $0x1  }
0xb5: {  	[sflag:s29] =	ssyncadd.s32 $0xFFFFFFFF  }
0xb6: {  	_ =	strace $0x90000048  }
0xb7: {  	_ =	sfence  }
0xb8: {  	s30 =	sld [smem:$0x0];
	_ =	sdelay $0x2  }
0xb9: {  	s31 =	sshll.u32 s1, $0xD;
	s1 =	sshrl.u32 s1, $0x2  }
0xba: {  	s3 =	sand.u32 $0x4000, s31;
	s1 =	sadd.s32 s1, s30  }
0xbb: {  	s0 =	sor.u32 s3, s0;
	s1 =	sshll.u32 s1, $0x11  }
0xbc: {  	s0 =	sor.u32 s1, s0  }
0xbd: {  	s0 =	sadd.s32 $0x8F2B, s0  }
0xbe: {  	[sflag:s0] =	ssyncadd.remote.s32 $0x1  }
0xbf: {  	_ =	sfence.sel $0xFFFF  }
0xc0: {  	[dreg:$0x0] =	wrdreg $0xFFFFFFFF;
	(pc) =	sbr.abs _section_cstart, $3  }
0xc1: {  	[dreg:$0x1] =	wrdreg $0xFFFFFFFF  }
0xc2: {  	_ =	task.clear_ibuf [dreg:s7], $0x2FFFF;
	_ =	strace $0x9FFFFFFF  }
0xc3: {  	(tm) =	ssettm $0x7FFFFFFF  }
tec
execute0_lowered:
.L_overlay_start_1:
0x0: {  	(tag) =	ssettag $0x1  }
0x1: {  	s5 =	rddreg [dreg:$0x0]  }
0x2: {  	s2 =	rddreg [dreg:$0x1]  }
0x3: {  	s3 =	rddreg [dreg:$0x2]  }
0x4: {  	s0 =	rddreg [dreg:$0x3]  }
0x5: {  	s1 =	stileid.u32;
	s6 =	srdreg.scid  }
0x6: {  	s4 =	simm.s32 $0x0;
	s13 =	simm.s32 $0x1;
	s14 =	simm.s32 $0x2  }
0x7: {  	s15 =	simm.s32 $0x50;
	s16 =	simm.s32 $0x80;
	s17 =	simm.s32 $0x3E00  }
0x8: {  	s18 =	simm.s32 $0x0;
	s7 =	smul.u32 $0x14000, s1;
	s6 =	sand.u32 $0x1, s6  }
0x9: {  	[smem:$0x7FF] =	sst s4;
	s9 =	sshll.u32 s1, $0xB;
	s11 =	smul.u32 $0x50000, s1  }
0xa: {  	s31 =	sshll.u32 s1, $0x6;
	s8 =	smul.u32 $0x140000, s6;
	_ =	strace $0x80000047  }
0xb: {  	s25 =	sadd.s32 s9, s5;
	s28 =	ssub.s32 $0x2, s6;
	s6 =	sshll.u32 s6, $0xF  }
0xc: {  	s10 =	sshrl.u32 s7, $0x3;
	s29 =	sshrl.u32 s28, $0x1;
	s6 =	sadd.s32 s6, s25  }
0xd: {  	s30 =	sshrl.u32 s11, $0x2;
	s7 =	sadd.s32 s7, s8;
	s26 =	sadd.s32 s10, s5  }
0xe: {  	s10 =	ssub.s32 s28, s29;
	s11 =	sadd.s32 s30, s3;
	s7 =	sshrl.u32 s7, $0x3  }
0xf: {  	s9 =	smax.u32 s10, $0x1;
	s10 =	simm.s32 $0x4000;
	s11 =	sshrl.u32 s11, $0x3  }
0x10: {  	s12 =	sadd.s32 s7, s5;
	s5 =	sadd.s32 $0x16A00, s6;
	s6 =	sadd.s32 $0x26A00, s26  }
0x11: {  	s7 =	sor.u32 $0x1C03, s31;
	s8 =	sadd.s32 $0x4EA00, s12;
	s12 =	simm.s32 $0x3  }
.LBB2_1:
0x12: {  	[tilespmem:s10], [sflag:$0x1] =	stream.linear.gather [hbm4b:s2+s4], $0x2800, $0x38;
	[tilespmem:$0x1A800] =	vst v63  }
0x13: {  	_ = 	snop  }
0x14: {  	[tilespmem:s4], [sflag:$0x2] =	stream.linear.gather [hbm4b:s5+s4], $0x3E80, $0x38;
	[tilespmem:$0x1A800] =	vst v63  }
0x15: {  	[spmem:s11], [sflag:s7] =	dma.local [hbm:s6], $0x2800  }
0x16: {  	_ =	swait.ge [sflag:s12], $0x2800  }
0x17: {  	[sflag:s12] =	ssyncset.done $0x0  }
0x18: {  	[sflag:s12] =	ssyncadd.s32 $0xFFFFD800  }
0x19: {  	_ =	swait.ge [sflag:s13], $0x2800  }
0x1a: {  	[sflag:s13] =	ssyncset.done $0x0  }
0x1b: {  	[sflag:s13] =	ssyncadd.s32 $0xFFFFD800  }
0x1c: {  	_ =	swait.ge [sflag:s14], $0x3E80  }
0x1d: {  	[sflag:s14] =	ssyncset.done $0x0  }
0x1e: {  	[sflag:s14] =	ssyncadd.s32 $0xFFFFC180  }
0x1f: {  	[bflag:$0x0] =	sbarrier.arrive $0xFFFF  }
0x20: {  	[spmem:s3] =	stream.indirect.scatter.add.f32 [tilespmem:s10], [sflag:$0x1], $0x80, s4, s15, $0xb8;
	[tilespmem:$0x1A800] =	vst v63  }
0x21: {  	_ = 	snop  }
0x22: {  	[spmem:s3] =	stream.indirect.scatter.add.f32 [tilespmem:s10], [sflag:$0x2], $0x80, s16, s15, $0xb8;
	[tilespmem:$0x1A800] =	vst v63  }
0x23: {  	_ =	swait.ge [sflag:s13], $0x2800  }
0x24: {  	[sflag:s13] =	ssyncset.done $0x0  }
0x25: {  	s19 =	simm.s32 $0x100;
	[sflag:s13] =	ssyncadd.s32 $0xFFFFD800  }
0x26: {  	[spmem:s3] =	stream.indirect.scatter.add.f32 [tilespmem:s10], [sflag:$0x1], $0x80, s19, s15, $0xb8;
	[tilespmem:$0x1A800] =	vst v63  }
0x27: {  	_ =	swait.ge [sflag:s14], $0x2800  }
0x28: {  	[sflag:s14] =	ssyncset.done $0x0  }
0x29: {  	s20 =	simm.s32 $0x180;
	s19 =	simm.s32 $0xFFFF1000;
	[sflag:s14] =	ssyncadd.s32 $0xFFFFD800  }
.LBB2_2:
0x2a: {  	[spmem:s3] =	stream.indirect.scatter.add.f32 [tilespmem:s10], [sflag:$0x2], $0x80, s20, s15, $0xb8;
	[tilespmem:$0x1A800] =	vst v63  }
0x2b: {  	s20 =	smov.u32 s19  }
0x2c: {  	p0 =	sne.s32 s19, $0xFFFFFC00;
	s19 =	sadd.s32 $0x400, s19;
	_ =	swait.ge [sflag:s13], $0x2800  }
0x2d: {  	s20 =	sshra.s32 s20, $0x2;
	[sflag:s13] =	ssyncset.done $0x0  }
.Ltmp0:
0x2e: {  	s21 =	sadd.s32 $0x3E00, s20;
	[sflag:s13] =	ssyncadd.s32 $0xFFFFD800;
	(pc) =	sbr.rel @p0 .LBB2_2-.Ltmp0, $4  }
0x2f: {  	[spmem:s3] =	stream.indirect.scatter.add.f32 [tilespmem:s10], [sflag:$0x1], $0x80, s21, s15, $0xb8;
	[tilespmem:$0x1A800] =	vst v63  }
0x30: {  	_ =	swait.ge [sflag:s14], $0x2800  }
0x31: {  	[sflag:s14] =	ssyncset.done $0x0  }
0x32: {  	s20 =	sadd.s32 $0x3E80, s20;
	[sflag:s14] =	ssyncadd.s32 $0xFFFFD800  }
0x33: {  	[spmem:s3] =	stream.indirect.scatter.add.f32 [tilespmem:s10], [sflag:$0x2], $0x80, s20, s15, $0xb8;
	[tilespmem:$0x1A800] =	vst v63  }
0x34: {  	_ =	swait.ge [sflag:s13], $0x2800  }
0x35: {  	[sflag:s13] =	ssyncset.done $0x0  }
0x36: {  	[sflag:s13] =	ssyncadd.s32 $0xFFFFD800  }
0x37: {  	[spmem:s3] =	stream.indirect.scatter.add.f32 [tilespmem:s10], [sflag:$0x1], $0x80, s17, s15, $0xb8;
	[tilespmem:$0x1A800] =	vst v63  }
0x38: {  	_ =	swait.ge [sflag:s14], $0x2800  }
0x39: {  	[sflag:s14] =	ssyncset.done $0x0  }
0x3a: {  	[sflag:s14] =	ssyncadd.s32 $0xFFFFD800  }
0x3b: {  	_ =	swait.ge [sflag:s13], $0x2800  }
0x3c: {  	s18 =	sadd.s32 $0x1, s18;
	[sflag:s13] =	ssyncset.done $0x0  }
0x3d: {  	p0 =	sne.s32 s18, s9;
	[sflag:s13] =	ssyncadd.s32 $0xFFFFD800  }
.Ltmp1:
0x3e: {  	[bflag:$0x0] =	sbarrier.arrive $0xFFFF;
	(pc) =	sbr.rel @p0 .LBB2_1-.Ltmp1, $4  }
0x3f: {  	[hbm:s8], [sflag:s7] =	dma.local [spmem:s11], $0x2800  }
0x40: {  	_ =	swait.ge [sflag:s12], $0x2800  }
0x41: {  	[sflag:s12] =	ssyncset.done $0x0  }
0x42: {  	[sflag:s12] =	ssyncadd.s32 $0xFFFFD800  }
0x43: {  	_ =	sfence.sel $0x180000  }
0x44: {  	[bflag:$0x0] =	sbarrier.arrive $0xFFFF  }
0x45: {  	p0 =	sne.s32 s1, $0x0;
	_ =	strace $0x90000047  }
0x46: {  	s0 =	sadd.s32 @!p0 $0x100000, s0;
	[bflag:$0x2] =	sbarrier.arrive $0xFFFF  }
0x47: {  	[sflag:s0] =	ssyncadd.tile.s32 @!p0 $0x1;
	_ =	shalt  }
.Lfunc_end2:
_tile_overlayer_lowered:
.L_overlay_start_2:
0x48: {  	(tag) =	ssettag $0x2  }
0x49: {  	s0 =	rddreg [dreg:$0x0];
	s2 =	stileid.u32  }
0x4a: {  	s1 =	rddreg [dreg:$0x1];
	p0 =	sne.s32 s2, $0x0  }
0x4b: {  	s3 =	rddreg [dreg:$0x2];
	[bflag:$0x3] =	sbarrier.arrive $0xFFFF;
	s2 =	simm.s32 @!p0 $0x1C03  }
0x4c: {  	[timem:s3], [sflag:s2] =	dma.local @!p0 [hbm:s0], s1  }
0x4d: {  	s0 =	simm.s32 @!p0 $0x3  }
0x4e: {  	_ =	swait.ge @!p0 [sflag:s0], s1  }
0x4f: {  	s1 =	ssub.s32 @!p0 $0x0, s1;
	[sflag:s0] =	ssyncset.done @!p0 $0x0  }
0x50: {  	[sflag:s0] =	ssyncadd.s32 @!p0 s1  }
0x51: {  	[bflag:$0x3] =	sbarrier.arrive $0xFFFF  }
0x52: {  	_ =	shalt  }

// kernel: kernel.13.cloned.1.call-start
scs
__scs_entry_jumppad:
0x0: {  	(pc) =	sbr.rel $0x88, $3  }
0x1: {  	(tag) =	ssettag $0x0;
	lr =	simm.s32 $0x1  }
0x2: {  	[smem:$0x3F97] =	sst lr;
	_ =	strace $0xD0000000  }
0x3: {  	_ = 	snop  }
0x4: {  	_ = 	snop  }
0x5: {  	_ = 	snop  }
0x6: {  	_ = 	snop  }
0x7: {  	_ = 	snop  }
__scs_overlays_trampoline_lowered:
0x8: {  	[smem:$0x3FA6] =	sst s0  }
0x9: {  	[smem:$0x3FA7] =	sst s1  }
0xa: {  	[smem:$0x3FA8] =	sst s2  }
0xb: {  	[smem:$0x3FA9] =	sst s3  }
0xc: {  	[smem:$0x3FAA] =	sst s4  }
0xd: {  	[smem:$0x3FAB] =	sst s5  }
0xe: {  	[smem:$0x3FAC] =	sst s6  }
0xf: {  	[smem:$0x3FAD] =	sst s7  }
0x10: {  	[smem:$0x3FAE] =	sst s8  }
0x11: {  	[smem:$0x3FAF] =	sst s9;
	s0 =	simm.s32 @!p0 $0x0  }
0x12: {  	s1 =	sld [smem:$0x3F95];
	s0 =	simm.s32 @p0 $0x1  }
0x13: {  	[smem:$0x3FB0] =	sst s0;
	s0 =	simm.s32 @!p1 $0x0  }
0x14: {  	s2 =	sld [smem:$0x3F94];
	s0 =	simm.s32 @p1 $0x1  }
0x15: {  	[smem:$0x3FB1] =	sst s0;
	s0 =	simm.s32 @!p2 $0x0  }
0x16: {  	s3 =	sld [smem:$0x3FDB];
	s0 =	simm.s32 @p2 $0x1  }
0x17: {  	s4 =	simm.s32 $0x1BF5;
	[smem:$0x3FB3] =	sst s0  }
0x18: {  	s0 =	sld [smem:$0x3F96];
	_ =	swait.ge [sflag:s4], $0x0  }
0x19: {  	s7 =	sld [smem:$0x3F97]  }
0x1a: {  	s8 =	sadd.s32 $0xFFFFE003, lr  }
0x1b: {  	s9 =	sadd.s32 $0xFFFFFEF7, lr;
	s5 =	simm.s32 $0xFFFFFFFF;
	p2 =	slt.u32 s8, $0xFFFFF086  }
0x1c: {  	p1 =	slt.u32 s9, $0xF7A;
	s5 =	simm.s32 @!p2 $0x0  }
0x1d: {  	s5 =	simm.s32 @p1 $0x1;
	p0 =	seq.s32 s7, s2  }
0x1e: {  	s7 =	smul.u32 @!p0 $0xF7A, s2;
	p2 =	seq.s32 @!p0 s5, $0x0  }
0x1f: {  	s9 =	smul.u32 $0xF7A, s1;
	s8 =	simm.s32 @!p0 $0x1BF5;
	p2 =	por !p2, p0  }
0x20: {  	[sflag:s8] =	ssyncset.s32 @!p0 $0xFFFFF086;
	s6 =	sadd.s32 @!p0 s3, s7;
	s7 =	simm.s32 @!p0 $0x108  }
0x21: {  	s3 =	sadd.s32 s3, s9;
	s6 =	sadd.s32 @!p0 $0x88, s6;
	s7 =	simm.s32 @p2 $0x1082  }
0x22: {  	[simem:s7], [sflag:s8] =	dma.local @!p0 [hbm:s6], $0xF7A  }
0x23: {  	s9 =	sor.u32 $0xD0000000, s2;
	s6 =	simm.s32 $0x108;
	_ =	swait.ge @!p0 [sflag:s8], $0x0  }
0x24: {  	s3 =	sadd.s32 $0x88, s3;
	s6 =	simm.s32 @!p1 $0x1082;
	[sflag:s4] =	ssyncset.s32 $0xFFFFF086  }
0x25: {  	[simem:s6], [sflag:s4] =	dma.local [hbm:s3], $0xF7A  }
0x26: {  	[smem:$0x3F97] =	sst s1;
	(tag) =	ssettag s2;
	_ =	strace s9  }
0x27: {  	s1 =	sld [smem:$0x3FA7]  }
0x28: {  	s2 =	sld [smem:$0x3FA8]  }
0x29: {  	s4 =	sld [smem:$0x3FAA]  }
0x2a: {  	p0 =	seq.s32 s5, $0x0;
	s5 =	sld [smem:$0x3FAB]  }
0x2b: {  	s6 =	sld [smem:$0x3FAC]  }
0x2c: {  	s7 =	sld [smem:$0x3FAD]  }
0x2d: {  	s3 =	simm.s32 $0x108;
	s8 =	sld [smem:$0x3FAE]  }
0x2e: {  	s3 =	simm.s32 @!p0 $0x1082;
	s9 =	sld [smem:$0x3FAF]  }
0x2f: {  	lr =	sadd.s32 s0, s3;
	s0 =	sld [smem:$0x3FA6]  }
0x30: {  	s3 =	sld [smem:$0x3FA9]  }
0x31: {  	[smem:$0x3FB2] =	sst s10  }
0x32: {  	s10 =	sld [smem:$0x3FB0];
	_ =	sdelay $0x3  }
0x33: {  	p0 =	seq.s32 s10, $0x1;
	s10 =	sld [smem:$0x3FB2];
	_ =	sdelay $0x3  }
0x34: {  	[smem:$0x3FB2] =	sst s10  }
0x35: {  	s10 =	sld [smem:$0x3FB1];
	_ =	sdelay $0x3  }
0x36: {  	p1 =	seq.s32 s10, $0x1;
	s10 =	sld [smem:$0x3FB2];
	_ =	sdelay $0x3  }
0x37: {  	[smem:$0x3FB2] =	sst s10  }
0x38: {  	s10 =	sld [smem:$0x3FB3]  }
0x39: {  	_ = 	snop;
	(pc) =	sbr.ind lr, $3  }
0x3a: {  	_ = 	snop  }
0x3b: {  	_ = 	snop  }
0x3c: {  	p2 =	seq.s32 s10, $0x1;
	s10 =	sld [smem:$0x3FB2]  }
0x3d: {  	_ =	shalt  }
0x3e: {  	_ =	shalt  }
0x3f: {  	_ =	shalt  }
0x40: {  	_ =	shalt  }
0x41: {  	_ =	shalt  }
0x42: {  	_ =	shalt  }
0x43: {  	_ =	shalt  }
0x44: {  	_ =	shalt  }
0x45: {  	_ =	shalt  }
0x46: {  	_ =	shalt  }
0x47: {  	_ =	shalt  }
0x48: {  	_ =	shalt  }
0x49: {  	_ =	shalt  }
0x4a: {  	_ =	shalt  }
0x4b: {  	_ =	shalt  }
0x4c: {  	_ =	shalt  }
0x4d: {  	_ =	shalt  }
0x4e: {  	_ =	shalt  }
0x4f: {  	_ =	shalt  }
0x50: {  	_ =	shalt  }
0x51: {  	_ =	shalt  }
0x52: {  	_ =	shalt  }
0x53: {  	_ =	shalt  }
0x54: {  	_ =	shalt  }
0x55: {  	_ =	shalt  }
0x56: {  	_ =	shalt  }
0x57: {  	_ =	shalt  }
0x58: {  	_ =	shalt  }
0x59: {  	_ =	shalt  }
0x5a: {  	_ =	shalt  }
0x5b: {  	_ =	shalt  }
0x5c: {  	_ =	shalt  }
0x5d: {  	_ =	shalt  }
0x5e: {  	_ =	shalt  }
0x5f: {  	_ =	shalt  }
0x60: {  	_ =	shalt  }
0x61: {  	_ =	shalt  }
0x62: {  	_ =	shalt  }
0x63: {  	_ =	shalt  }
0x64: {  	_ =	shalt  }
0x65: {  	_ =	shalt  }
0x66: {  	_ =	shalt  }
0x67: {  	_ =	shalt  }
0x68: {  	_ =	shalt  }
0x69: {  	_ =	shalt  }
0x6a: {  	_ =	shalt  }
0x6b: {  	_ =	shalt  }
0x6c: {  	_ =	shalt  }
0x6d: {  	_ =	shalt  }
0x6e: {  	_ =	shalt  }
0x6f: {  	_ =	shalt  }
0x70: {  	_ =	shalt  }
0x71: {  	_ =	shalt  }
0x72: {  	_ =	shalt  }
0x73: {  	_ =	shalt  }
0x74: {  	_ =	shalt  }
0x75: {  	_ =	shalt  }
0x76: {  	_ =	shalt  }
0x77: {  	_ =	shalt  }
0x78: {  	_ =	shalt  }
0x79: {  	_ =	shalt  }
0x7a: {  	_ =	shalt  }
0x7b: {  	_ =	shalt  }
0x7c: {  	_ =	shalt  }
0x7d: {  	_ =	shalt  }
0x7e: {  	_ =	shalt  }
0x7f: {  	_ =	shalt  }
0x80: {  	_ =	shalt  }
0x81: {  	_ =	shalt  }
0x82: {  	_ =	shalt  }
0x83: {  	_ =	shalt  }
0x84: {  	_ =	shalt  }
0x85: {  	_ =	shalt  }
0x86: {  	_ =	shalt  }
0x87: {  	_ =	shalt  }
.Lfunc_end0:
.L_simem_size_0:
called_computation.1_lowered:
.L_overlay_start_0:
0x88: {  	s2 =	sld [smem:$0x3FD9]  }
0x89: {  	s3 =	sld [smem:$0x3FFE];
	_ =	sdelay $0x1  }
0x8a: {  	s1 =	srdreg.scid  }
0x8b: {  	s0 =	sand.u32 $0x1, s1  }
0x8c: {  	s17 =	sshll.u32 s0, $0xA;
	s2 =	sadd.s32 s3, s2  }
0x8d: {  	s2 =	sadd.s32 s2, s17  }
0x8e: {  	[smem:$0x3FBE] =	sst s2  }
0x8f: {  	_ = 	snop  }
0x90: {  	s2 =	sld [smem:$0x3FD0];
	(tm) =	ssettm $0x1  }
0x91: {  	s18 =	sld [smem:$0x3FFB];
	_ =	sdelay $0x3  }
0x92: {  	_ =	strace s18  }
0x93: {  	s3 =	sld [smem:$0x3FFC];
	_ =	sdelay $0x3  }
0x94: {  	_ =	strace s3  }
0x95: {  	s3 =	sld [smem:$0x3FFD];
	_ =	sdelay $0x3  }
0x96: {  	_ =	strace s3  }
0x97: {  	_ =	strace $0x8FFFFFFF  }
0x98: {  	s19 =	sld [smem:$0x3FDB];
	_ =	sdelay $0x1  }
0x99: {  	s4 =	simm.s32 $_scs_section_size  }
0x9a: {  	s5 =	simm.s32 $_size__tile_overlayer_lowered;
	s6 =	simm.s32 $_tile_overlayer_lowered  }
0x9b: {  	s22 =	simm.s32 $0x1BFF;
	s21 =	sshll.u32 s6, $0x1;
	s3 =	sadd.s32 s4, s19  }
0x9c: {  	s7 =	simm.s32 $0x0;
	s20 =	sshll.u32 s5, $0x1;
	s5 =	sadd.s32 s21, s3  }
0x9d: {  	[timem:s7], [sflag:s22] =	dma.local [hbm:s5], s20  }
0x9e: {  	_ =	swait.ge [sflag:s22], s20  }
0x9f: {  	s4 =	ssub.s32 $0x0, s20;
	[sflag:s22] =	ssyncset.done $0x0  }
0xa0: {  	[sflag:s22] =	ssyncadd.s32 s4;
	_ =	sdelay $0x1  }
0xa1: {  	s23 =	simm.s32 $0x1B8B  }
0xa2: {  	_ =	swait.ge [sflag:s23], $0x1  }
0xa3: {  	[sflag:s23] =	ssyncset.done $0x0  }
0xa4: {  	s25 =	simm.s32 $0x1B8E;
	s24 =	sld [smem:$0x3FFE];
	[sflag:s23] =	ssyncadd.s32 $0xFFFFFFFF  }
0xa5: {  	s26 =	simm.s32 $execute0_lowered;
	[smem:$0x3FD2] =	sst s25  }
0xa6: {  	s5 =	sshll.u32 s26, $0x1;
	_ =	strace $0x80000049;
	[dreg:$0x1] =	wrdreg $0xFFFFFFFF  }
0xa7: {  	s28 =	simm.s32 $_size_execute0_lowered;
	s3 =	sadd.s32 s3, s5;
	[dreg:$0x0] =	wrdreg $0x0  }
0xa8: {  	s5 =	sshll.u32 s28, $0x1;
	[dreg:$0x2] =	wrdreg s3  }
0xa9: {  	[dreg:$0x3] =	wrdreg s5  }
0xaa: {  	[dreg:$0x4] =	wrdreg $0xC0  }
0xab: {  	_ =	task [dreg:s7], $0x5FFFF  }
0xac: {  	[dreg:$0x1] =	wrdreg $0xFFFFFFFF  }
0xad: {  	[dreg:$0x0] =	wrdreg $0x60  }
0xae: {  	[dreg:$0x2] =	wrdreg s24  }
0xaf: {  	[dreg:$0x3] =	wrdreg s2  }
0xb0: {  	[dreg:$0x4] =	wrdreg $0xB7800  }
0xb1: {  	[dreg:$0x5] =	wrdreg $0x9  }
0xb2: {  	_ =	task.clear_ibuf [dreg:s7], $0x6FFFF;
	_ =	strace $0x90000049  }
0xb3: {  	s29 =	simm.s32 $0x9;
	_ =	strace $0x8000004B  }
0xb4: {  	_ =	swait.ge [sflag:s29], $0x1  }
0xb5: {  	[sflag:s29] =	ssyncadd.s32 $0xFFFFFFFF  }
0xb6: {  	_ =	strace $0x9000004B  }
0xb7: {  	_ =	sfence  }
0xb8: {  	s30 =	sld [smem:$0x0];
	_ =	sdelay $0x2  }
0xb9: {  	s31 =	sshll.u32 s1, $0xD;
	s1 =	sshrl.u32 s1, $0x2  }
0xba: {  	s3 =	sand.u32 $0x4000, s31;
	s1 =	sadd.s32 s1, s30  }
0xbb: {  	s0 =	sor.u32 s3, s0;
	s1 =	sshll.u32 s1, $0x11  }
0xbc: {  	s0 =	sor.u32 s1, s0  }
0xbd: {  	s0 =	sadd.s32 $0x8F2B, s0  }
0xbe: {  	[sflag:s0] =	ssyncadd.remote.s32 $0x1  }
0xbf: {  	_ =	sfence.sel $0xFFFF  }
0xc0: {  	[dreg:$0x0] =	wrdreg $0xFFFFFFFF;
	(pc) =	sbr.abs _section_cstart, $3  }
0xc1: {  	[dreg:$0x1] =	wrdreg $0xFFFFFFFF  }
0xc2: {  	_ =	task.clear_ibuf [dreg:s7], $0x2FFFF;
	_ =	strace $0x9FFFFFFF  }
0xc3: {  	(tm) =	ssettm $0x7FFFFFFF  }
tec
execute0_lowered:
.L_overlay_start_1:
0x0: {  	(tag) =	ssettag $0x1  }
0x1: {  	s10 =	rddreg [dreg:$0x0]  }
0x2: {  	s0 =	srdreg.scid;
	s2 =	rddreg [dreg:$0x1]  }
0x3: {  	s4 =	simm.s32 $0x0;
	s21 =	simm.s32 $0x1;
	s22 =	simm.s32 $0x2  }
0x4: {  	s23 =	simm.s32 $0x50;
	s24 =	simm.s32 $0x6780;
	s1 =	sand.u32 $0x1, s0  }
0x5: {  	s28 =	simm.s32 $0x6580;
	s0 =	stileid.u32;
	s7 =	smul.u32 $0x140000, s1  }
0x6: {  	s29 =	simm.s32 $0x0;
	[smem:$0x7FF] =	sst s4;
	s8 =	smul.u32 $0x14000, s0  }
0x7: {  	s3 =	sshll.u32 s1, $0x4;
	s11 =	smul.u32 $0x2800, s0;
	s25 =	ssub.s32 $0x2, s1  }
0x8: {  	p0 =	seq.s32 s1, $0x0;
	p1 =	sne.s32 s0, $0xF;
	p2 =	seq.s32 s0, $0xF  }
0x9: {  	s31 =	smul.u32 $0x50000, s0;
	s5 =	sor.u32 s0, s3;
	s3 =	rddreg [dreg:$0x2]  }
0xa: {  	_ =	strace $0x8000004A;
	s30 =	sshrl.u32 s25, $0x1;
	p1 =	por !p0, !p1  }
0xb: {  	p2 =	por !p0, !p2;
	s6 =	smul.u32 $0x4E2, s5;
	s5 =	sshll.u32 s5, $0xB  }
0xc: {  	s7 =	sadd.s32 s8, s7;
	s12 =	sadd.s32 s11, s10;
	s14 =	ssub.s32 s25, s30  }
0xd: {  	p0 =	por !p1, !p1;
	p2 =	por !p2, !p2;
	s18 =	sadd.s32 $0x138800, s3  }
0xe: {  	s11 =	sadd.s32 s2, s11;
	s25 =	simm.s32 $0x8F80;
	s9 =	sadd.s32 s5, s10  }
0xf: {  	s26 =	sshrl.u32 s7, $0x3;
	s7 =	sshrl.u32 s31, $0x2;
	p1 =	por p2, p0  }
0x10: {  	s8 =	sadd.s32 $0x26A00, s12;
	s19 =	sshll.u32 @p0 s0, $0x6;
	s6 =	sadd.s32 s6, s10  }
0x11: {  	s13 =	sadd.s32 s26, s10;
	s7 =	sadd.s32 s7, s3;
	p1 =	seq.s32 @!p1 s1, $0x0  }
0x12: {  	s1 =	sadd.s32 $0x12C000, s3;
	s10 =	sadd.s32 $0x4DB00, s10;
	s19 =	sor.u32 @p0 $0x1C03, s19  }
0x13: {  	s26 =	simm.s32 $0x3;
	s5 =	sadd.s32 $0x2E00, s6;
	s6 =	sadd.s32 $0x16A00, s9  }
0x14: {  	s9 =	sadd.s32 $0x25800, s2;
	p1 =	por @!p0 p1, p2;
	s12 =	sadd.s32 $0x4EA00, s13  }
0x15: {  	s13 =	smax.u32 s14, $0x1;
	p2 =	por !p2, p0;
	p1 =	por p1, p0  }
0x16: {  	s20 =	sshrl.u32 @p0 s7, $0x3;
	s17 =	sshrl.u32 @!p2 s1, $0x3;
	s15 =	sshll.u32 @!p1 s0, $0x6  }
0x17: {  	s18 =	sshrl.u32 @!p2 s18, $0x3;
	s16 =	sshrl.u32 @!p1 s7, $0x3;
	s15 =	sor.u32 @!p1 $0x1C03, s15  }
.LBB2_1:
0x18: {  	[tilespmem:s4], [sflag:$0x1] =	stream.linear.gather [hbm4b:s5+s4], $0x2710, $0x38;
	[tilespmem:$0x1F780] =	vst v63  }
0x19: {  	s0 =	simm.s32 $0x2780;
	s1 =	simm.s32 @!p1 $0x3  }
0x1a: {  	[tilespmem:s0], [sflag:$0x2] =	stream.linear.gather [hbm4b:s6+s4], $0x3E80, $0x38;
	[tilespmem:$0x1F780] =	vst v63  }
0x1b: {  	[spmem:s16], [sflag:s15] =	dma.local @!p1 [hbm:s8], $0x2800  }
0x1c: {  	_ =	swait.ge @!p1 [sflag:s1], $0x2800  }
0x1d: {  	[sflag:s1] =	ssyncset.done @!p1 $0x0  }
0x1e: {  	s30 =	simm.s32 @!p2 $0x3;
	[sflag:s1] =	ssyncadd.s32 @!p1 $0xFFFFD800;
	s1 =	simm.s32 @!p2 $0x1FC3  }
0x1f: {  	[spmem:s17], [sflag:s1] =	dma.local @!p2 [hbm:s9], $0x1900  }
0x20: {  	_ =	swait.ge @!p2 [sflag:s30], $0x1900  }
0x21: {  	[sflag:s30] =	ssyncset.done @!p2 $0x0  }
0x22: {  	[sflag:s30] =	ssyncadd.s32 @!p2 $0xFFFFE700  }
0x23: {  	[spmem:s18], [sflag:s1] =	dma.local @!p2 [hbm:s10], $0xF00  }
0x24: {  	_ =	swait.ge @!p2 [sflag:s30], $0xF00  }
0x25: {  	[sflag:s30] =	ssyncset.done @!p2 $0x0  }
0x26: {  	s1 =	simm.s32 @p0 $0x3;
	[sflag:s30] =	ssyncadd.s32 @!p2 $0xFFFFF100  }
0x27: {  	[spmem:s20], [sflag:s19] =	dma.local @p0 [hbm:s11], $0x2800  }
0x28: {  	_ =	swait.ge @p0 [sflag:s1], $0x2800  }
0x29: {  	[sflag:s1] =	ssyncset.done @p0 $0x0  }
0x2a: {  	[sflag:s1] =	ssyncadd.s32 @p0 $0xFFFFD800  }
0x2b: {  	_ =	swait.ge [sflag:s21], $0x2710  }
0x2c: {  	[sflag:s21] =	ssyncset.done $0x0  }
0x2d: {  	[sflag:s21] =	ssyncadd.s32 $0xFFFFD8F0  }
0x2e: {  	_ =	swait.ge [sflag:s22], $0x3E80  }
0x2f: {  	[sflag:s22] =	ssyncset.done $0x0  }
0x30: {  	[sflag:s22] =	ssyncadd.s32 $0xFFFFC180  }
0x31: {  	[bflag:$0x0] =	sbarrier.arrive $0xFFFF  }
0x32: {  	[tilespmem:s24], [sflag:$0x1] =	stream.indirect.gather [hbm4b:s2+s23], $0x80, s4, s23, $0xb8;
	[tilespmem:$0x1F780] =	vst v63  }
0x33: {  	s0 =	simm.s32 $0x50  }
0x34: {  	[tilespmem:s25], [sflag:$0x2] =	stream.indirect.gather [hbm4b:s2+s23], $0x80, s0, s23, $0xb8;
	[tilespmem:$0x1F780] =	vst v63  }
0x35: {  	_ =	swait.ge [sflag:s21], $0x2800  }
0x36: {  	[sflag:s21] =	ssyncset.done $0x0  }
0x37: {  	s14 =	simm.s32 $0x2780;
	[sflag:s21] =	ssyncadd.s32 $0xFFFFD800  }
0x38: {  	[spmem:s3] =	stream.indirect.scatter.add.f32 [tilespmem:s24], [sflag:$0x3], $0x80, s14, s23, $0xb8;
	[tilespmem:$0x1F780] =	vst v63  }
0x39: {  	_ =	swait.ge [sflag:s26], $0x2800  }
0x3a: {  	[sflag:s26] =	ssyncset.done $0x0  }
0x3b: {  	s0 =	simm.s32 $0xA0;
	[sflag:s26] =	ssyncadd.s32 $0xFFFFD800  }
0x3c: {  	[tilespmem:s24], [sflag:$0x1] =	stream.indirect.gather [hbm4b:s2+s23], $0x80, s0, s23, $0xb8;
	[tilespmem:$0x1F780] =	vst v63  }
0x3d: {  	_ =	swait.ge [sflag:s22], $0x2800  }
0x3e: {  	[sflag:s22] =	ssyncset.done $0x0  }
0x3f: {  	s14 =	simm.s32 $0x2800;
	[sflag:s22] =	ssyncadd.s32 $0xFFFFD800  }
0x40: {  	[spmem:s3] =	stream.indirect.scatter.add.f32 [tilespmem:s25], [sflag:$0x3], $0x80, s14, s23, $0xb8;
	[tilespmem:$0x1F780] =	vst v63  }
0x41: {  	s31 =	simm.s32 $0x400;
	_ =	swait.ge [sflag:s26], $0x2800  }
0x42: {  	s30 =	simm.s32 $0x140;
	s1 =	simm.s32 $0x800;
	[sflag:s26] =	ssyncset.done $0x0  }
.LBB2_2:
0x43: {  	p3 =	sne.s32 s1, $0xF400;
	s0 =	sadd.s32 $0xFFFFFFB0, s30;
	[sflag:s26] =	ssyncadd.s32 $0xFFFFD800  }
0x44: {  	[tilespmem:s25], [sflag:$0x2] =	stream.indirect.gather [hbm4b:s2+s23], $0x80, s0, s23, $0xb8;
	[tilespmem:$0x1F780] =	vst v63  }
0x45: {  	s0 =	smov.u32 s1;
	s1 =	sadd.s32 $0x400, s1;
	_ =	swait.ge [sflag:s21], $0x2800  }
0x46: {  	s14 =	sshra.s32 s31, $0x2;
	s31 =	smov.u32 s0;
	[sflag:s21] =	ssyncset.done $0x0  }
0x47: {  	s0 =	sadd.s32 $0x2780, s14;
	[sflag:s21] =	ssyncadd.s32 $0xFFFFD800  }
0x48: {  	[spmem:s3] =	stream.indirect.scatter.add.f32 [tilespmem:s24], [sflag:$0x3], $0x80, s0, s23, $0xb8;
	[tilespmem:$0x1F780] =	vst v63  }
0x49: {  	_ =	swait.ge [sflag:s26], $0x2800  }
0x4a: {  	[sflag:s26] =	ssyncset.done $0x0  }
0x4b: {  	[sflag:s26] =	ssyncadd.s32 $0xFFFFD800  }
0x4c: {  	[tilespmem:s24], [sflag:$0x1] =	stream.indirect.gather [hbm4b:s2+s23], $0x80, s30, s23, $0xb8;
	[tilespmem:$0x1F780] =	vst v63  }
0x4d: {  	_ =	swait.ge [sflag:s22], $0x2800  }
.Ltmp0:
0x4e: {  	[sflag:s22] =	ssyncset.done $0x0;
	(pc) =	sbr.rel @p3 .LBB2_2-.Ltmp0, $4  }
0x4f: {  	s0 =	sadd.s32 $0x2800, s14;
	[sflag:s22] =	ssyncadd.s32 $0xFFFFD800  }
0x50: {  	[spmem:s3] =	stream.indirect.scatter.add.f32 [tilespmem:s25], [sflag:$0x3], $0x80, s0, s23, $0xb8;
	[tilespmem:$0x1F780] =	vst v63  }
0x51: {  	_ =	swait.ge [sflag:s26], $0x2800  }
0x52: {  	s30 =	sadd.s32 $0xA0, s30;
	[sflag:s26] =	ssyncset.done $0x0  }
0x53: {  	s0 =	sadd.s32 $0xFFFFFFB0, s30;
	[sflag:s26] =	ssyncadd.s32 $0xFFFFD800  }
0x54: {  	[tilespmem:s25], [sflag:$0x2] =	stream.indirect.gather [hbm4b:s2+s23], $0x80, s0, s23, $0xb8;
	[tilespmem:$0x1F780] =	vst v63  }
0x55: {  	_ =	swait.ge [sflag:s21], $0x2800  }
0x56: {  	s14 =	sshra.s32 s31, $0x2;
	[sflag:s21] =	ssyncset.done $0x0  }
0x57: {  	s1 =	sadd.s32 $0x2780, s14;
	[sflag:s21] =	ssyncadd.s32 $0xFFFFD800  }
0x58: {  	[spmem:s3] =	stream.indirect.scatter.add.f32 [tilespmem:s24], [sflag:$0x3], $0x80, s1, s23, $0xb8;
	[tilespmem:$0x1F780] =	vst v63  }
0x59: {  	_ =	swait.ge [sflag:s26], $0x2800  }
0x5a: {  	[sflag:s26] =	ssyncset.done $0x0  }
0x5b: {  	[sflag:s26] =	ssyncadd.s32 $0xFFFFD800  }
0x5c: {  	[tilespmem:s24], [sflag:$0x1] =	stream.indirect.gather [hbm4b:s2+s23], $0x80, s30, s23, $0xb8;
	[tilespmem:$0x1F780] =	vst v63  }
0x5d: {  	_ =	swait.ge [sflag:s22], $0x2800  }
0x5e: {  	[sflag:s22] =	ssyncset.done $0x0  }
0x5f: {  	s0 =	sadd.s32 $0x2800, s14;
	[sflag:s22] =	ssyncadd.s32 $0xFFFFD800  }
0x60: {  	[spmem:s3] =	stream.indirect.scatter.add.f32 [tilespmem:s25], [sflag:$0x3], $0x80, s0, s23, $0xb8;
	[tilespmem:$0x1F780] =	vst v63  }
0x61: {  	_ =	swait.ge [sflag:s26], $0x2800  }
0x62: {  	[sflag:s26] =	ssyncset.done $0x0  }
0x63: {  	[sflag:s26] =	ssyncadd.s32 $0xFFFFD800  }
0x64: {  	_ =	swait.ge [sflag:s21], $0x2800  }
0x65: {  	[sflag:s21] =	ssyncset.done $0x0  }
0x66: {  	[sflag:s21] =	ssyncadd.s32 $0xFFFFD800  }
0x67: {  	[spmem:s3] =	stream.indirect.scatter.add.f32 [tilespmem:s24], [sflag:$0x3], $0x80, s28, s23, $0xb8;
	[tilespmem:$0x1F780] =	vst v63  }
0x68: {  	s31 =	sshrl.u32 s7, $0x3;
	_ =	swait.ge [sflag:s26], $0x2800  }
0x69: {  	s29 =	sadd.s32 $0x1, s29;
	s30 =	stileid.u32;
	[sflag:s26] =	ssyncset.done $0x0  }
0x6a: {  	p3 =	sne.s32 s29, s13;
	s0 =	sshll.u32 s30, $0x6;
	[sflag:s26] =	ssyncadd.s32 $0xFFFFD800  }
.Ltmp1:
0x6b: {  	s0 =	sor.u32 $0x1C03, s0;
	[bflag:$0x0] =	sbarrier.arrive $0xFFFF;
	(pc) =	sbr.rel @p3 .LBB2_1-.Ltmp1, $4  }
0x6c: {  	[hbm:s12], [sflag:s0] =	dma.local [spmem:s31], $0x2800  }
0x6d: {  	_ =	swait.ge [sflag:s26], $0x2800  }
0x6e: {  	[sflag:s26] =	ssyncset.done $0x0  }
0x6f: {  	[sflag:s26] =	ssyncadd.s32 $0xFFFFD800  }
0x70: {  	_ =	sfence.sel $0x180000  }
0x71: {  	[bflag:$0x0] =	sbarrier.arrive $0xFFFF  }
0x72: {  	_ =	strace $0x9000004A  }
0x73: {  	s0 =	stileid.u32;
	[bflag:$0x2] =	sbarrier.arrive $0xFFFF  }
0x74: {  	p0 =	sne.s32 s0, $0x0;
	s0 =	rddreg [dreg:$0x3]  }
0x75: {  	s0 =	sadd.s32 @!p0 $0x100000, s0  }
0x76: {  	[sflag:s0] =	ssyncadd.tile.s32 @!p0 $0x1;
	_ =	shalt  }
.Lfunc_end2:
_tile_overlayer_lowered:
.L_overlay_start_2:
0x77: {  	(tag) =	ssettag $0x2  }
0x78: {  	s0 =	rddreg [dreg:$0x0];
	s2 =	stileid.u32  }
0x79: {  	s1 =	rddreg [dreg:$0x1];
	p0 =	sne.s32 s2, $0x0  }
0x7a: {  	s3 =	rddreg [dreg:$0x2];
	[bflag:$0x3] =	sbarrier.arrive $0xFFFF;
	s2 =	simm.s32 @!p0 $0x1C03  }
0x7b: {  	[timem:s3], [sflag:s2] =	dma.local @!p0 [hbm:s0], s1  }
0x7c: {  	s0 =	simm.s32 @!p0 $0x3  }
0x7d: {  	_ =	swait.ge @!p0 [sflag:s0], s1  }
0x7e: {  	s1 =	ssub.s32 @!p0 $0x0, s1;
	[sflag:s0] =	ssyncset.done @!p0 $0x0  }
0x7f: {  	[sflag:s0] =	ssyncadd.s32 @!p0 s1  }
0x80: {  	[bflag:$0x3] =	sbarrier.arrive $0xFFFF  }
0x81: {  	_ =	shalt  }

// kernel: kernel.16.cloned.1.call-start
scs
__scs_entry_jumppad:
0x0: {  	(pc) =	sbr.rel $0x88, $3  }
0x1: {  	(tag) =	ssettag $0x0;
	lr =	simm.s32 $0x1  }
0x2: {  	[smem:$0x3F97] =	sst lr;
	_ =	strace $0xD0000000  }
0x3: {  	_ = 	snop  }
0x4: {  	_ = 	snop  }
0x5: {  	_ = 	snop  }
0x6: {  	_ = 	snop  }
0x7: {  	_ = 	snop  }
__scs_overlays_trampoline_lowered:
0x8: {  	[smem:$0x3FA6] =	sst s0  }
0x9: {  	[smem:$0x3FA7] =	sst s1  }
0xa: {  	[smem:$0x3FA8] =	sst s2  }
0xb: {  	[smem:$0x3FA9] =	sst s3  }
0xc: {  	[smem:$0x3FAA] =	sst s4  }
0xd: {  	[smem:$0x3FAB] =	sst s5  }
0xe: {  	[smem:$0x3FAC] =	sst s6  }
0xf: {  	[smem:$0x3FAD] =	sst s7  }
0x10: {  	[smem:$0x3FAE] =	sst s8  }
0x11: {  	[smem:$0x3FAF] =	sst s9;
	s0 =	simm.s32 @!p0 $0x0  }
0x12: {  	s1 =	sld [smem:$0x3F95];
	s0 =	simm.s32 @p0 $0x1  }
0x13: {  	[smem:$0x3FB0] =	sst s0;
	s0 =	simm.s32 @!p1 $0x0  }
0x14: {  	s2 =	sld [smem:$0x3F94];
	s0 =	simm.s32 @p1 $0x1  }
0x15: {  	[smem:$0x3FB1] =	sst s0;
	s0 =	simm.s32 @!p2 $0x0  }
0x16: {  	s3 =	sld [smem:$0x3FDB];
	s0 =	simm.s32 @p2 $0x1  }
0x17: {  	s4 =	simm.s32 $0x1BF5;
	[smem:$0x3FB3] =	sst s0  }
0x18: {  	s0 =	sld [smem:$0x3F96];
	_ =	swait.ge [sflag:s4], $0x0  }
0x19: {  	s7 =	sld [smem:$0x3F97]  }
0x1a: {  	s8 =	sadd.s32 $0xFFFFE003, lr  }
0x1b: {  	s9 =	sadd.s32 $0xFFFFFEF7, lr;
	s5 =	simm.s32 $0xFFFFFFFF;
	p2 =	slt.u32 s8, $0xFFFFF086  }
0x1c: {  	p1 =	slt.u32 s9, $0xF7A;
	s5 =	simm.s32 @!p2 $0x0  }
0x1d: {  	s5 =	simm.s32 @p1 $0x1;
	p0 =	seq.s32 s7, s2  }
0x1e: {  	s7 =	smul.u32 @!p0 $0xF7A, s2;
	p2 =	seq.s32 @!p0 s5, $0x0  }
0x1f: {  	s9 =	smul.u32 $0xF7A, s1;
	s8 =	simm.s32 @!p0 $0x1BF5;
	p2 =	por !p2, p0  }
0x20: {  	[sflag:s8] =	ssyncset.s32 @!p0 $0xFFFFF086;
	s6 =	sadd.s32 @!p0 s3, s7;
	s7 =	simm.s32 @!p0 $0x108  }
0x21: {  	s3 =	sadd.s32 s3, s9;
	s6 =	sadd.s32 @!p0 $0x88, s6;
	s7 =	simm.s32 @p2 $0x1082  }
0x22: {  	[simem:s7], [sflag:s8] =	dma.local @!p0 [hbm:s6], $0xF7A  }
0x23: {  	s9 =	sor.u32 $0xD0000000, s2;
	s6 =	simm.s32 $0x108;
	_ =	swait.ge @!p0 [sflag:s8], $0x0  }
0x24: {  	s3 =	sadd.s32 $0x88, s3;
	s6 =	simm.s32 @!p1 $0x1082;
	[sflag:s4] =	ssyncset.s32 $0xFFFFF086  }
0x25: {  	[simem:s6], [sflag:s4] =	dma.local [hbm:s3], $0xF7A  }
0x26: {  	[smem:$0x3F97] =	sst s1;
	(tag) =	ssettag s2;
	_ =	strace s9  }
0x27: {  	s1 =	sld [smem:$0x3FA7]  }
0x28: {  	s2 =	sld [smem:$0x3FA8]  }
0x29: {  	s4 =	sld [smem:$0x3FAA]  }
0x2a: {  	p0 =	seq.s32 s5, $0x0;
	s5 =	sld [smem:$0x3FAB]  }
0x2b: {  	s6 =	sld [smem:$0x3FAC]  }
0x2c: {  	s7 =	sld [smem:$0x3FAD]  }
0x2d: {  	s3 =	simm.s32 $0x108;
	s8 =	sld [smem:$0x3FAE]  }
0x2e: {  	s3 =	simm.s32 @!p0 $0x1082;
	s9 =	sld [smem:$0x3FAF]  }
0x2f: {  	lr =	sadd.s32 s0, s3;
	s0 =	sld [smem:$0x3FA6]  }
0x30: {  	s3 =	sld [smem:$0x3FA9]  }
0x31: {  	[smem:$0x3FB2] =	sst s10  }
0x32: {  	s10 =	sld [smem:$0x3FB0];
	_ =	sdelay $0x3  }
0x33: {  	p0 =	seq.s32 s10, $0x1;
	s10 =	sld [smem:$0x3FB2];
	_ =	sdelay $0x3  }
0x34: {  	[smem:$0x3FB2] =	sst s10  }
0x35: {  	s10 =	sld [smem:$0x3FB1];
	_ =	sdelay $0x3  }
0x36: {  	p1 =	seq.s32 s10, $0x1;
	s10 =	sld [smem:$0x3FB2];
	_ =	sdelay $0x3  }
0x37: {  	[smem:$0x3FB2] =	sst s10  }
0x38: {  	s10 =	sld [smem:$0x3FB3]  }
0x39: {  	_ = 	snop;
	(pc) =	sbr.ind lr, $3  }
0x3a: {  	_ = 	snop  }
0x3b: {  	_ = 	snop  }
0x3c: {  	p2 =	seq.s32 s10, $0x1;
	s10 =	sld [smem:$0x3FB2]  }
0x3d: {  	_ =	shalt  }
0x3e: {  	_ =	shalt  }
0x3f: {  	_ =	shalt  }
0x40: {  	_ =	shalt  }
0x41: {  	_ =	shalt  }
0x42: {  	_ =	shalt  }
0x43: {  	_ =	shalt  }
0x44: {  	_ =	shalt  }
0x45: {  	_ =	shalt  }
0x46: {  	_ =	shalt  }
0x47: {  	_ =	shalt  }
0x48: {  	_ =	shalt  }
0x49: {  	_ =	shalt  }
0x4a: {  	_ =	shalt  }
0x4b: {  	_ =	shalt  }
0x4c: {  	_ =	shalt  }
0x4d: {  	_ =	shalt  }
0x4e: {  	_ =	shalt  }
0x4f: {  	_ =	shalt  }
0x50: {  	_ =	shalt  }
0x51: {  	_ =	shalt  }
0x52: {  	_ =	shalt  }
0x53: {  	_ =	shalt  }
0x54: {  	_ =	shalt  }
0x55: {  	_ =	shalt  }
0x56: {  	_ =	shalt  }
0x57: {  	_ =	shalt  }
0x58: {  	_ =	shalt  }
0x59: {  	_ =	shalt  }
0x5a: {  	_ =	shalt  }
0x5b: {  	_ =	shalt  }
0x5c: {  	_ =	shalt  }
0x5d: {  	_ =	shalt  }
0x5e: {  	_ =	shalt  }
0x5f: {  	_ =	shalt  }
0x60: {  	_ =	shalt  }
0x61: {  	_ =	shalt  }
0x62: {  	_ =	shalt  }
0x63: {  	_ =	shalt  }
0x64: {  	_ =	shalt  }
0x65: {  	_ =	shalt  }
0x66: {  	_ =	shalt  }
0x67: {  	_ =	shalt  }
0x68: {  	_ =	shalt  }
0x69: {  	_ =	shalt  }
0x6a: {  	_ =	shalt  }
0x6b: {  	_ =	shalt  }
0x6c: {  	_ =	shalt  }
0x6d: {  	_ =	shalt  }
0x6e: {  	_ =	shalt  }
0x6f: {  	_ =	shalt  }
0x70: {  	_ =	shalt  }
0x71: {  	_ =	shalt  }
0x72: {  	_ =	shalt  }
0x73: {  	_ =	shalt  }
0x74: {  	_ =	shalt  }
0x75: {  	_ =	shalt  }
0x76: {  	_ =	shalt  }
0x77: {  	_ =	shalt  }
0x78: {  	_ =	shalt  }
0x79: {  	_ =	shalt  }
0x7a: {  	_ =	shalt  }
0x7b: {  	_ =	shalt  }
0x7c: {  	_ =	shalt  }
0x7d: {  	_ =	shalt  }
0x7e: {  	_ =	shalt  }
0x7f: {  	_ =	shalt  }
0x80: {  	_ =	shalt  }
0x81: {  	_ =	shalt  }
0x82: {  	_ =	shalt  }
0x83: {  	_ =	shalt  }
0x84: {  	_ =	shalt  }
0x85: {  	_ =	shalt  }
0x86: {  	_ =	shalt  }
0x87: {  	_ =	shalt  }
.Lfunc_end0:
.L_simem_size_0:
called_computation.2_lowered:
.L_overlay_start_0:
0x88: {  	s2 =	sld [smem:$0x3FD9]  }
0x89: {  	s3 =	sld [smem:$0x3FFE];
	_ =	sdelay $0x1  }
0x8a: {  	s1 =	srdreg.scid  }
0x8b: {  	s0 =	sand.u32 $0x1, s1  }
0x8c: {  	s16 =	sshll.u32 s0, $0xA;
	s2 =	sadd.s32 s3, s2  }
0x8d: {  	s2 =	sadd.s32 s2, s16  }
0x8e: {  	[smem:$0x3FBE] =	sst s2  }
0x8f: {  	_ = 	snop  }
0x90: {  	(tm) =	ssettm $0x1  }
0x91: {  	s17 =	sld [smem:$0x3FFB];
	_ =	sdelay $0x3  }
0x92: {  	_ =	strace s17  }
0x93: {  	s2 =	sld [smem:$0x3FFC];
	_ =	sdelay $0x3  }
0x94: {  	_ =	strace s2  }
0x95: {  	s2 =	sld [smem:$0x3FFD];
	_ =	sdelay $0x3  }
0x96: {  	_ =	strace s2  }
0x97: {  	_ =	strace $0x8FFFFFFF  }
0x98: {  	s18 =	sld [smem:$0x3FDB];
	_ =	sdelay $0x1  }
0x99: {  	s19 =	simm.s32 $_scs_section_size  }
0x9a: {  	s4 =	simm.s32 $_size__tile_overlayer_lowered;
	s5 =	simm.s32 $_tile_overlayer_lowered  }
0x9b: {  	s22 =	simm.s32 $0x1BFF;
	s21 =	sshll.u32 s5, $0x1;
	s2 =	sadd.s32 s19, s18  }
0x9c: {  	s6 =	simm.s32 $0x0;
	s20 =	sshll.u32 s4, $0x1;
	s4 =	sadd.s32 s21, s2  }
0x9d: {  	[timem:s6], [sflag:s22] =	dma.local [hbm:s4], s20  }
0x9e: {  	_ =	swait.ge [sflag:s22], s20  }
0x9f: {  	s3 =	ssub.s32 $0x0, s20;
	[sflag:s22] =	ssyncset.done $0x0  }
0xa0: {  	[sflag:s22] =	ssyncadd.s32 s3;
	_ =	sdelay $0x1  }
0xa1: {  	s23 =	simm.s32 $0x1B8B  }
0xa2: {  	_ =	swait.ge [sflag:s23], $0x1  }
0xa3: {  	[sflag:s23] =	ssyncset.done $0x0  }
0xa4: {  	s25 =	simm.s32 $0x1B8E;
	s24 =	sld [smem:$0x3FFE];
	[sflag:s23] =	ssyncadd.s32 $0xFFFFFFFF  }
0xa5: {  	s26 =	simm.s32 $execute0_lowered;
	[smem:$0x3FD2] =	sst s25  }
0xa6: {  	s4 =	sshll.u32 s26, $0x1;
	_ =	strace $0x8000004C;
	[dreg:$0x1] =	wrdreg $0xFFFFFFFF  }
0xa7: {  	s28 =	simm.s32 $_size_execute0_lowered;
	s2 =	sadd.s32 s2, s4;
	[dreg:$0x0] =	wrdreg $0x0  }
0xa8: {  	s4 =	sshll.u32 s28, $0x1;
	[dreg:$0x2] =	wrdreg s2  }
0xa9: {  	[dreg:$0x3] =	wrdreg s4  }
0xaa: {  	[dreg:$0x4] =	wrdreg $0xC0  }
0xab: {  	_ =	task [dreg:s6], $0x5FFFF  }
0xac: {  	[dreg:$0x1] =	wrdreg $0xFFFFFFFF  }
0xad: {  	[dreg:$0x0] =	wrdreg $0x60  }
0xae: {  	[dreg:$0x2] =	wrdreg s24  }
0xaf: {  	[dreg:$0x3] =	wrdreg $0xA6800  }
0xb0: {  	[dreg:$0x4] =	wrdreg $0x9  }
0xb1: {  	_ =	task.clear_ibuf [dreg:s6], $0x5FFFF;
	_ =	strace $0x9000004C  }
0xb2: {  	s29 =	simm.s32 $0x9;
	_ =	strace $0x8000004E  }
0xb3: {  	_ =	swait.ge [sflag:s29], $0x1  }
0xb4: {  	[sflag:s29] =	ssyncadd.s32 $0xFFFFFFFF  }
0xb5: {  	_ =	strace $0x9000004E  }
0xb6: {  	_ =	sfence  }
0xb7: {  	s30 =	sld [smem:$0x0];
	_ =	sdelay $0x2  }
0xb8: {  	s31 =	sshll.u32 s1, $0xD;
	s1 =	sshrl.u32 s1, $0x2  }
0xb9: {  	s3 =	sand.u32 $0x4000, s31;
	s1 =	sadd.s32 s1, s30  }
0xba: {  	s0 =	sor.u32 s3, s0;
	s1 =	sshll.u32 s1, $0x11  }
0xbb: {  	s0 =	sor.u32 s1, s0  }
0xbc: {  	s0 =	sadd.s32 $0x8F2B, s0  }
0xbd: {  	[sflag:s0] =	ssyncadd.remote.s32 $0x1  }
0xbe: {  	_ =	sfence.sel $0xFFFF  }
0xbf: {  	[dreg:$0x0] =	wrdreg $0xFFFFFFFF;
	(pc) =	sbr.abs _section_cstart, $3  }
0xc0: {  	[dreg:$0x1] =	wrdreg $0xFFFFFFFF  }
0xc1: {  	_ =	task.clear_ibuf [dreg:s6], $0x2FFFF;
	_ =	strace $0x9FFFFFFF  }
0xc2: {  	(tm) =	ssettm $0x7FFFFFFF  }
0xc3: {  	_ =	shalt  }
tec
execute0_lowered:
.L_overlay_start_1:
0x0: {  	(tag) =	ssettag $0x1  }
0x1: {  	s0 =	rddreg [dreg:$0x0]  }
0x2: {  	s2 =	rddreg [dreg:$0x1];
	s17 =	stileid.u32  }
0x3: {  	s4 =	srdreg.scid;
	s3 =	simm.s32 $0x0;
	s1 =	smul.u32 $0x4E20, s17  }
0x4: {  	s28 =	simm.s32 $0x2;
	s29 =	simm.s32 $0x4;
	s5 =	smul.u32 $0x14000, s17  }
0x5: {  	s31 =	simm.s32 $0x0;
	s8 =	sand.u32 $0x1, s4;
	s11 =	smul.u32 $0x50000, s17  }
0x6: {  	[smem:$0x7FF] =	sst s3;
	s14 =	sadd.s32 $0xCC00, s0;
	s30 =	smul.u32 $0x9C4, s17  }
0x7: {  	s10 =	sadd.s32 $0x4EA00, s0;
	s15 =	sadd.s32 $0x12C000, s2;
	s4 =	smul.u32 $0x140000, s8  }
0x8: {  	s16 =	sadd.s32 $0x138800, s2;
	p0 =	seq.s32 s17, $0xF;
	s9 =	smul.u32 $0x138800, s8  }
0x9: {  	_ =	strace $0x8000004D;
	s7 =	ssub.s32 $0x2, s8;
	s26 =	smul.u32 $0x27100, s8  }
0xa: {  	s8 =	sadd.s32 $0x4DB00, s0;
	s15 =	sshrl.u32 @p0 s15, $0x3;
	s16 =	sshrl.u32 @p0 s16, $0x3  }
0xb: {  	s1 =	sshrl.u32 s1, $0x3;
	s19 =	sshrl.u32 s7, $0x1;
	s21 =	sshrl.u32 s11, $0x2  }
0xc: {  	s6 =	sadd.s32 s1, s0;
	s4 =	sadd.s32 s5, s4;
	s13 =	ssub.s32 s7, s19  }
0xd: {  	s5 =	sadd.s32 s5, s9;
	s9 =	sshrl.u32 s9, $0x3;
	s19 =	simm.s32 $0x1  }
0xe: {  	s4 =	sshrl.u32 s4, $0x3;
	s20 =	sadd.s32 $0x2E00, s6;
	s22 =	sshrl.u32 s5, $0x3  }
0xf: {  	s5 =	sadd.s32 s21, s2;
	s24 =	sadd.s32 s10, s9;
	s9 =	sadd.s32 s14, s1  }
0x10: {  	s13 =	smax.u32 s13, $0x1;
	s14 =	sadd.s32 s30, s14;
	s21 =	simm.s32 $0x50  }
0x11: {  	s12 =	sadd.s32 s4, s0;
	[dreg:$0x3] =	wrdreg s20;
	s23 =	sadd.s32 s10, s22  }
0x12: {  	s25 =	sadd.s32 $0x25800, s24;
	s10 =	sadd.s32 s10, s26;
	s11 =	sadd.s32 $0x9BA, s9  }
0x13: {  	s0 =	sshll.u32 @!p0 s17, $0x6;
	s18 =	sshrl.u32 @!p0 s5, $0x3;
	s20 =	simm.s32 $0x4E80  }
0x14: {  	s22 =	simm.s32 $0x5680;
	s24 =	simm.s32 $0x7E80;
	[dreg:$0x4] =	wrdreg s23  }
0x15: {  	s26 =	simm.s32 $0x5;
	[dreg:$0x5] =	wrdreg s25;
	s12 =	sadd.s32 $0x9CC00, s12  }
0x16: {  	s17 =	sor.u32 @!p0 $0x1C05, s0;
	s23 =	simm.s32 $0x5280;
	s25 =	simm.s32 $0x3  }
.LBB2_1:
0x17: {  	s0 =	rddreg [dreg:$0x3]  }
0x18: {  	[tilespmem:s3], [sflag:$0x1] =	stream.linear.gather [hbm4b:s0+s3], $0x4E20, $0x38;
	[tilespmem:$0x1E680] =	vst v63  }
0x19: {  	s1 =	rddreg [dreg:$0x5];
	s0 =	simm.s32 @p0 $0x1FC5  }
0x1a: {  	[spmem:s15], [sflag:s0] =	dma.local @p0 [hbm:s1], $0x1900  }
0x1b: {  	s1 =	simm.s32 @p0 $0x5  }
0x1c: {  	_ =	swait.ge @p0 [sflag:s1], $0x1900  }
0x1d: {  	[sflag:s1] =	ssyncset.done @p0 $0x0  }
0x1e: {  	[sflag:s1] =	ssyncadd.s32 @p0 $0xFFFFE700  }
0x1f: {  	[spmem:s16], [sflag:s0] =	dma.local @p0 [hbm:s8], $0xF00  }
0x20: {  	_ =	swait.ge @p0 [sflag:s1], $0xF00  }
0x21: {  	[sflag:s1] =	ssyncset.done @p0 $0x0  }
0x22: {  	s0 =	rddreg [dreg:$0x4];
	[sflag:s1] =	ssyncadd.s32 @p0 $0xFFFFF100  }
0x23: {  	[spmem:s18], [sflag:s17] =	dma.local @!p0 [hbm:s0], $0x2800  }
0x24: {  	s0 =	simm.s32 @!p0 $0x5  }
0x25: {  	_ =	swait.ge @!p0 [sflag:s0], $0x2800  }
0x26: {  	[sflag:s0] =	ssyncset.done @!p0 $0x0  }
0x27: {  	[sflag:s0] =	ssyncadd.s32 @!p0 $0xFFFFD800  }
0x28: {  	_ =	swait.ge [sflag:s19], $0x4E20  }
0x29: {  	[sflag:s19] =	ssyncset.done $0x0  }
0x2a: {  	[sflag:s19] =	ssyncadd.s32 $0xFFFFB1E0  }
0x2b: {  	[bflag:$0x0] =	sbarrier.arrive $0xFFFF  }
0x2c: {  	[tilespmem:s20], [sflag:$0x3] =	stream.linear.gather [hbm4b:s9+s3], $0x50, $0x38;
	[tilespmem:$0x1E680] =	vst v63  }
0x2d: {  	s7 =	sadd.s32 $0xFFFFF650, s14  }
0x2e: {  	[tilespmem:s22], [sflag:$0x1] =	stream.indirect.gather [hbm4b:s10+s21], $0x80, s3, s21, $0xb8;
	[tilespmem:$0x1E680] =	vst v63  }
0x2f: {  	s4 =	sadd.s32 $0x9BA, s7  }
0x30: {  	[tilespmem:s23], [sflag:$0x4] =	stream.linear.gather [hbm4b:s4+s3], $0x50, $0x38;
	[tilespmem:$0x1E680] =	vst v63  }
0x31: {  	s6 =	simm.s32 $0x50  }
0x32: {  	[tilespmem:s24], [sflag:$0x2] =	stream.indirect.gather [hbm4b:s10+s21], $0x80, s6, s21, $0xb8;
	[tilespmem:$0x1E680] =	vst v63  }
0x33: {  	_ =	swait.ge [sflag:s19], $0x2800  }
0x34: {  	[sflag:s19] =	ssyncset.done $0x0  }
0x35: {  	[sflag:s19] =	ssyncadd.s32 $0xFFFFD800  }
0x36: {  	_ =	swait.ge [sflag:s25], $0x50  }
0x37: {  	[sflag:s25] =	ssyncset.done $0x0  }
0x38: {  	[sflag:s25] =	ssyncadd.s32 $0xFFFFFFB0  }
0x39: {  	[spmem:s2] =	stream.indirect.scatter.add.f32 [tilespmem:s22], [sflag:$0x5], $0x80, s20, s21, $0xb8;
	[tilespmem:$0x1E680] =	vst v63  }
0x3a: {  	_ =	swait.ge [sflag:s26], $0x2800  }
0x3b: {  	[sflag:s26] =	ssyncset.done $0x0  }
0x3c: {  	s0 =	sadd.s32 $0x9C4, s7;
	[sflag:s26] =	ssyncadd.s32 $0xFFFFD800  }
0x3d: {  	[tilespmem:s20], [sflag:$0x3] =	stream.linear.gather [hbm4b:s0+s3], $0x50, $0x38;
	[tilespmem:$0x1E680] =	vst v63  }
0x3e: {  	s7 =	simm.s32 $0xA0  }
0x3f: {  	[tilespmem:s22], [sflag:$0x1] =	stream.indirect.gather [hbm4b:s10+s21], $0x80, s7, s21, $0xb8;
	[tilespmem:$0x1E680] =	vst v63  }
0x40: {  	_ =	swait.ge [sflag:s28], $0x2800  }
0x41: {  	[sflag:s28] =	ssyncset.done $0x0  }
0x42: {  	[sflag:s28] =	ssyncadd.s32 $0xFFFFD800  }
0x43: {  	_ =	swait.ge [sflag:s29], $0x50  }
0x44: {  	[sflag:s29] =	ssyncset.done $0x0  }
0x45: {  	[sflag:s29] =	ssyncadd.s32 $0xFFFFFFB0  }
0x46: {  	[spmem:s2] =	stream.indirect.scatter.add.f32 [tilespmem:s24], [sflag:$0x5], $0x80, s23, s21, $0xb8;
	[tilespmem:$0x1E680] =	vst v63  }
0x47: {  	s30 =	simm.s32 $0xFFFFF678;
	_ =	swait.ge [sflag:s26], $0x2800  }
0x48: {  	s1 =	sadd.s32 $0xFFFFF664, s14;
	s0 =	simm.s32 $0x140;
	[sflag:s26] =	ssyncset.done $0x0  }
.LBB2_2:
0x49: {  	s4 =	sadd.s32 $0x9BA, s1  }
0x4a: {  	[sflag:s26] =	ssyncadd.s32 $0xFFFFD800;
	s6 =	smov.u32 s30;
	s7 =	sadd.s32 $0x14, s30  }
0x4b: {  	[tilespmem:s23], [sflag:$0x4] =	stream.linear.gather [hbm4b:s4+s3], $0x50, $0x38;
	[tilespmem:$0x1E680] =	vst v63  }
0x4c: {  	p1 =	sne.s32 s30, $0xFFFFFFEC;
	s4 =	sadd.s32 $0xFFFFFFB0, s0  }
0x4d: {  	[tilespmem:s24], [sflag:$0x2] =	stream.indirect.gather [hbm4b:s10+s21], $0x80, s4, s21, $0xb8;
	[tilespmem:$0x1E680] =	vst v63  }
0x4e: {  	_ =	swait.ge [sflag:s19], $0x2800  }
0x4f: {  	[sflag:s19] =	ssyncset.done $0x0  }
0x50: {  	[sflag:s19] =	ssyncadd.s32 $0xFFFFD800  }
0x51: {  	_ =	swait.ge [sflag:s25], $0x50  }
0x52: {  	[sflag:s25] =	ssyncset.done $0x0  }
0x53: {  	[sflag:s25] =	ssyncadd.s32 $0xFFFFFFB0  }
0x54: {  	[spmem:s2] =	stream.indirect.scatter.add.f32 [tilespmem:s22], [sflag:$0x5], $0x80, s20, s21, $0xb8;
	[tilespmem:$0x1E680] =	vst v63  }
0x55: {  	_ =	swait.ge [sflag:s26], $0x2800  }
0x56: {  	[sflag:s26] =	ssyncset.done $0x0  }
0x57: {  	s1 =	sadd.s32 $0x9C4, s1;
	[sflag:s26] =	ssyncadd.s32 $0xFFFFD800  }
0x58: {  	[tilespmem:s20], [sflag:$0x3] =	stream.linear.gather [hbm4b:s1+s3], $0x50, $0x38;
	[tilespmem:$0x1E680] =	vst v63  }
0x59: {  	_ = 	snop  }
0x5a: {  	[tilespmem:s22], [sflag:$0x1] =	stream.indirect.gather [hbm4b:s10+s21], $0x80, s0, s21, $0xb8;
	[tilespmem:$0x1E680] =	vst v63  }
0x5b: {  	_ =	swait.ge [sflag:s28], $0x2800  }
0x5c: {  	[sflag:s28] =	ssyncset.done $0x0  }
0x5d: {  	[sflag:s28] =	ssyncadd.s32 $0xFFFFD800  }
0x5e: {  	_ =	swait.ge [sflag:s29], $0x50  }
.Ltmp0:
0x5f: {  	[sflag:s29] =	ssyncset.done $0x0;
	(pc) =	sbr.rel @p1 .LBB2_2-.Ltmp0, $4  }
0x60: {  	[sflag:s29] =	ssyncadd.s32 $0xFFFFFFB0  }
0x61: {  	[spmem:s2] =	stream.indirect.scatter.add.f32 [tilespmem:s24], [sflag:$0x5], $0x80, s23, s21, $0xb8;
	[tilespmem:$0x1E680] =	vst v63  }
0x62: {  	s30 =	smov.u32 s7;
	_ =	swait.ge [sflag:s26], $0x2800  }
0x63: {  	s1 =	sadd.s32 s6, s14;
	s0 =	sadd.s32 $0xA0, s0;
	[sflag:s26] =	ssyncset.done $0x0  }
0x64: {  	s4 =	sadd.s32 $0x9BA, s1;
	[sflag:s26] =	ssyncadd.s32 $0xFFFFD800  }
0x65: {  	[tilespmem:s23], [sflag:$0x4] =	stream.linear.gather [hbm4b:s4+s3], $0x50, $0x38;
	[tilespmem:$0x1E680] =	vst v63  }
0x66: {  	s30 =	sadd.s32 $0xFFFFFFB0, s0  }
0x67: {  	[tilespmem:s24], [sflag:$0x2] =	stream.indirect.gather [hbm4b:s10+s21], $0x80, s30, s21, $0xb8;
	[tilespmem:$0x1E680] =	vst v63  }
0x68: {  	_ =	swait.ge [sflag:s19], $0x2800  }
0x69: {  	[sflag:s19] =	ssyncset.done $0x0  }
0x6a: {  	[sflag:s19] =	ssyncadd.s32 $0xFFFFD800  }
0x6b: {  	_ =	swait.ge [sflag:s25], $0x50  }
0x6c: {  	[sflag:s25] =	ssyncset.done $0x0  }
0x6d: {  	[sflag:s25] =	ssyncadd.s32 $0xFFFFFFB0  }
0x6e: {  	[spmem:s2] =	stream.indirect.scatter.add.f32 [tilespmem:s22], [sflag:$0x5], $0x80, s20, s21, $0xb8;
	[tilespmem:$0x1E680] =	vst v63  }
0x6f: {  	_ =	swait.ge [sflag:s26], $0x2800  }
0x70: {  	[sflag:s26] =	ssyncset.done $0x0  }
0x71: {  	s4 =	sadd.s32 $0x9C4, s1;
	[sflag:s26] =	ssyncadd.s32 $0xFFFFD800  }
0x72: {  	[tilespmem:s20], [sflag:$0x3] =	stream.linear.gather [hbm4b:s4+s3], $0x50, $0x38;
	[tilespmem:$0x1E680] =	vst v63  }
0x73: {  	_ = 	snop  }
0x74: {  	[tilespmem:s22], [sflag:$0x1] =	stream.indirect.gather [hbm4b:s10+s21], $0x80, s0, s21, $0xb8;
	[tilespmem:$0x1E680] =	vst v63  }
0x75: {  	_ =	swait.ge [sflag:s28], $0x2800  }
0x76: {  	[sflag:s28] =	ssyncset.done $0x0  }
0x77: {  	[sflag:s28] =	ssyncadd.s32 $0xFFFFD800  }
0x78: {  	_ =	swait.ge [sflag:s29], $0x50  }
0x79: {  	[sflag:s29] =	ssyncset.done $0x0  }
0x7a: {  	[sflag:s29] =	ssyncadd.s32 $0xFFFFFFB0  }
0x7b: {  	[spmem:s2] =	stream.indirect.scatter.add.f32 [tilespmem:s24], [sflag:$0x5], $0x80, s23, s21, $0xb8;
	[tilespmem:$0x1E680] =	vst v63  }
0x7c: {  	_ =	swait.ge [sflag:s26], $0x2800  }
0x7d: {  	[sflag:s26] =	ssyncset.done $0x0  }
0x7e: {  	[sflag:s26] =	ssyncadd.s32 $0xFFFFD800  }
0x7f: {  	[tilespmem:s23], [sflag:$0x4] =	stream.linear.gather [hbm4b:s11+s3], $0x50, $0x38;
	[tilespmem:$0x1E680] =	vst v63  }
0x80: {  	s6 =	simm.s32 $0x4DD0  }
0x81: {  	[tilespmem:s24], [sflag:$0x2] =	stream.indirect.gather [hbm4b:s10+s21], $0x80, s6, s21, $0xb8;
	[tilespmem:$0x1E680] =	vst v63  }
0x82: {  	_ =	swait.ge [sflag:s19], $0x2800  }
0x83: {  	[sflag:s19] =	ssyncset.done $0x0  }
0x84: {  	[sflag:s19] =	ssyncadd.s32 $0xFFFFD800  }
0x85: {  	_ =	swait.ge [sflag:s25], $0x50  }
0x86: {  	[sflag:s25] =	ssyncset.done $0x0  }
0x87: {  	[sflag:s25] =	ssyncadd.s32 $0xFFFFFFB0  }
0x88: {  	[spmem:s2] =	stream.indirect.scatter.add.f32 [tilespmem:s22], [sflag:$0x5], $0x80, s20, s21, $0xb8;
	[tilespmem:$0x1E680] =	vst v63  }
0x89: {  	_ =	swait.ge [sflag:s26], $0x2800  }
0x8a: {  	[sflag:s26] =	ssyncset.done $0x0  }
0x8b: {  	[sflag:s26] =	ssyncadd.s32 $0xFFFFD800  }
0x8c: {  	_ =	swait.ge [sflag:s28], $0x2800  }
0x8d: {  	[sflag:s28] =	ssyncset.done $0x0  }
0x8e: {  	[sflag:s28] =	ssyncadd.s32 $0xFFFFD800  }
0x8f: {  	_ =	swait.ge [sflag:s29], $0x50  }
0x90: {  	[sflag:s29] =	ssyncset.done $0x0  }
0x91: {  	[sflag:s29] =	ssyncadd.s32 $0xFFFFFFB0  }
0x92: {  	[spmem:s2] =	stream.indirect.scatter.add.f32 [tilespmem:s24], [sflag:$0x5], $0x80, s23, s21, $0xb8;
	[tilespmem:$0x1E680] =	vst v63  }
0x93: {  	s31 =	sadd.s32 $0x1, s31;
	_ =	swait.ge [sflag:s26], $0x2800  }
0x94: {  	s7 =	stileid.u32;
	p1 =	sne.s32 s31, s13;
	[sflag:s26] =	ssyncset.done $0x0  }
0x95: {  	s30 =	sshrl.u32 s5, $0x3;
	s0 =	sshll.u32 s7, $0x6;
	[sflag:s26] =	ssyncadd.s32 $0xFFFFD800  }
.Ltmp1:
0x96: {  	s0 =	sor.u32 $0x1C05, s0;
	[bflag:$0x0] =	sbarrier.arrive $0xFFFF;
	(pc) =	sbr.rel @p1 .LBB2_1-.Ltmp1, $4  }
0x97: {  	[hbm:s12], [sflag:s0] =	dma.local [spmem:s30], $0x2800  }
0x98: {  	_ =	swait.ge [sflag:s26], $0x2800  }
0x99: {  	[sflag:s26] =	ssyncset.done $0x0  }
0x9a: {  	[sflag:s26] =	ssyncadd.s32 $0xFFFFD800  }
0x9b: {  	_ =	sfence.sel $0x180000  }
0x9c: {  	[bflag:$0x0] =	sbarrier.arrive $0xFFFF  }
0x9d: {  	_ =	strace $0x9000004D  }
0x9e: {  	s0 =	stileid.u32;
	[bflag:$0x2] =	sbarrier.arrive $0xFFFF  }
0x9f: {  	p0 =	sne.s32 s0, $0x0;
	s0 =	rddreg [dreg:$0x2]  }
0xa0: {  	s0 =	sadd.s32 @!p0 $0x100000, s0  }
0xa1: {  	[sflag:s0] =	ssyncadd.tile.s32 @!p0 $0x1;
	_ =	shalt  }
.Lfunc_end2:
_tile_overlayer_lowered:
.L_overlay_start_2:
0xa2: {  	(tag) =	ssettag $0x2  }
0xa3: {  	s0 =	rddreg [dreg:$0x0];
	s2 =	stileid.u32  }
0xa4: {  	s1 =	rddreg [dreg:$0x1];
	p0 =	sne.s32 s2, $0x0  }
0xa5: {  	s3 =	rddreg [dreg:$0x2];
	[bflag:$0x3] =	sbarrier.arrive $0xFFFF;
	s2 =	simm.s32 @!p0 $0x1C05  }
0xa6: {  	[timem:s3], [sflag:s2] =	dma.local @!p0 [hbm:s0], s1  }
0xa7: {  	s0 =	simm.s32 @!p0 $0x5  }
0xa8: {  	_ =	swait.ge @!p0 [sflag:s0], s1  }
0xa9: {  	s1 =	ssub.s32 @!p0 $0x0, s1;
	[sflag:s0] =	ssyncset.done @!p0 $0x0  }
0xaa: {  	[sflag:s0] =	ssyncadd.s32 @!p0 s1  }
0xab: {  	[bflag:$0x3] =	sbarrier.arrive $0xFFFF  }
0xac: {  	_ =	shalt  }

// kernel: kernel.19.cloned.1.call-start
scs
__scs_entry_jumppad:
0x0: {  	(pc) =	sbr.rel $0x88, $3  }
0x1: {  	(tag) =	ssettag $0x0;
	lr =	simm.s32 $0x1  }
0x2: {  	[smem:$0x3F97] =	sst lr;
	_ =	strace $0xD0000000  }
0x3: {  	_ = 	snop  }
0x4: {  	_ = 	snop  }
0x5: {  	_ = 	snop  }
0x6: {  	_ = 	snop  }
0x7: {  	_ = 	snop  }
__scs_overlays_trampoline_lowered:
0x8: {  	[smem:$0x3FA6] =	sst s0  }
0x9: {  	[smem:$0x3FA7] =	sst s1  }
0xa: {  	[smem:$0x3FA8] =	sst s2  }
0xb: {  	[smem:$0x3FA9] =	sst s3  }
0xc: {  	[smem:$0x3FAA] =	sst s4  }
0xd: {  	[smem:$0x3FAB] =	sst s5  }
0xe: {  	[smem:$0x3FAC] =	sst s6  }
0xf: {  	[smem:$0x3FAD] =	sst s7  }
0x10: {  	[smem:$0x3FAE] =	sst s8  }
0x11: {  	[smem:$0x3FAF] =	sst s9;
	s0 =	simm.s32 @!p0 $0x0  }
0x12: {  	s1 =	sld [smem:$0x3F95];
	s0 =	simm.s32 @p0 $0x1  }
0x13: {  	[smem:$0x3FB0] =	sst s0;
	s0 =	simm.s32 @!p1 $0x0  }
0x14: {  	s2 =	sld [smem:$0x3F94];
	s0 =	simm.s32 @p1 $0x1  }
0x15: {  	[smem:$0x3FB1] =	sst s0;
	s0 =	simm.s32 @!p2 $0x0  }
0x16: {  	s3 =	sld [smem:$0x3FDB];
	s0 =	simm.s32 @p2 $0x1  }
0x17: {  	s4 =	simm.s32 $0x1BF5;
	[smem:$0x3FB3] =	sst s0  }
0x18: {  	s0 =	sld [smem:$0x3F96];
	_ =	swait.ge [sflag:s4], $0x0  }
0x19: {  	s7 =	sld [smem:$0x3F97]  }
0x1a: {  	s8 =	sadd.s32 $0xFFFFE003, lr  }
0x1b: {  	s9 =	sadd.s32 $0xFFFFFEF7, lr;
	s5 =	simm.s32 $0xFFFFFFFF;
	p2 =	slt.u32 s8, $0xFFFFF086  }
0x1c: {  	p1 =	slt.u32 s9, $0xF7A;
	s5 =	simm.s32 @!p2 $0x0  }
0x1d: {  	s5 =	simm.s32 @p1 $0x1;
	p0 =	seq.s32 s7, s2  }
0x1e: {  	s7 =	smul.u32 @!p0 $0xF7A, s2;
	p2 =	seq.s32 @!p0 s5, $0x0  }
0x1f: {  	s9 =	smul.u32 $0xF7A, s1;
	s8 =	simm.s32 @!p0 $0x1BF5;
	p2 =	por !p2, p0  }
0x20: {  	[sflag:s8] =	ssyncset.s32 @!p0 $0xFFFFF086;
	s6 =	sadd.s32 @!p0 s3, s7;
	s7 =	simm.s32 @!p0 $0x108  }
0x21: {  	s3 =	sadd.s32 s3, s9;
	s6 =	sadd.s32 @!p0 $0x88, s6;
	s7 =	simm.s32 @p2 $0x1082  }
0x22: {  	[simem:s7], [sflag:s8] =	dma.local @!p0 [hbm:s6], $0xF7A  }
0x23: {  	s9 =	sor.u32 $0xD0000000, s2;
	s6 =	simm.s32 $0x108;
	_ =	swait.ge @!p0 [sflag:s8], $0x0  }
0x24: {  	s3 =	sadd.s32 $0x88, s3;
	s6 =	simm.s32 @!p1 $0x1082;
	[sflag:s4] =	ssyncset.s32 $0xFFFFF086  }
0x25: {  	[simem:s6], [sflag:s4] =	dma.local [hbm:s3], $0xF7A  }
0x26: {  	[smem:$0x3F97] =	sst s1;
	(tag) =	ssettag s2;
	_ =	strace s9  }
0x27: {  	s1 =	sld [smem:$0x3FA7]  }
0x28: {  	s2 =	sld [smem:$0x3FA8]  }
0x29: {  	s4 =	sld [smem:$0x3FAA]  }
0x2a: {  	p0 =	seq.s32 s5, $0x0;
	s5 =	sld [smem:$0x3FAB]  }
0x2b: {  	s6 =	sld [smem:$0x3FAC]  }
0x2c: {  	s7 =	sld [smem:$0x3FAD]  }
0x2d: {  	s3 =	simm.s32 $0x108;
	s8 =	sld [smem:$0x3FAE]  }
0x2e: {  	s3 =	simm.s32 @!p0 $0x1082;
	s9 =	sld [smem:$0x3FAF]  }
0x2f: {  	lr =	sadd.s32 s0, s3;
	s0 =	sld [smem:$0x3FA6]  }
0x30: {  	s3 =	sld [smem:$0x3FA9]  }
0x31: {  	[smem:$0x3FB2] =	sst s10  }
0x32: {  	s10 =	sld [smem:$0x3FB0];
	_ =	sdelay $0x3  }
0x33: {  	p0 =	seq.s32 s10, $0x1;
	s10 =	sld [smem:$0x3FB2];
	_ =	sdelay $0x3  }
0x34: {  	[smem:$0x3FB2] =	sst s10  }
0x35: {  	s10 =	sld [smem:$0x3FB1];
	_ =	sdelay $0x3  }
0x36: {  	p1 =	seq.s32 s10, $0x1;
	s10 =	sld [smem:$0x3FB2];
	_ =	sdelay $0x3  }
0x37: {  	[smem:$0x3FB2] =	sst s10  }
0x38: {  	s10 =	sld [smem:$0x3FB3]  }
0x39: {  	_ = 	snop;
	(pc) =	sbr.ind lr, $3  }
0x3a: {  	_ = 	snop  }
0x3b: {  	_ = 	snop  }
0x3c: {  	p2 =	seq.s32 s10, $0x1;
	s10 =	sld [smem:$0x3FB2]  }
0x3d: {  	_ =	shalt  }
0x3e: {  	_ =	shalt  }
0x3f: {  	_ =	shalt  }
0x40: {  	_ =	shalt  }
0x41: {  	_ =	shalt  }
0x42: {  	_ =	shalt  }
0x43: {  	_ =	shalt  }
0x44: {  	_ =	shalt  }
0x45: {  	_ =	shalt  }
0x46: {  	_ =	shalt  }
0x47: {  	_ =	shalt  }
0x48: {  	_ =	shalt  }
0x49: {  	_ =	shalt  }
0x4a: {  	_ =	shalt  }
0x4b: {  	_ =	shalt  }
0x4c: {  	_ =	shalt  }
0x4d: {  	_ =	shalt  }
0x4e: {  	_ =	shalt  }
0x4f: {  	_ =	shalt  }
0x50: {  	_ =	shalt  }
0x51: {  	_ =	shalt  }
0x52: {  	_ =	shalt  }
0x53: {  	_ =	shalt  }
0x54: {  	_ =	shalt  }
0x55: {  	_ =	shalt  }
0x56: {  	_ =	shalt  }
0x57: {  	_ =	shalt  }
0x58: {  	_ =	shalt  }
0x59: {  	_ =	shalt  }
0x5a: {  	_ =	shalt  }
0x5b: {  	_ =	shalt  }
0x5c: {  	_ =	shalt  }
0x5d: {  	_ =	shalt  }
0x5e: {  	_ =	shalt  }
0x5f: {  	_ =	shalt  }
0x60: {  	_ =	shalt  }
0x61: {  	_ =	shalt  }
0x62: {  	_ =	shalt  }
0x63: {  	_ =	shalt  }
0x64: {  	_ =	shalt  }
0x65: {  	_ =	shalt  }
0x66: {  	_ =	shalt  }
0x67: {  	_ =	shalt  }
0x68: {  	_ =	shalt  }
0x69: {  	_ =	shalt  }
0x6a: {  	_ =	shalt  }
0x6b: {  	_ =	shalt  }
0x6c: {  	_ =	shalt  }
0x6d: {  	_ =	shalt  }
0x6e: {  	_ =	shalt  }
0x6f: {  	_ =	shalt  }
0x70: {  	_ =	shalt  }
0x71: {  	_ =	shalt  }
0x72: {  	_ =	shalt  }
0x73: {  	_ =	shalt  }
0x74: {  	_ =	shalt  }
0x75: {  	_ =	shalt  }
0x76: {  	_ =	shalt  }
0x77: {  	_ =	shalt  }
0x78: {  	_ =	shalt  }
0x79: {  	_ =	shalt  }
0x7a: {  	_ =	shalt  }
0x7b: {  	_ =	shalt  }
0x7c: {  	_ =	shalt  }
0x7d: {  	_ =	shalt  }
0x7e: {  	_ =	shalt  }
0x7f: {  	_ =	shalt  }
0x80: {  	_ =	shalt  }
0x81: {  	_ =	shalt  }
0x82: {  	_ =	shalt  }
0x83: {  	_ =	shalt  }
0x84: {  	_ =	shalt  }
0x85: {  	_ =	shalt  }
0x86: {  	_ =	shalt  }
0x87: {  	_ =	shalt  }
.Lfunc_end0:
.L_simem_size_0:
called_computation.3_lowered:
.L_overlay_start_0:
0x88: {  	s2 =	sld [smem:$0x3FD9]  }
0x89: {  	s3 =	sld [smem:$0x3FFE];
	_ =	sdelay $0x1  }
0x8a: {  	s1 =	srdreg.scid  }
0x8b: {  	s0 =	sand.u32 $0x1, s1  }
0x8c: {  	s17 =	sshll.u32 s0, $0xA;
	s2 =	sadd.s32 s3, s2  }
0x8d: {  	s2 =	sadd.s32 s2, s17  }
0x8e: {  	[smem:$0x3FBE] =	sst s2  }
0x8f: {  	_ = 	snop  }
0x90: {  	s2 =	sld [smem:$0x3FD0];
	(tm) =	ssettm $0x1  }
0x91: {  	s18 =	sld [smem:$0x3FFB];
	_ =	sdelay $0x3  }
0x92: {  	_ =	strace s18  }
0x93: {  	s3 =	sld [smem:$0x3FFC];
	_ =	sdelay $0x3  }
0x94: {  	_ =	strace s3  }
0x95: {  	s3 =	sld [smem:$0x3FFD];
	_ =	sdelay $0x3  }
0x96: {  	_ =	strace s3  }
0x97: {  	_ =	strace $0x8FFFFFFF  }
0x98: {  	s19 =	sld [smem:$0x3FDB];
	_ =	sdelay $0x1  }
0x99: {  	s4 =	simm.s32 $_scs_section_size  }
0x9a: {  	s5 =	simm.s32 $_size__tile_overlayer_lowered;
	s6 =	simm.s32 $_tile_overlayer_lowered  }
0x9b: {  	s22 =	simm.s32 $0x1BFF;
	s21 =	sshll.u32 s6, $0x1;
	s3 =	sadd.s32 s4, s19  }
0x9c: {  	s7 =	simm.s32 $0x0;
	s20 =	sshll.u32 s5, $0x1;
	s5 =	sadd.s32 s21, s3  }
0x9d: {  	[timem:s7], [sflag:s22] =	dma.local [hbm:s5], s20  }
0x9e: {  	_ =	swait.ge [sflag:s22], s20  }
0x9f: {  	s4 =	ssub.s32 $0x0, s20;
	[sflag:s22] =	ssyncset.done $0x0  }
0xa0: {  	[sflag:s22] =	ssyncadd.s32 s4;
	_ =	sdelay $0x1  }
0xa1: {  	s23 =	simm.s32 $0x1B8B  }
0xa2: {  	_ =	swait.ge [sflag:s23], $0x1  }
0xa3: {  	[sflag:s23] =	ssyncset.done $0x0  }
0xa4: {  	s25 =	simm.s32 $0x1B8E;
	s24 =	sld [smem:$0x3FFE];
	[sflag:s23] =	ssyncadd.s32 $0xFFFFFFFF  }
0xa5: {  	s26 =	simm.s32 $execute0_lowered;
	[smem:$0x3FD2] =	sst s25  }
0xa6: {  	s5 =	sshll.u32 s26, $0x1;
	_ =	strace $0x8000004F;
	[dreg:$0x1] =	wrdreg $0xFFFFFFFF  }
0xa7: {  	s28 =	simm.s32 $_size_execute0_lowered;
	s3 =	sadd.s32 s3, s5;
	[dreg:$0x0] =	wrdreg $0x0  }
0xa8: {  	s5 =	sshll.u32 s28, $0x1;
	[dreg:$0x2] =	wrdreg s3  }
0xa9: {  	[dreg:$0x3] =	wrdreg s5  }
0xaa: {  	[dreg:$0x4] =	wrdreg $0xC0  }
0xab: {  	_ =	task [dreg:s7], $0x5FFFF  }
0xac: {  	[dreg:$0x1] =	wrdreg $0xFFFFFFFF  }
0xad: {  	[dreg:$0x0] =	wrdreg $0x60  }
0xae: {  	[dreg:$0x2] =	wrdreg s24  }
0xaf: {  	[dreg:$0x3] =	wrdreg s2  }
0xb0: {  	[dreg:$0x4] =	wrdreg $0xB7800  }
0xb1: {  	[dreg:$0x5] =	wrdreg $0x9  }
0xb2: {  	_ =	task.clear_ibuf [dreg:s7], $0x6FFFF;
	_ =	strace $0x9000004F  }
0xb3: {  	s29 =	simm.s32 $0x9;
	_ =	strace $0x80000051  }
0xb4: {  	_ =	swait.ge [sflag:s29], $0x1  }
0xb5: {  	[sflag:s29] =	ssyncadd.s32 $0xFFFFFFFF  }
0xb6: {  	_ =	strace $0x90000051  }
0xb7: {  	_ =	sfence  }
0xb8: {  	s30 =	sld [smem:$0x0];
	_ =	sdelay $0x2  }
0xb9: {  	s31 =	sshll.u32 s1, $0xD;
	s1 =	sshrl.u32 s1, $0x2  }
0xba: {  	s3 =	sand.u32 $0x4000, s31;
	s1 =	sadd.s32 s1, s30  }
0xbb: {  	s0 =	sor.u32 s3, s0;
	s1 =	sshll.u32 s1, $0x11  }
0xbc: {  	s0 =	sor.u32 s1, s0  }
0xbd: {  	s0 =	sadd.s32 $0x8F2B, s0  }
0xbe: {  	[sflag:s0] =	ssyncadd.remote.s32 $0x1  }
0xbf: {  	_ =	sfence.sel $0xFFFF  }
0xc0: {  	[dreg:$0x0] =	wrdreg $0xFFFFFFFF;
	(pc) =	sbr.abs _section_cstart, $3  }
0xc1: {  	[dreg:$0x1] =	wrdreg $0xFFFFFFFF  }
0xc2: {  	_ =	task.clear_ibuf [dreg:s7], $0x2FFFF;
	_ =	strace $0x9FFFFFFF  }
0xc3: {  	(tm) =	ssettm $0x7FFFFFFF  }
tec
execute0_lowered:
.L_overlay_start_1:
0x0: {  	(tag) =	ssettag $0x1  }
0x1: {  	s10 =	rddreg [dreg:$0x0]  }
0x2: {  	s0 =	srdreg.scid;
	s2 =	rddreg [dreg:$0x1]  }
0x3: {  	s4 =	simm.s32 $0x0;
	s21 =	simm.s32 $0x1;
	s22 =	simm.s32 $0x2  }
0x4: {  	s23 =	simm.s32 $0x50;
	s24 =	simm.s32 $0x6780;
	s1 =	sand.u32 $0x1, s0  }
0x5: {  	s28 =	simm.s32 $0x6580;
	s0 =	stileid.u32;
	s7 =	smul.u32 $0x140000, s1  }
0x6: {  	s29 =	simm.s32 $0x0;
	[smem:$0x7FF] =	sst s4;
	s8 =	smul.u32 $0x14000, s0  }
0x7: {  	s3 =	sshll.u32 s1, $0x4;
	s11 =	smul.u32 $0x2800, s0;
	s25 =	ssub.s32 $0x2, s1  }
0x8: {  	p0 =	seq.s32 s1, $0x0;
	p1 =	sne.s32 s0, $0xF;
	p2 =	seq.s32 s0, $0xF  }
0x9: {  	s31 =	smul.u32 $0x50000, s0;
	s5 =	sor.u32 s0, s3;
	s3 =	rddreg [dreg:$0x2]  }
0xa: {  	_ =	strace $0x80000050;
	s30 =	sshrl.u32 s25, $0x1;
	p1 =	por !p0, !p1  }
0xb: {  	p2 =	por !p0, !p2;
	s6 =	smul.u32 $0x4E2, s5;
	s5 =	sshll.u32 s5, $0xB  }
0xc: {  	s7 =	sadd.s32 s8, s7;
	s12 =	sadd.s32 s11, s10;
	s14 =	ssub.s32 s25, s30  }
0xd: {  	p0 =	por !p1, !p1;
	p2 =	por !p2, !p2;
	s18 =	sadd.s32 $0x138800, s3  }
0xe: {  	s11 =	sadd.s32 s2, s11;
	s25 =	simm.s32 $0x8F80;
	s9 =	sadd.s32 s5, s10  }
0xf: {  	s26 =	sshrl.u32 s7, $0x3;
	s7 =	sshrl.u32 s31, $0x2;
	p1 =	por p2, p0  }
0x10: {  	s8 =	sadd.s32 $0x26A00, s12;
	s19 =	sshll.u32 @p0 s0, $0x6;
	s6 =	sadd.s32 s6, s10  }
0x11: {  	s13 =	sadd.s32 s26, s10;
	s7 =	sadd.s32 s7, s3;
	p1 =	seq.s32 @!p1 s1, $0x0  }
0x12: {  	s1 =	sadd.s32 $0x12C000, s3;
	s10 =	sadd.s32 $0x4DB00, s10;
	s19 =	sor.u32 @p0 $0x1C03, s19  }
0x13: {  	s26 =	simm.s32 $0x3;
	s5 =	sadd.s32 $0x2E00, s6;
	s6 =	sadd.s32 $0x16A00, s9  }
0x14: {  	s9 =	sadd.s32 $0x25800, s2;
	p1 =	por @!p0 p1, p2;
	s12 =	sadd.s32 $0x4EA00, s13  }
0x15: {  	s13 =	smax.u32 s14, $0x1;
	p2 =	por !p2, p0;
	p1 =	por p1, p0  }
0x16: {  	s20 =	sshrl.u32 @p0 s7, $0x3;
	s17 =	sshrl.u32 @!p2 s1, $0x3;
	s15 =	sshll.u32 @!p1 s0, $0x6  }
0x17: {  	s18 =	sshrl.u32 @!p2 s18, $0x3;
	s16 =	sshrl.u32 @!p1 s7, $0x3;
	s15 =	sor.u32 @!p1 $0x1C03, s15  }
.LBB2_1:
0x18: {  	[tilespmem:s4], [sflag:$0x1] =	stream.linear.gather [hbm4b:s5+s4], $0x2710, $0x38;
	[tilespmem:$0x1F780] =	vst v63  }
0x19: {  	s0 =	simm.s32 $0x2780;
	s1 =	simm.s32 @!p1 $0x3  }
0x1a: {  	[tilespmem:s0], [sflag:$0x2] =	stream.linear.gather [hbm4b:s6+s4], $0x3E80, $0x38;
	[tilespmem:$0x1F780] =	vst v63  }
0x1b: {  	[spmem:s16], [sflag:s15] =	dma.local @!p1 [hbm:s8], $0x2800  }
0x1c: {  	_ =	swait.ge @!p1 [sflag:s1], $0x2800  }
0x1d: {  	[sflag:s1] =	ssyncset.done @!p1 $0x0  }
0x1e: {  	s30 =	simm.s32 @!p2 $0x3;
	[sflag:s1] =	ssyncadd.s32 @!p1 $0xFFFFD800;
	s1 =	simm.s32 @!p2 $0x1FC3  }
0x1f: {  	[spmem:s17], [sflag:s1] =	dma.local @!p2 [hbm:s9], $0x1900  }
0x20: {  	_ =	swait.ge @!p2 [sflag:s30], $0x1900  }
0x21: {  	[sflag:s30] =	ssyncset.done @!p2 $0x0  }
0x22: {  	[sflag:s30] =	ssyncadd.s32 @!p2 $0xFFFFE700  }
0x23: {  	[spmem:s18], [sflag:s1] =	dma.local @!p2 [hbm:s10], $0xF00  }
0x24: {  	_ =	swait.ge @!p2 [sflag:s30], $0xF00  }
0x25: {  	[sflag:s30] =	ssyncset.done @!p2 $0x0  }
0x26: {  	s1 =	simm.s32 @p0 $0x3;
	[sflag:s30] =	ssyncadd.s32 @!p2 $0xFFFFF100  }
0x27: {  	[spmem:s20], [sflag:s19] =	dma.local @p0 [hbm:s11], $0x2800  }
0x28: {  	_ =	swait.ge @p0 [sflag:s1], $0x2800  }
0x29: {  	[sflag:s1] =	ssyncset.done @p0 $0x0  }
0x2a: {  	[sflag:s1] =	ssyncadd.s32 @p0 $0xFFFFD800  }
0x2b: {  	_ =	swait.ge [sflag:s21], $0x2710  }
0x2c: {  	[sflag:s21] =	ssyncset.done $0x0  }
0x2d: {  	[sflag:s21] =	ssyncadd.s32 $0xFFFFD8F0  }
0x2e: {  	_ =	swait.ge [sflag:s22], $0x3E80  }
0x2f: {  	[sflag:s22] =	ssyncset.done $0x0  }
0x30: {  	[sflag:s22] =	ssyncadd.s32 $0xFFFFC180  }
0x31: {  	[bflag:$0x0] =	sbarrier.arrive $0xFFFF  }
0x32: {  	[tilespmem:s24], [sflag:$0x1] =	stream.indirect.gather [hbm4b:s2+s23], $0x80, s4, s23, $0xb8;
	[tilespmem:$0x1F780] =	vst v63  }
0x33: {  	s0 =	simm.s32 $0x50  }
0x34: {  	[tilespmem:s25], [sflag:$0x2] =	stream.indirect.gather [hbm4b:s2+s23], $0x80, s0, s23, $0xb8;
	[tilespmem:$0x1F780] =	vst v63  }
0x35: {  	_ =	swait.ge [sflag:s21], $0x2800  }
0x36: {  	[sflag:s21] =	ssyncset.done $0x0  }
0x37: {  	s14 =	simm.s32 $0x2780;
	[sflag:s21] =	ssyncadd.s32 $0xFFFFD800  }
0x38: {  	[spmem:s3] =	stream.indirect.scatter.add.f32 [tilespmem:s24], [sflag:$0x3], $0x80, s14, s23, $0xb8;
	[tilespmem:$0x1F780] =	vst v63  }
0x39: {  	_ =	swait.ge [sflag:s26], $0x2800  }
0x3a: {  	[sflag:s26] =	ssyncset.done $0x0  }
0x3b: {  	s0 =	simm.s32 $0xA0;
	[sflag:s26] =	ssyncadd.s32 $0xFFFFD800  }
0x3c: {  	[tilespmem:s24], [sflag:$0x1] =	stream.indirect.gather [hbm4b:s2+s23], $0x80, s0, s23, $0xb8;
	[tilespmem:$0x1F780] =	vst v63  }
0x3d: {  	_ =	swait.ge [sflag:s22], $0x2800  }
0x3e: {  	[sflag:s22] =	ssyncset.done $0x0  }
0x3f: {  	s14 =	simm.s32 $0x2800;
	[sflag:s22] =	ssyncadd.s32 $0xFFFFD800  }
0x40: {  	[spmem:s3] =	stream.indirect.scatter.add.f32 [tilespmem:s25], [sflag:$0x3], $0x80, s14, s23, $0xb8;
	[tilespmem:$0x1F780] =	vst v63  }
0x41: {  	s31 =	simm.s32 $0x400;
	_ =	swait.ge [sflag:s26], $0x2800  }
0x42: {  	s30 =	simm.s32 $0x140;
	s1 =	simm.s32 $0x800;
	[sflag:s26] =	ssyncset.done $0x0  }
.LBB2_2:
0x43: {  	p3 =	sne.s32 s1, $0xF400;
	s0 =	sadd.s32 $0xFFFFFFB0, s30;
	[sflag:s26] =	ssyncadd.s32 $0xFFFFD800  }
0x44: {  	[tilespmem:s25], [sflag:$0x2] =	stream.indirect.gather [hbm4b:s2+s23], $0x80, s0, s23, $0xb8;
	[tilespmem:$0x1F780] =	vst v63  }
0x45: {  	s0 =	smov.u32 s1;
	s1 =	sadd.s32 $0x400, s1;
	_ =	swait.ge [sflag:s21], $0x2800  }
0x46: {  	s14 =	sshra.s32 s31, $0x2;
	s31 =	smov.u32 s0;
	[sflag:s21] =	ssyncset.done $0x0  }
0x47: {  	s0 =	sadd.s32 $0x2780, s14;
	[sflag:s21] =	ssyncadd.s32 $0xFFFFD800  }
0x48: {  	[spmem:s3] =	stream.indirect.scatter.add.f32 [tilespmem:s24], [sflag:$0x3], $0x80, s0, s23, $0xb8;
	[tilespmem:$0x1F780] =	vst v63  }
0x49: {  	_ =	swait.ge [sflag:s26], $0x2800  }
0x4a: {  	[sflag:s26] =	ssyncset.done $0x0  }
0x4b: {  	[sflag:s26] =	ssyncadd.s32 $0xFFFFD800  }
0x4c: {  	[tilespmem:s24], [sflag:$0x1] =	stream.indirect.gather [hbm4b:s2+s23], $0x80, s30, s23, $0xb8;
	[tilespmem:$0x1F780] =	vst v63  }
0x4d: {  	_ =	swait.ge [sflag:s22], $0x2800  }
.Ltmp0:
0x4e: {  	[sflag:s22] =	ssyncset.done $0x0;
	(pc) =	sbr.rel @p3 .LBB2_2-.Ltmp0, $4  }
0x4f: {  	s0 =	sadd.s32 $0x2800, s14;
	[sflag:s22] =	ssyncadd.s32 $0xFFFFD800  }
0x50: {  	[spmem:s3] =	stream.indirect.scatter.add.f32 [tilespmem:s25], [sflag:$0x3], $0x80, s0, s23, $0xb8;
	[tilespmem:$0x1F780] =	vst v63  }
0x51: {  	_ =	swait.ge [sflag:s26], $0x2800  }
0x52: {  	s30 =	sadd.s32 $0xA0, s30;
	[sflag:s26] =	ssyncset.done $0x0  }
0x53: {  	s0 =	sadd.s32 $0xFFFFFFB0, s30;
	[sflag:s26] =	ssyncadd.s32 $0xFFFFD800  }
0x54: {  	[tilespmem:s25], [sflag:$0x2] =	stream.indirect.gather [hbm4b:s2+s23], $0x80, s0, s23, $0xb8;
	[tilespmem:$0x1F780] =	vst v63  }
0x55: {  	_ =	swait.ge [sflag:s21], $0x2800  }
0x56: {  	s14 =	sshra.s32 s31, $0x2;
	[sflag:s21] =	ssyncset.done $0x0  }
0x57: {  	s1 =	sadd.s32 $0x2780, s14;
	[sflag:s21] =	ssyncadd.s32 $0xFFFFD800  }
0x58: {  	[spmem:s3] =	stream.indirect.scatter.add.f32 [tilespmem:s24], [sflag:$0x3], $0x80, s1, s23, $0xb8;
	[tilespmem:$0x1F780] =	vst v63  }
0x59: {  	_ =	swait.ge [sflag:s26], $0x2800  }
0x5a: {  	[sflag:s26] =	ssyncset.done $0x0  }
0x5b: {  	[sflag:s26] =	ssyncadd.s32 $0xFFFFD800  }
0x5c: {  	[tilespmem:s24], [sflag:$0x1] =	stream.indirect.gather [hbm4b:s2+s23], $0x80, s30, s23, $0xb8;
	[tilespmem:$0x1F780] =	vst v63  }
0x5d: {  	_ =	swait.ge [sflag:s22], $0x2800  }
0x5e: {  	[sflag:s22] =	ssyncset.done $0x0  }
0x5f: {  	s0 =	sadd.s32 $0x2800, s14;
	[sflag:s22] =	ssyncadd.s32 $0xFFFFD800  }
0x60: {  	[spmem:s3] =	stream.indirect.scatter.add.f32 [tilespmem:s25], [sflag:$0x3], $0x80, s0, s23, $0xb8;
	[tilespmem:$0x1F780] =	vst v63  }
0x61: {  	_ =	swait.ge [sflag:s26], $0x2800  }
0x62: {  	[sflag:s26] =	ssyncset.done $0x0  }
0x63: {  	[sflag:s26] =	ssyncadd.s32 $0xFFFFD800  }
0x64: {  	_ =	swait.ge [sflag:s21], $0x2800  }
0x65: {  	[sflag:s21] =	ssyncset.done $0x0  }
0x66: {  	[sflag:s21] =	ssyncadd.s32 $0xFFFFD800  }
0x67: {  	[spmem:s3] =	stream.indirect.scatter.add.f32 [tilespmem:s24], [sflag:$0x3], $0x80, s28, s23, $0xb8;
	[tilespmem:$0x1F780] =	vst v63  }
0x68: {  	s31 =	sshrl.u32 s7, $0x3;
	_ =	swait.ge [sflag:s26], $0x2800  }
0x69: {  	s29 =	sadd.s32 $0x1, s29;
	s30 =	stileid.u32;
	[sflag:s26] =	ssyncset.done $0x0  }
0x6a: {  	p3 =	sne.s32 s29, s13;
	s0 =	sshll.u32 s30, $0x6;
	[sflag:s26] =	ssyncadd.s32 $0xFFFFD800  }
.Ltmp1:
0x6b: {  	s0 =	sor.u32 $0x1C03, s0;
	[bflag:$0x0] =	sbarrier.arrive $0xFFFF;
	(pc) =	sbr.rel @p3 .LBB2_1-.Ltmp1, $4  }
0x6c: {  	[hbm:s12], [sflag:s0] =	dma.local [spmem:s31], $0x2800  }
0x6d: {  	_ =	swait.ge [sflag:s26], $0x2800  }
0x6e: {  	[sflag:s26] =	ssyncset.done $0x0  }
0x6f: {  	[sflag:s26] =	ssyncadd.s32 $0xFFFFD800  }
0x70: {  	_ =	sfence.sel $0x180000  }
0x71: {  	[bflag:$0x0] =	sbarrier.arrive $0xFFFF  }
0x72: {  	_ =	strace $0x90000050  }
0x73: {  	s0 =	stileid.u32;
	[bflag:$0x2] =	sbarrier.arrive $0xFFFF  }
0x74: {  	p0 =	sne.s32 s0, $0x0;
	s0 =	rddreg [dreg:$0x3]  }
0x75: {  	s0 =	sadd.s32 @!p0 $0x100000, s0  }
0x76: {  	[sflag:s0] =	ssyncadd.tile.s32 @!p0 $0x1;
	_ =	shalt  }
.Lfunc_end2:
_tile_overlayer_lowered:
.L_overlay_start_2:
0x77: {  	(tag) =	ssettag $0x2  }
0x78: {  	s0 =	rddreg [dreg:$0x0];
	s2 =	stileid.u32  }
0x79: {  	s1 =	rddreg [dreg:$0x1];
	p0 =	sne.s32 s2, $0x0  }
0x7a: {  	s3 =	rddreg [dreg:$0x2];
	[bflag:$0x3] =	sbarrier.arrive $0xFFFF;
	s2 =	simm.s32 @!p0 $0x1C03  }
0x7b: {  	[timem:s3], [sflag:s2] =	dma.local @!p0 [hbm:s0], s1  }
0x7c: {  	s0 =	simm.s32 @!p0 $0x3  }
0x7d: {  	_ =	swait.ge @!p0 [sflag:s0], s1  }
0x7e: {  	s1 =	ssub.s32 @!p0 $0x0, s1;
	[sflag:s0] =	ssyncset.done @!p0 $0x0  }
0x7f: {  	[sflag:s0] =	ssyncadd.s32 @!p0 s1  }
0x80: {  	[bflag:$0x3] =	sbarrier.arrive $0xFFFF  }
0x81: {  	_ =	shalt  }

</sc_bundles>
